<compile_context>
chip_gen: v7x
topology: tpu7x:2x2x1
jax: 0.10.2.dev20260603
libtpu: 0.0.44.dev20260713+nightly
codegen_flags: <defaults>
</compile_context>

<pallas_src>
import functools

import jax
import jax.numpy as jnp
from jax import lax
from jax.experimental import pallas as pl
from jax.experimental.pallas import tpu as pltpu
from jax.experimental.pallas import tpu_sc as plsc

N = 10000
E = 320000
F_IN = 128
H_DIM = 128
C_OUT = 10
K_KEEP = 5000

NPAD = 10240
NC = 2
NS = 16
NW = NC * NS
CH = 128
EPT = 10112
EP = NW * EPT
NCHUNK = EPT // CH
SL = NPAD // NS
DUMMY = N


def _mesh():
    return plsc.VectorSubcoreMesh(core_axis_name="c", subcore_axis_name="s")


@functools.cache
def _get_sc_deg1():
    @functools.partial(
        pl.kernel,
        out_type=jax.ShapeDtypeStruct((NW, NPAD), jnp.float32),
        mesh=_mesh(),
        scratch_types=[
            pltpu.VMEM((EPT,), jnp.int32),
            pltpu.VMEM((NPAD,), jnp.float32),
        ],
        compiler_params=pltpu.CompilerParams(needs_layout_passes=False),
    )
    def _sc_deg1(col_hbm, out_hbm, col_v, hist_v):
        cid = lax.axis_index("c")
        sid = lax.axis_index("s")
        wid = cid * NS + sid

        def zero(i, _):
            hist_v[pl.ds(i * 16, 16)] = jnp.zeros((16,), jnp.float32)
            return 0

        lax.fori_loop(0, NPAD // 16, zero, 0)
        pltpu.sync_copy(col_hbm.at[pl.ds(wid * EPT, EPT)], col_v)
        ones = jnp.full((16,), 1.0, jnp.float32)

        def body(j, _):
            idx = col_v[pl.ds(j * 16, 16)]
            plsc.addupdate_scatter(hist_v, [idx], ones)
            return 0

        lax.fori_loop(0, EPT // 16, body, 0)
        pltpu.sync_copy(hist_v, out_hbm.at[wid])

    return _sc_deg1


@functools.cache
def _get_sc_deg2():
    @functools.partial(
        pl.kernel,
        out_type=jax.ShapeDtypeStruct((NW, NPAD), jnp.float32),
        mesh=_mesh(),
        scratch_types=[
            pltpu.VMEM((EPT,), jnp.int32),
            pltpu.VMEM((EPT,), jnp.int32),
            pltpu.VMEM((NPAD,), jnp.float32),
            pltpu.VMEM((NPAD,), jnp.float32),
        ],
        compiler_params=pltpu.CompilerParams(needs_layout_passes=False),
    )
    def _sc_deg2(row_hbm, col_hbm, keep_hbm, out_hbm,
                 row_v, col_v, keep_v, hist_v):
        cid = lax.axis_index("c")
        sid = lax.axis_index("s")
        wid = cid * NS + sid

        def zero(i, _):
            hist_v[pl.ds(i * 16, 16)] = jnp.zeros((16,), jnp.float32)
            return 0

        lax.fori_loop(0, NPAD // 16, zero, 0)
        pltpu.sync_copy(keep_hbm, keep_v)
        pltpu.sync_copy(row_hbm.at[pl.ds(wid * EPT, EPT)], row_v)
        pltpu.sync_copy(col_hbm.at[pl.ds(wid * EPT, EPT)], col_v)

        def body(j, _):
            r = row_v[pl.ds(j * 16, 16)]
            c = col_v[pl.ds(j * 16, 16)]
            vals = plsc.load_gather(keep_v, [r])
            plsc.addupdate_scatter(hist_v, [c], vals)
            return 0

        lax.fori_loop(0, EPT // 16, body, 0)
        pltpu.sync_copy(hist_v, out_hbm.at[wid])

    return _sc_deg2


@functools.cache
def _get_sc_msg(width):
    ch = 32 if width == H_DIM else CH
    nb = 6 if width == H_DIM else 8
    nchunk = EPT // ch
    nround = (nchunk + nb - 1) // nb

    @functools.partial(
        pl.kernel,
        out_type=jax.ShapeDtypeStruct((NC, NPAD, width), jnp.float32),
        mesh=_mesh(),
        scratch_types=[
            pltpu.VMEM((nchunk, ch), jnp.int32),
            pltpu.VMEM((nchunk, ch), jnp.int32),
            pltpu.VMEM_SHARED((NPAD, width), jnp.float32),
        ] + [pltpu.VMEM((ch, width), jnp.float32)] * nb
          + [pltpu.SemaphoreType.DMA] * (2 * nb),
        compiler_params=pltpu.CompilerParams(use_tc_tiling_on_sc=False),
    )
    def _sc_msg(y_hbm, row_hbm, col_hbm, z_hbm, out_hbm,
                row_v, col_v, acc_s, *bufs_and_sems):
        rows = bufs_and_sems[:nb]
        sem_g = bufs_and_sems[nb:2 * nb]
        sem_s = bufs_and_sems[2 * nb:]
        cid = lax.axis_index("c")
        sid = lax.axis_index("s")
        wid = cid * NS + sid
        pltpu.sync_copy(row_hbm.at[wid], row_v)
        pltpu.sync_copy(col_hbm.at[wid], col_v)
        pltpu.sync_copy(z_hbm, acc_s.at[pl.ds(sid * SL, SL)])
        plsc.subcore_barrier()

        def start_gather(c, b):
            pltpu.async_copy(y_hbm.at[row_v.at[c]], rows[b], sem_g[b])

        def wait_gather(c, b):
            pltpu.make_async_copy(y_hbm.at[row_v.at[c]], rows[b],
                                  sem_g[b]).wait()

        def start_scat(c, b):
            pltpu.async_copy(rows[b], acc_s.at[col_v.at[c]], sem_s[b],
                             add=True)

        def wait_scat(c, b):
            pltpu.make_async_copy(rows[b], acc_s.at[col_v.at[c]],
                                  sem_s[b]).wait()

        def guarded(cond, fn):
            pl.when(cond)(fn)

        for b in range(nb):
            start_gather(b, b)

        def gather_to_scat(c, b):
            wait_gather(c, b)
            start_scat(c, b)

        def scat_to_gather(c2, b):
            wait_scat(c2 - nb, b)
            start_gather(c2, b)

        def round_(r, _):
            for b in range(nb):
                c = r * nb + b
                guarded(c < nchunk, functools.partial(gather_to_scat, c, b))
            for b in range(nb):
                c2 = (r + 1) * nb + b
                guarded(c2 < nchunk, functools.partial(scat_to_gather, c2, b))
            return 0

        lax.fori_loop(0, nround, round_, 0)
        for b in range(nb):
            c = ((nchunk - 1 - b) // nb) * nb + b
            wait_scat(c, b)
        plsc.subcore_barrier()
        pltpu.sync_copy(acc_s.at[pl.ds(sid * SL, SL)],
                        out_hbm.at[cid, pl.ds(sid * SL, SL)])

    return _sc_msg


def _tc1_body(x_ref, t_ref, w_ref, xw_ref):
    xw_ref[...] = lax.dot_general(
        x_ref[...] * t_ref[...], w_ref[...],
        (((1,), (0,)), ((), ())), precision=lax.Precision.HIGHEST)


def _tc2a_body(deg_ref, xw_ref, y_ref, dinv_ref):
    ones = jnp.ones((NW, 1), jnp.float32)
    deg = lax.dot_general(deg_ref[...], ones, (((0,), (0,)), ((), ())),
                          precision=lax.Precision.HIGHEST)
    dinv = lax.rsqrt(deg + 1.0)
    dinv_ref[...] = dinv
    y_ref[...] = dinv * xw_ref[...]


def _tc2_body(a_ref, xw_ref, dinv_ref, b1_ref, p_ref, w2_ref,
              h2w_ref, keep_ref):
    acc = a_ref[0] + a_ref[1]
    dinv = dinv_ref[...]
    h = dinv * acc + (dinv * dinv) * xw_ref[...] + b1_ref[...]
    p = p_ref[...]
    pn = lax.rsqrt(jnp.sum(p * p))
    sraw = lax.dot_general(h, p, (((1,), (0,)), ((), ())),
                           precision=lax.Precision.HIGHEST)
    s = jnp.tanh(sraw * pn)
    ikey = lax.bitcast_convert_type(s, jnp.int32)
    key = jnp.where(ikey < 0, ikey ^ jnp.int32(0x7FFFFFFF), ikey)
    valid = lax.broadcasted_iota(jnp.int32, (NPAD, 1), 0) < N
    kf = jnp.float32(K_KEEP)

    def bis(i, lh):
        lo, hi = lh
        mid = lo + lax.shift_right_arithmetic(hi - lo, 1)
        cnt = jnp.sum(jnp.where(valid & (key >= mid), 1.0, 0.0))
        big = cnt >= kf
        return (jnp.where(big, mid, lo), jnp.where(big, hi, mid))

    lo0 = jnp.int32(-1065353218)
    hi0 = jnp.int32(1065353217)
    lo, hi = lax.fori_loop(0, 34, bis, (lo0, hi0))
    keep = jnp.where(valid & (key >= lo), 1.0, 0.0)
    keep_ref[...] = keep
    hp = jnp.maximum(h * s, 0.0) * keep
    h2w_ref[...] = lax.dot_general(hp, w2_ref[...], (((1,), (0,)), ((), ())),
                                   precision=lax.Precision.HIGHEST)


def _tc3_body(deg_ref, h2w_ref, keep_ref, y2_ref, d2k_ref):
    ones = jnp.ones((NW, 1), jnp.float32)
    deg2 = lax.dot_general(deg_ref[...], ones, (((0,), (0,)), ((), ())),
                           precision=lax.Precision.HIGHEST)
    d2k = keep_ref[...] * lax.rsqrt(deg2 + 1.0)
    d2k_ref[...] = d2k
    y2_ref[...] = d2k * h2w_ref[...]


def _tc4_body(a_ref, h2w_ref, d2k_ref, keep_ref, b2_ref, wl_ref, bl_ref,
              out_ref):
    a2 = a_ref[0] + a_ref[1]
    d2k = d2k_ref[...]
    o = keep_ref[...] * jnp.maximum(
        d2k * a2 + (d2k * d2k) * h2w_ref[...] + b2_ref[...], 0.0)
    ones = jnp.ones((1, NPAD), jnp.float32)
    colsum = lax.dot_general(ones, o, (((1,), (0,)), ((), ())),
                             precision=lax.Precision.HIGHEST)
    mean = colsum * (1.0 / K_KEEP)
    out_ref[...] = lax.dot_general(mean, wl_ref[...], (((1,), (0,)), ((), ())),
                                   precision=lax.Precision.HIGHEST) + bl_ref[...]


def _tc(body, out_shape, *args):
    return pl.pallas_call(body, out_shape=out_shape)(*args)


@jax.jit
def kernel(x, t_x, edge_index, batch, W1, b1, p, W2, b2, Wl, bl):
    f32 = jnp.float32
    x = jnp.pad(x.astype(f32), ((0, NPAD - N), (0, 0)))
    t_x = jnp.pad(t_x.astype(f32), ((0, NPAD - N), (0, 0)))
    ei = edge_index.astype(jnp.int32)
    rowp = jnp.concatenate([ei[0], jnp.zeros((EP - E,), jnp.int32)])
    colp = jnp.concatenate([ei[1], jnp.full((EP - E,), DUMMY, jnp.int32)])
    row3a = rowp.reshape(NW, EPT // 32, 32)
    col3a = colp.reshape(NW, EPT // 32, 32)
    row3b = rowp.reshape(NW, NCHUNK, CH)
    col3b = colp.reshape(NW, NCHUNK, CH)
    b1r = b1.astype(f32).reshape(1, H_DIM)
    pc = p.astype(f32).reshape(H_DIM, 1)
    b2r = b2.astype(f32).reshape(1, 32)
    blr = bl.astype(f32).reshape(1, C_OUT)
    z128 = jnp.zeros((SL, H_DIM), f32)
    z32 = jnp.zeros((SL, 32), f32)

    xw = _tc(_tc1_body, jax.ShapeDtypeStruct((NPAD, H_DIM), f32),
             x, t_x, W1.astype(f32))
    deg1p = _get_sc_deg1()(colp)
    y1, dinv = _tc(_tc2a_body,
                   (jax.ShapeDtypeStruct((NPAD, H_DIM), f32),
                    jax.ShapeDtypeStruct((NPAD, 1), f32)),
                   deg1p, xw)
    acc1p = _get_sc_msg(H_DIM)(y1, row3a, col3a, z128)
    h2w, keep = _tc(_tc2_body,
                    (jax.ShapeDtypeStruct((NPAD, 32), f32),
                     jax.ShapeDtypeStruct((NPAD, 1), f32)),
                    acc1p, xw, dinv, b1r, pc, W2.astype(f32))
    deg2p = _get_sc_deg2()(rowp, colp, keep.reshape(NPAD))
    y2, d2k = _tc(_tc3_body,
                  (jax.ShapeDtypeStruct((NPAD, 32), f32),
                   jax.ShapeDtypeStruct((NPAD, 1), f32)),
                  deg2p, h2w, keep)
    acc2p = _get_sc_msg(32)(y2, row3b, col3b, z32)
    out = _tc(_tc4_body, jax.ShapeDtypeStruct((1, C_OUT), f32),
              acc2p, h2w, d2k, keep, b2r, Wl.astype(f32), blr)
    return out

# --- scband reference (transcript-rebuilt; emitter-appended) ---
"""Pipeline reference for scband-gnn-parameterization-24567212933210 (READ-ONLY COPY).

The authoritative reference and input builder live on the scoring server;
editing this copy changes nothing except your own understanding.
"""

import jax, jax.numpy as jnp
import numpy as np

N = 10000
E = 320000
F_IN = 128
H = 128
C = 10
RATIO = 0.5


def setup_inputs(seed: int = 0) -> dict:
    key = jax.random.key(seed)
    ks = jax.random.split(key, 10)
    x = jax.random.normal(ks[0], (N, F_IN), dtype=jnp.float32)
    t_x = jax.random.normal(ks[1], (N, F_IN), dtype=jnp.float32)
    edge_index = jax.random.randint(ks[2], (2, E), 0, N, dtype=jnp.int32)
    batch = jnp.zeros((N,), dtype=jnp.int32)
    W1 = jax.random.normal(ks[3], (F_IN, H), dtype=jnp.float32) / np.sqrt(F_IN)
    b1 = jnp.zeros((H,), dtype=jnp.float32)
    p = jax.random.normal(ks[4], (H,), dtype=jnp.float32)
    W2 = jax.random.normal(ks[5], (H, 32), dtype=jnp.float32) / np.sqrt(H)
    b2 = jnp.zeros((32,), dtype=jnp.float32)
    Wl = jax.random.normal(ks[6], (32, C), dtype=jnp.float32) / np.sqrt(32.0)
    bl = jnp.zeros((C,), dtype=jnp.float32)
    return {"x": x, "t_x": t_x, "edge_index": edge_index, "batch": batch,
            "W1": W1, "b1": b1, "p": p, "W2": W2, "b2": b2, "Wl": Wl, "bl": bl}


def gcn_conv(x, edge_index, W, b):
    # PyG GCNConv: x@W, add self-loops, symmetric normalization, scatter-add, +bias
    n = x.shape[0]
    xw = x @ W
    sl = jnp.arange(n, dtype=edge_index.dtype)
    row = jnp.concatenate([edge_index[0], sl])
    col = jnp.concatenate([edge_index[1], sl])
    deg = jnp.zeros((n,), xw.dtype).at[col].add(1.0)
    dinv = jnp.where(deg > 0, 1.0 / jnp.sqrt(deg), 0.0)
    norm = dinv[row] * dinv[col]
    out = jnp.zeros_like(xw).at[col].add(norm[:, None] * xw[row])
    return out + b


def topk_pool(x, edge_index, batch, p, ratio):
    # PyG TopKPooling with single graph (batch all zeros): score = tanh(x@p/||p||)
    n = x.shape[0]
    score = jnp.tanh((x @ p) / jnp.linalg.norm(p))
    k = int(np.ceil(ratio * n))
    vals, perm = jax.lax.top_k(score, k)
    x_out = x[perm] * vals[:, None]
    node_map = jnp.full((n,), -1, dtype=jnp.int32).at[perm].set(jnp.arange(k, dtype=jnp.int32))
    m0 = node_map[edge_index[0]]
    m1 = node_map[edge_index[1]]
    keep = (m0 >= 0) & (m1 >= 0)
    ei_out = jnp.stack([jnp.where(keep, m0, k), jnp.where(keep, m1, k)])
    batch_out = batch[perm]
    return x_out, ei_out, batch_out


def reference(x, t_x, edge_index, batch, W1, b1, p, W2, b2, Wl, bl):
    edge_index = edge_index.astype(jnp.int32)
    h = x * t_x                                   # Multiply lambda layer
    h = gcn_conv(h, edge_index, W1, b1)           # conv1
    h, ei, b_out = topk_pool(h, edge_index, batch.astype(jnp.int32), p, RATIO)  # topK_pool
    h = jax.nn.relu(h)
    h = gcn_conv(h, ei, W2, b2)                   # conv2
    h = jax.nn.relu(h)
    # global_mean_pool over batch (single graph -> [1, 32])
    sums = jnp.zeros((1, h.shape[1]), h.dtype).at[b_out].add(h)
    cnt = jnp.zeros((1,), h.dtype).at[b_out].add(1.0)
    out = sums / cnt[:, None]
    # dropout p=0.2 is identity in eval mode
    out = out @ Wl + bl
    return out

if __name__ == "__main__":
    import jax
    _d = setup_inputs()
    print(jax.jit(kernel)(*tuple(_d.values())))

</pallas_src>

<mosaic_0001>
#map = affine_map<(d0, d1) -> (0)>
#map1 = affine_map<(d0, d1) -> (0, 0)>
module attributes {stable_mosaic.version = 14 : i64} {
  func.func @_sc_deg2(%arg0: i32, %arg1: i32, %arg2: memref<323584xi32, #tpu.memory_space<hbm>>, %arg3: memref<323584xi32, #tpu.memory_space<hbm>>, %arg4: memref<10240xf32, #tpu.memory_space<hbm>>, %arg5: memref<32x10240xf32, #tpu.memory_space<hbm>>, %arg6: memref<10112xi32, #tpu.memory_space<vmem>>, %arg7: memref<10112xi32, #tpu.memory_space<vmem>>, %arg8: memref<10240xf32, #tpu.memory_space<vmem>>, %arg9: memref<10240xf32, #tpu.memory_space<vmem>>) attributes {dimension_semantics = [#tpu.dimension_semantics<core_parallel>, #tpu.dimension_semantics<subcore_parallel>], iteration_bounds = array<i64: 2, 16>, scalar_prefetch = 0 : i64, scratch_operands = 4 : i64, tpu.core_type = #tpu.core_type<sc_vector_subcore>, window_params = [{transform_indices = #map}, {transform_indices = #map}, {transform_indices = #map}, {transform_indices = #map1}]} {
    %mul3A = arith.constant 16 : i32
    %mul3A_0 = arith.muli %arg0, %mul3A : i32
    %add3A = arith.addi %mul3A_0, %arg1 : i32
    %scan3A = arith.constant 0 : i32
    %scan3A_1 = arith.constant 0 : i32
    %scan3A_2 = arith.constant 640 : i32
    %scan3A_3 = arith.addi %scan3A_1, %scan3A_2 : i32
    %scan3A_4 = arith.constant 1 : i32
    %scan3A_5 = scf.for %scan3A_18 = %scan3A_1 to %scan3A_3 step %scan3A_4 iter_args(%scan3A_19 = %scan3A) -> (i32)  : i32 {
      %broadcast_in_dim3A = arith.constant 0.000000e+00 : f32
      %broadcast_in_dim3A_20 = vector.broadcast %broadcast_in_dim3A : f32 to vector<16xf32>
      %mul3A_21 = arith.constant 16 : i32
      %mul3A_22 = arith.muli %scan3A_18, %mul3A_21 : i32
      %swap3A = arith.index_cast %mul3A_22 : i32 to index
      %swap3A_23 = tpu.vector_load %arg9[%swap3A] {strides = array<i32>} : memref<10240xf32, #tpu.memory_space<vmem>>, vector<16xf32>,
      tpu.vector_store %arg9[%swap3A], %broadcast_in_dim3A_20 {strides = array<i32>} : memref<10240xf32, #tpu.memory_space<vmem>>, vector<16xf32>,
      %scan3A_24 = arith.constant 0 : i32
      scf.yield %scan3A_24 : i32
    }
    %scan3A_6 = arith.constant 640 : i32
    "tpu.region"() ({
      %run_scoped3A = tpu.sem_alloc : memref<!tpu.dma_semaphore, #tpu.memory_space<semaphore_mem>>
      tpu.enqueue_dma source(%arg4 : memref<10240xf32, #tpu.memory_space<hbm>>) target(%arg8 : memref<10240xf32, #tpu.memory_space<vmem>>) target_semaphore(%run_scoped3A : memref<!tpu.dma_semaphore, #tpu.memory_space<semaphore_mem>>)
      tpu.wait_dma2 semaphore(%run_scoped3A : memref<!tpu.dma_semaphore, #tpu.memory_space<semaphore_mem>>) src(%arg4 : memref<10240xf32, #tpu.memory_space<hbm>>) dst(%arg8 : memref<10240xf32, #tpu.memory_space<vmem>>)
      tpu.yield
    }) : () -> ()
    %mul3A_7 = arith.constant 10112 : i32
    %mul3A_8 = arith.muli %add3A, %mul3A_7 : i32
    "tpu.region"() ({
      %run_scoped3A = tpu.sem_alloc : memref<!tpu.dma_semaphore, #tpu.memory_space<semaphore_mem>>
      %dma_start3A = tpu.memref_slice %arg2[%mul3A_8] : memref<323584xi32, #tpu.memory_space<hbm>> -> memref<10112xi32, #tpu.memory_space<hbm>>
      %dma_start3A_18 = tpu.memref_slice %arg2[%mul3A_8] : memref<323584xi32, #tpu.memory_space<hbm>> -> memref<10112xi32, #tpu.memory_space<hbm>>
      tpu.enqueue_dma source(%dma_start3A_18 : memref<10112xi32, #tpu.memory_space<hbm>>) target(%arg6 : memref<10112xi32, #tpu.memory_space<vmem>>) target_semaphore(%run_scoped3A : memref<!tpu.dma_semaphore, #tpu.memory_space<semaphore_mem>>)
      %dma_wait3A = tpu.memref_slice %arg2[%mul3A_8] : memref<323584xi32, #tpu.memory_space<hbm>> -> memref<10112xi32, #tpu.memory_space<hbm>>
      %dma_wait3A_19 = tpu.memref_slice %arg2[%mul3A_8] : memref<323584xi32, #tpu.memory_space<hbm>> -> memref<10112xi32, #tpu.memory_space<hbm>>
      tpu.wait_dma2 semaphore(%run_scoped3A : memref<!tpu.dma_semaphore, #tpu.memory_space<semaphore_mem>>) src(%dma_wait3A_19 : memref<10112xi32, #tpu.memory_space<hbm>>) dst(%arg6 : memref<10112xi32, #tpu.memory_space<vmem>>)
      tpu.yield
    }) : () -> ()
    %mul3A_9 = arith.constant 10112 : i32
    %mul3A_10 = arith.muli %add3A, %mul3A_9 : i32
    "tpu.region"() ({
      %run_scoped3A = tpu.sem_alloc : memref<!tpu.dma_semaphore, #tpu.memory_space<semaphore_mem>>
      %dma_start3A = tpu.memref_slice %arg3[%mul3A_10] : memref<323584xi32, #tpu.memory_space<hbm>> -> memref<10112xi32, #tpu.memory_space<hbm>>
      %dma_start3A_18 = tpu.memref_slice %arg3[%mul3A_10] : memref<323584xi32, #tpu.memory_space<hbm>> -> memref<10112xi32, #tpu.memory_space<hbm>>
      tpu.enqueue_dma source(%dma_start3A_18 : memref<10112xi32, #tpu.memory_space<hbm>>) target(%arg7 : memref<10112xi32, #tpu.memory_space<vmem>>) target_semaphore(%run_scoped3A : memref<!tpu.dma_semaphore, #tpu.memory_space<semaphore_mem>>)
      %dma_wait3A = tpu.memref_slice %arg3[%mul3A_10] : memref<323584xi32, #tpu.memory_space<hbm>> -> memref<10112xi32, #tpu.memory_space<hbm>>
      %dma_wait3A_19 = tpu.memref_slice %arg3[%mul3A_10] : memref<323584xi32, #tpu.memory_space<hbm>> -> memref<10112xi32, #tpu.memory_space<hbm>>
      tpu.wait_dma2 semaphore(%run_scoped3A : memref<!tpu.dma_semaphore, #tpu.memory_space<semaphore_mem>>) src(%dma_wait3A_19 : memref<10112xi32, #tpu.memory_space<hbm>>) dst(%arg7 : memref<10112xi32, #tpu.memory_space<vmem>>)
      tpu.yield
    }) : () -> ()
    %scan3A_11 = arith.constant 0 : i32
    %scan3A_12 = arith.constant 0 : i32
    %scan3A_13 = arith.constant 632 : i32
    %scan3A_14 = arith.addi %scan3A_12, %scan3A_13 : i32
    %scan3A_15 = arith.constant 1 : i32
    %scan3A_16 = scf.for %scan3A_18 = %scan3A_12 to %scan3A_14 step %scan3A_15 iter_args(%scan3A_19 = %scan3A_11) -> (i32)  : i32 {
      %mul3A_20 = arith.constant 16 : i32
      %mul3A_21 = arith.muli %scan3A_18, %mul3A_20 : i32
      %get3A = arith.index_cast %mul3A_21 : i32 to index
      %get3A_22 = tpu.vector_load %arg6[%get3A] {strides = array<i32>} : memref<10112xi32, #tpu.memory_space<vmem>>, vector<16xi32>,
      %mul3A_23 = arith.constant 16 : i32
      %mul3A_24 = arith.muli %scan3A_18, %mul3A_23 : i32
      %get3A_25 = arith.index_cast %mul3A_24 : i32 to index
      %get3A_26 = tpu.vector_load %arg7[%get3A_25] {strides = array<i32>} : memref<10112xi32, #tpu.memory_space<vmem>>, vector<16xi32>,
      %gather3A = tpu.vector_load_idx %arg8[%get3A_22] : memref<10240xf32, #tpu.memory_space<vmem>>[vector<16xi32>], vector<16xf32>,
      tpu.vector_store_idx %arg9[%get3A_26], %gather3A {add = true} : memref<10240xf32, #tpu.memory_space<vmem>>[vector<16xi32>], vector<16xf32>,
      %scan3A_27 = arith.constant 0 : i32
      scf.yield %scan3A_27 : i32
    }
    %scan3A_17 = arith.constant 632 : i32
    "tpu.region"() ({
      %run_scoped3A = tpu.sem_alloc : memref<!tpu.dma_semaphore, #tpu.memory_space<semaphore_mem>>
      %dma_start3A = arith.constant 0 : i32
      %dma_start3A_18 = tpu.memref_slice %arg5[%add3A, %dma_start3A] : memref<32x10240xf32, #tpu.memory_space<hbm>> -> memref<1x10240xf32, #tpu.memory_space<hbm>>
      %dma_start3A_19 = tpu.memref_squeeze %dma_start3A_18 : memref<1x10240xf32, #tpu.memory_space<hbm>> -> memref<10240xf32, #tpu.memory_space<hbm>>
      %dma_start3A_20 = arith.constant 0 : i32
      %dma_start3A_21 = tpu.memref_slice %arg5[%add3A, %dma_start3A_20] : memref<32x10240xf32, #tpu.memory_space<hbm>> -> memref<1x10240xf32, #tpu.memory_space<hbm>>
      %dma_start3A_22 = tpu.memref_squeeze %dma_start3A_21 : memref<1x10240xf32, #tpu.memory_space<hbm>> -> memref<10240xf32, #tpu.memory_space<hbm>>
      tpu.enqueue_dma source(%arg9 : memref<10240xf32, #tpu.memory_space<vmem>>) target(%dma_start3A_22 : memref<10240xf32, #tpu.memory_space<hbm>>) target_semaphore(%run_scoped3A : memref<!tpu.dma_semaphore, #tpu.memory_space<semaphore_mem>>)
      %dma_wait3A = arith.constant 0 : i32
      %dma_wait3A_23 = tpu.memref_slice %arg5[%add3A, %dma_wait3A] : memref<32x10240xf32, #tpu.memory_space<hbm>> -> memref<1x10240xf32, #tpu.memory_space<hbm>>
      %dma_wait3A_24 = tpu.memref_squeeze %dma_wait3A_23 : memref<1x10240xf32, #tpu.memory_space<hbm>> -> memref<10240xf32, #tpu.memory_space<hbm>>
      %dma_wait3A_25 = arith.constant 0 : i32
      %dma_wait3A_26 = tpu.memref_slice %arg5[%add3A, %dma_wait3A_25] : memref<32x10240xf32, #tpu.memory_space<hbm>> -> memref<1x10240xf32, #tpu.memory_space<hbm>>
      %dma_wait3A_27 = tpu.memref_squeeze %dma_wait3A_26 : memref<1x10240xf32, #tpu.memory_space<hbm>> -> memref<10240xf32, #tpu.memory_space<hbm>>
      tpu.wait_dma2 semaphore(%run_scoped3A : memref<!tpu.dma_semaphore, #tpu.memory_space<semaphore_mem>>) src(%arg9 : memref<10240xf32, #tpu.memory_space<vmem>>) dst(%dma_wait3A_27 : memref<10240xf32, #tpu.memory_space<hbm>>)
      tpu.yield
    }) : () -> ()
    return
  }
}

#map = affine_map<(d0, d1) -> (0)>
#map1 = affine_map<(d0, d1) -> (0, 0)>
module attributes {stable_mosaic.version = 14 : i64} {
  func.func @_sc_deg1(%arg0: i32, %arg1: i32, %arg2: memref<323584xi32, #tpu.memory_space<hbm>>, %arg3: memref<32x10240xf32, #tpu.memory_space<hbm>>, %arg4: memref<10112xi32, #tpu.memory_space<vmem>>, %arg5: memref<10240xf32, #tpu.memory_space<vmem>>) attributes {dimension_semantics = [#tpu.dimension_semantics<core_parallel>, #tpu.dimension_semantics<subcore_parallel>], iteration_bounds = array<i64: 2, 16>, scalar_prefetch = 0 : i64, scratch_operands = 2 : i64, tpu.core_type = #tpu.core_type<sc_vector_subcore>, window_params = [{transform_indices = #map}, {transform_indices = #map1}]} {
    %mul3A = arith.constant 16 : i32
    %mul3A_0 = arith.muli %arg0, %mul3A : i32
    %add3A = arith.addi %mul3A_0, %arg1 : i32
    %scan3A = arith.constant 0 : i32
    %scan3A_1 = arith.constant 0 : i32
    %scan3A_2 = arith.constant 640 : i32
    %scan3A_3 = arith.addi %scan3A_1, %scan3A_2 : i32
    %scan3A_4 = arith.constant 1 : i32
    %scan3A_5 = scf.for %scan3A_17 = %scan3A_1 to %scan3A_3 step %scan3A_4 iter_args(%scan3A_18 = %scan3A) -> (i32)  : i32 {
      %broadcast_in_dim3A_19 = arith.constant 0.000000e+00 : f32
      %broadcast_in_dim3A_20 = vector.broadcast %broadcast_in_dim3A_19 : f32 to vector<16xf32>
      %mul3A_21 = arith.constant 16 : i32
      %mul3A_22 = arith.muli %scan3A_17, %mul3A_21 : i32
      %swap3A = arith.index_cast %mul3A_22 : i32 to index
      %swap3A_23 = tpu.vector_load %arg5[%swap3A] {strides = array<i32>} : memref<10240xf32, #tpu.memory_space<vmem>>, vector<16xf32>,
      tpu.vector_store %arg5[%swap3A], %broadcast_in_dim3A_20 {strides = array<i32>} : memref<10240xf32, #tpu.memory_space<vmem>>, vector<16xf32>,
      %scan3A_24 = arith.constant 0 : i32
      scf.yield %scan3A_24 : i32
    }
    %scan3A_6 = arith.constant 640 : i32
    %mul3A_7 = arith.constant 10112 : i32
    %mul3A_8 = arith.muli %add3A, %mul3A_7 : i32
    "tpu.region"() ({
      %run_scoped3A = tpu.sem_alloc : memref<!tpu.dma_semaphore, #tpu.memory_space<semaphore_mem>>
      %dma_start3A = tpu.memref_slice %arg2[%mul3A_8] : memref<323584xi32, #tpu.memory_space<hbm>> -> memref<10112xi32, #tpu.memory_space<hbm>>
      %dma_start3A_17 = tpu.memref_slice %arg2[%mul3A_8] : memref<323584xi32, #tpu.memory_space<hbm>> -> memref<10112xi32, #tpu.memory_space<hbm>>
      tpu.enqueue_dma source(%dma_start3A_17 : memref<10112xi32, #tpu.memory_space<hbm>>) target(%arg4 : memref<10112xi32, #tpu.memory_space<vmem>>) target_semaphore(%run_scoped3A : memref<!tpu.dma_semaphore, #tpu.memory_space<semaphore_mem>>)
      %dma_wait3A = tpu.memref_slice %arg2[%mul3A_8] : memref<323584xi32, #tpu.memory_space<hbm>> -> memref<10112xi32, #tpu.memory_space<hbm>>
      %dma_wait3A_18 = tpu.memref_slice %arg2[%mul3A_8] : memref<323584xi32, #tpu.memory_space<hbm>> -> memref<10112xi32, #tpu.memory_space<hbm>>
      tpu.wait_dma2 semaphore(%run_scoped3A : memref<!tpu.dma_semaphore, #tpu.memory_space<semaphore_mem>>) src(%dma_wait3A_18 : memref<10112xi32, #tpu.memory_space<hbm>>) dst(%arg4 : memref<10112xi32, #tpu.memory_space<vmem>>)
      tpu.yield
    }) : () -> ()
    %broadcast_in_dim3A = arith.constant 1.000000e+00 : f32
    %broadcast_in_dim3A_9 = vector.broadcast %broadcast_in_dim3A : f32 to vector<16xf32>
    %scan3A_10 = arith.constant 0 : i32
    %scan3A_11 = arith.constant 0 : i32
    %scan3A_12 = arith.constant 632 : i32
    %scan3A_13 = arith.addi %scan3A_11, %scan3A_12 : i32
    %scan3A_14 = arith.constant 1 : i32
    %scan3A_15 = scf.for %scan3A_17 = %scan3A_11 to %scan3A_13 step %scan3A_14 iter_args(%scan3A_18 = %scan3A_10) -> (i32)  : i32 {
      %mul3A_19 = arith.constant 16 : i32
      %mul3A_20 = arith.muli %scan3A_17, %mul3A_19 : i32
      %get3A = arith.index_cast %mul3A_20 : i32 to index
      %get3A_21 = tpu.vector_load %arg4[%get3A] {strides = array<i32>} : memref<10112xi32, #tpu.memory_space<vmem>>, vector<16xi32>,
      tpu.vector_store_idx %arg5[%get3A_21], %broadcast_in_dim3A_9 {add = true} : memref<10240xf32, #tpu.memory_space<vmem>>[vector<16xi32>], vector<16xf32>,
      %scan3A_22 = arith.constant 0 : i32
      scf.yield %scan3A_22 : i32
    }
    %scan3A_16 = arith.constant 632 : i32
    "tpu.region"() ({
      %run_scoped3A = tpu.sem_alloc : memref<!tpu.dma_semaphore, #tpu.memory_space<semaphore_mem>>
      %dma_start3A = arith.constant 0 : i32
      %dma_start3A_17 = tpu.memref_slice %arg3[%add3A, %dma_start3A] : memref<32x10240xf32, #tpu.memory_space<hbm>> -> memref<1x10240xf32, #tpu.memory_space<hbm>>
      %dma_start3A_18 = tpu.memref_squeeze %dma_start3A_17 : memref<1x10240xf32, #tpu.memory_space<hbm>> -> memref<10240xf32, #tpu.memory_space<hbm>>
      %dma_start3A_19 = arith.constant 0 : i32
      %dma_start3A_20 = tpu.memref_slice %arg3[%add3A, %dma_start3A_19] : memref<32x10240xf32, #tpu.memory_space<hbm>> -> memref<1x10240xf32, #tpu.memory_space<hbm>>
      %dma_start3A_21 = tpu.memref_squeeze %dma_start3A_20 : memref<1x10240xf32, #tpu.memory_space<hbm>> -> memref<10240xf32, #tpu.memory_space<hbm>>
      tpu.enqueue_dma source(%arg5 : memref<10240xf32, #tpu.memory_space<vmem>>) target(%dma_start3A_21 : memref<10240xf32, #tpu.memory_space<hbm>>) target_semaphore(%run_scoped3A : memref<!tpu.dma_semaphore, #tpu.memory_space<semaphore_mem>>)
      %dma_wait3A = arith.constant 0 : i32
      %dma_wait3A_22 = tpu.memref_slice %arg3[%add3A, %dma_wait3A] : memref<32x10240xf32, #tpu.memory_space<hbm>> -> memref<1x10240xf32, #tpu.memory_space<hbm>>
      %dma_wait3A_23 = tpu.memref_squeeze %dma_wait3A_22 : memref<1x10240xf32, #tpu.memory_space<hbm>> -> memref<10240xf32, #tpu.memory_space<hbm>>
      %dma_wait3A_24 = arith.constant 0 : i32
      %dma_wait3A_25 = tpu.memref_slice %arg3[%add3A, %dma_wait3A_24] : memref<32x10240xf32, #tpu.memory_space<hbm>> -> memref<1x10240xf32, #tpu.memory_space<hbm>>
      %dma_wait3A_26 = tpu.memref_squeeze %dma_wait3A_25 : memref<1x10240xf32, #tpu.memory_space<hbm>> -> memref<10240xf32, #tpu.memory_space<hbm>>
      tpu.wait_dma2 semaphore(%run_scoped3A : memref<!tpu.dma_semaphore, #tpu.memory_space<semaphore_mem>>) src(%arg5 : memref<10240xf32, #tpu.memory_space<vmem>>) dst(%dma_wait3A_26 : memref<10240xf32, #tpu.memory_space<hbm>>)
      tpu.yield
    }) : () -> ()
    return
  }
}

#map = affine_map<(d0, d1) -> (0, 0)>
#map1 = affine_map<(d0, d1) -> (0, 0, 0)>
module attributes {stable_mosaic.version = 14 : i64} {
  func.func @_sc_msg(%arg0: i32, %arg1: i32, %arg2: memref<10240x128xf32, #tpu.memory_space<hbm>>, %arg3: memref<32x316x32xi32, #tpu.memory_space<hbm>>, %arg4: memref<32x316x32xi32, #tpu.memory_space<hbm>>, %arg5: memref<640x128xf32, #tpu.memory_space<hbm>>, %arg6: memref<2x10240x128xf32, #tpu.memory_space<hbm>>, %arg7: memref<316x32xi32, #tpu.memory_space<vmem>>, %arg8: memref<316x32xi32, #tpu.memory_space<vmem>>, %arg9: memref<10240x128xf32, #tpu.memory_space<vmem_shared>>, %arg10: memref<32x128xf32, #tpu.memory_space<vmem>>, %arg11: memref<32x128xf32, #tpu.memory_space<vmem>>, %arg12: memref<32x128xf32, #tpu.memory_space<vmem>>, %arg13: memref<32x128xf32, #tpu.memory_space<vmem>>, %arg14: memref<32x128xf32, #tpu.memory_space<vmem>>, %arg15: memref<32x128xf32, #tpu.memory_space<vmem>>, %arg16: memref<!tpu.dma_semaphore, #tpu.memory_space<semaphore_mem>>, %arg17: memref<!tpu.dma_semaphore, #tpu.memory_space<semaphore_mem>>, %arg18: memref<!tpu.dma_semaphore, #tpu.memory_space<semaphore_mem>>, %arg19: memref<!tpu.dma_semaphore, #tpu.memory_space<semaphore_mem>>, %arg20: memref<!tpu.dma_semaphore, #tpu.memory_space<semaphore_mem>>, %arg21: memref<!tpu.dma_semaphore, #tpu.memory_space<semaphore_mem>>, %arg22: memref<!tpu.dma_semaphore, #tpu.memory_space<semaphore_mem>>, %arg23: memref<!tpu.dma_semaphore, #tpu.memory_space<semaphore_mem>>, %arg24: memref<!tpu.dma_semaphore, #tpu.memory_space<semaphore_mem>>, %arg25: memref<!tpu.dma_semaphore, #tpu.memory_space<semaphore_mem>>, %arg26: memref<!tpu.dma_semaphore, #tpu.memory_space<semaphore_mem>>, %arg27: memref<!tpu.dma_semaphore, #tpu.memory_space<semaphore_mem>>) attributes {dimension_semantics = [#tpu.dimension_semantics<core_parallel>, #tpu.dimension_semantics<subcore_parallel>], iteration_bounds = array<i64: 2, 16>, scalar_prefetch = 0 : i64, scratch_operands = 21 : i64, tpu.core_type = #tpu.core_type<sc_vector_subcore>, window_params = [{transform_indices = #map}, {transform_indices = #map1}, {transform_indices = #map1}, {transform_indices = #map}, {transform_indices = #map1}]} {
    %mul3A = arith.constant 16 : i32
    %mul3A_0 = arith.muli %arg0, %mul3A : i32
    %add3A = arith.addi %mul3A_0, %arg1 : i32
    "tpu.region"() ({
      %run_scoped3A = tpu.sem_alloc : memref<!tpu.dma_semaphore, #tpu.memory_space<semaphore_mem>>
      %dma_start3A_96 = arith.constant 0 : i32
      %dma_start3A_97 = arith.constant 0 : i32
      %dma_start3A_98 = tpu.memref_slice %arg3[%add3A, %dma_start3A_96, %dma_start3A_97] : memref<32x316x32xi32, #tpu.memory_space<hbm>> -> memref<1x316x32xi32, #tpu.memory_space<hbm>>
      %dma_start3A_99 = tpu.memref_squeeze %dma_start3A_98 : memref<1x316x32xi32, #tpu.memory_space<hbm>> -> memref<316x32xi32, #tpu.memory_space<hbm>>
      %dma_start3A_100 = arith.constant 0 : i32
      %dma_start3A_101 = arith.constant 0 : i32
      %dma_start3A_102 = tpu.memref_slice %arg3[%add3A, %dma_start3A_100, %dma_start3A_101] : memref<32x316x32xi32, #tpu.memory_space<hbm>> -> memref<1x316x32xi32, #tpu.memory_space<hbm>>
      %dma_start3A_103 = tpu.memref_squeeze %dma_start3A_102 : memref<1x316x32xi32, #tpu.memory_space<hbm>> -> memref<316x32xi32, #tpu.memory_space<hbm>>
      tpu.enqueue_dma source(%dma_start3A_103 : memref<316x32xi32, #tpu.memory_space<hbm>>) target(%arg7 : memref<316x32xi32, #tpu.memory_space<vmem>>) target_semaphore(%run_scoped3A : memref<!tpu.dma_semaphore, #tpu.memory_space<semaphore_mem>>)
      %dma_wait3A_104 = arith.constant 0 : i32
      %dma_wait3A_105 = arith.constant 0 : i32
      %dma_wait3A_106 = tpu.memref_slice %arg3[%add3A, %dma_wait3A_104, %dma_wait3A_105] : memref<32x316x32xi32, #tpu.memory_space<hbm>> -> memref<1x316x32xi32, #tpu.memory_space<hbm>>
      %dma_wait3A_107 = tpu.memref_squeeze %dma_wait3A_106 : memref<1x316x32xi32, #tpu.memory_space<hbm>> -> memref<316x32xi32, #tpu.memory_space<hbm>>
      %dma_wait3A_108 = arith.constant 0 : i32
      %dma_wait3A_109 = arith.constant 0 : i32
      %dma_wait3A_110 = tpu.memref_slice %arg3[%add3A, %dma_wait3A_108, %dma_wait3A_109] : memref<32x316x32xi32, #tpu.memory_space<hbm>> -> memref<1x316x32xi32, #tpu.memory_space<hbm>>
      %dma_wait3A_111 = tpu.memref_squeeze %dma_wait3A_110 : memref<1x316x32xi32, #tpu.memory_space<hbm>> -> memref<316x32xi32, #tpu.memory_space<hbm>>
      tpu.wait_dma2 semaphore(%run_scoped3A : memref<!tpu.dma_semaphore, #tpu.memory_space<semaphore_mem>>) src(%dma_wait3A_111 : memref<316x32xi32, #tpu.memory_space<hbm>>) dst(%arg7 : memref<316x32xi32, #tpu.memory_space<vmem>>)
      tpu.yield
    }) : () -> ()
    "tpu.region"() ({
      %run_scoped3A = tpu.sem_alloc : memref<!tpu.dma_semaphore, #tpu.memory_space<semaphore_mem>>
      %dma_start3A_96 = arith.constant 0 : i32
      %dma_start3A_97 = arith.constant 0 : i32
      %dma_start3A_98 = tpu.memref_slice %arg4[%add3A, %dma_start3A_96, %dma_start3A_97] : memref<32x316x32xi32, #tpu.memory_space<hbm>> -> memref<1x316x32xi32, #tpu.memory_space<hbm>>
      %dma_start3A_99 = tpu.memref_squeeze %dma_start3A_98 : memref<1x316x32xi32, #tpu.memory_space<hbm>> -> memref<316x32xi32, #tpu.memory_space<hbm>>
      %dma_start3A_100 = arith.constant 0 : i32
      %dma_start3A_101 = arith.constant 0 : i32
      %dma_start3A_102 = tpu.memref_slice %arg4[%add3A, %dma_start3A_100, %dma_start3A_101] : memref<32x316x32xi32, #tpu.memory_space<hbm>> -> memref<1x316x32xi32, #tpu.memory_space<hbm>>
      %dma_start3A_103 = tpu.memref_squeeze %dma_start3A_102 : memref<1x316x32xi32, #tpu.memory_space<hbm>> -> memref<316x32xi32, #tpu.memory_space<hbm>>
      tpu.enqueue_dma source(%dma_start3A_103 : memref<316x32xi32, #tpu.memory_space<hbm>>) target(%arg8 : memref<316x32xi32, #tpu.memory_space<vmem>>) target_semaphore(%run_scoped3A : memref<!tpu.dma_semaphore, #tpu.memory_space<semaphore_mem>>)
      %dma_wait3A_104 = arith.constant 0 : i32
      %dma_wait3A_105 = arith.constant 0 : i32
      %dma_wait3A_106 = tpu.memref_slice %arg4[%add3A, %dma_wait3A_104, %dma_wait3A_105] : memref<32x316x32xi32, #tpu.memory_space<hbm>> -> memref<1x316x32xi32, #tpu.memory_space<hbm>>
      %dma_wait3A_107 = tpu.memref_squeeze %dma_wait3A_106 : memref<1x316x32xi32, #tpu.memory_space<hbm>> -> memref<316x32xi32, #tpu.memory_space<hbm>>
      %dma_wait3A_108 = arith.constant 0 : i32
      %dma_wait3A_109 = arith.constant 0 : i32
      %dma_wait3A_110 = tpu.memref_slice %arg4[%add3A, %dma_wait3A_108, %dma_wait3A_109] : memref<32x316x32xi32, #tpu.memory_space<hbm>> -> memref<1x316x32xi32, #tpu.memory_space<hbm>>
      %dma_wait3A_111 = tpu.memref_squeeze %dma_wait3A_110 : memref<1x316x32xi32, #tpu.memory_space<hbm>> -> memref<316x32xi32, #tpu.memory_space<hbm>>
      tpu.wait_dma2 semaphore(%run_scoped3A : memref<!tpu.dma_semaphore, #tpu.memory_space<semaphore_mem>>) src(%dma_wait3A_111 : memref<316x32xi32, #tpu.memory_space<hbm>>) dst(%arg8 : memref<316x32xi32, #tpu.memory_space<vmem>>)
      tpu.yield
    }) : () -> ()
    %mul3A_1 = arith.constant 640 : i32
    %mul3A_2 = arith.muli %arg1, %mul3A_1 : i32
    "tpu.region"() ({
      %run_scoped3A = tpu.sem_alloc : memref<!tpu.dma_semaphore, #tpu.memory_space<semaphore_mem>>
      %dma_start3A_96 = arith.constant 0 : i32
      %dma_start3A_97 = tpu.memref_slice %arg9[%mul3A_2, %dma_start3A_96] : memref<10240x128xf32, #tpu.memory_space<vmem_shared>> -> memref<640x128xf32, #tpu.memory_space<vmem_shared>>
      tpu.enqueue_dma source(%arg5 : memref<640x128xf32, #tpu.memory_space<hbm>>) target(%dma_start3A_97 : memref<640x128xf32, #tpu.memory_space<vmem_shared>>) target_semaphore(%run_scoped3A : memref<!tpu.dma_semaphore, #tpu.memory_space<semaphore_mem>>)
      %dma_wait3A_98 = arith.constant 0 : i32
      %dma_wait3A_99 = tpu.memref_slice %arg9[%mul3A_2, %dma_wait3A_98] : memref<10240x128xf32, #tpu.memory_space<vmem_shared>> -> memref<640x128xf32, #tpu.memory_space<vmem_shared>>
      tpu.wait_dma2 semaphore(%run_scoped3A : memref<!tpu.dma_semaphore, #tpu.memory_space<semaphore_mem>>) src(%arg5 : memref<640x128xf32, #tpu.memory_space<hbm>>) dst(%dma_wait3A_99 : memref<640x128xf32, #tpu.memory_space<vmem_shared>>)
      tpu.yield
    }) : () -> ()
    %barrier3A = arith.constant 0 : index
    tpu.barrier barrier_id(%barrier3A)
    %dma_start3A = arith.constant 0 : i32
    %dma_start3A_3 = arith.constant 0 : i32
    %dma_start3A_4 = tpu.memref_slice %arg7[%dma_start3A, %dma_start3A_3] : memref<316x32xi32, #tpu.memory_space<vmem>> -> memref<1x32xi32, #tpu.memory_space<vmem>>
    %dma_start3A_5 = tpu.memref_squeeze %dma_start3A_4 : memref<1x32xi32, #tpu.memory_space<vmem>> -> memref<32xi32, #tpu.memory_space<vmem>>
    %dma_start3A_6 = arith.constant 0 : i32
    %dma_start3A_7 = arith.constant 0 : i32
    %dma_start3A_8 = tpu.memref_slice %arg2[%dma_start3A_6, %dma_start3A_7] : memref<10240x128xf32, #tpu.memory_space<hbm>> -> memref<10240x128xf32, #tpu.memory_space<hbm>>
    tpu.enqueue_indirect_dma source(%dma_start3A_8 : memref<10240x128xf32, #tpu.memory_space<hbm>>) target(%arg10 : memref<32x128xf32, #tpu.memory_space<vmem>>) offsets(%dma_start3A_5 : memref<32xi32, #tpu.memory_space<vmem>>) semaphore(%arg16 : memref<!tpu.dma_semaphore, #tpu.memory_space<semaphore_mem>>)
    %dma_start3A_9 = arith.constant 1 : i32
    %dma_start3A_10 = arith.constant 0 : i32
    %dma_start3A_11 = tpu.memref_slice %arg7[%dma_start3A_9, %dma_start3A_10] : memref<316x32xi32, #tpu.memory_space<vmem>> -> memref<1x32xi32, #tpu.memory_space<vmem>>
    %dma_start3A_12 = tpu.memref_squeeze %dma_start3A_11 : memref<1x32xi32, #tpu.memory_space<vmem>> -> memref<32xi32, #tpu.memory_space<vmem>>
    %dma_start3A_13 = arith.constant 0 : i32
    %dma_start3A_14 = arith.constant 0 : i32
    %dma_start3A_15 = tpu.memref_slice %arg2[%dma_start3A_13, %dma_start3A_14] : memref<10240x128xf32, #tpu.memory_space<hbm>> -> memref<10240x128xf32, #tpu.memory_space<hbm>>
    tpu.enqueue_indirect_dma source(%dma_start3A_15 : memref<10240x128xf32, #tpu.memory_space<hbm>>) target(%arg11 : memref<32x128xf32, #tpu.memory_space<vmem>>) offsets(%dma_start3A_12 : memref<32xi32, #tpu.memory_space<vmem>>) semaphore(%arg17 : memref<!tpu.dma_semaphore, #tpu.memory_space<semaphore_mem>>)
    %dma_start3A_16 = arith.constant 2 : i32
    %dma_start3A_17 = arith.constant 0 : i32
    %dma_start3A_18 = tpu.memref_slice %arg7[%dma_start3A_16, %dma_start3A_17] : memref<316x32xi32, #tpu.memory_space<vmem>> -> memref<1x32xi32, #tpu.memory_space<vmem>>
    %dma_start3A_19 = tpu.memref_squeeze %dma_start3A_18 : memref<1x32xi32, #tpu.memory_space<vmem>> -> memref<32xi32, #tpu.memory_space<vmem>>
    %dma_start3A_20 = arith.constant 0 : i32
    %dma_start3A_21 = arith.constant 0 : i32
    %dma_start3A_22 = tpu.memref_slice %arg2[%dma_start3A_20, %dma_start3A_21] : memref<10240x128xf32, #tpu.memory_space<hbm>> -> memref<10240x128xf32, #tpu.memory_space<hbm>>
    tpu.enqueue_indirect_dma source(%dma_start3A_22 : memref<10240x128xf32, #tpu.memory_space<hbm>>) target(%arg12 : memref<32x128xf32, #tpu.memory_space<vmem>>) offsets(%dma_start3A_19 : memref<32xi32, #tpu.memory_space<vmem>>) semaphore(%arg18 : memref<!tpu.dma_semaphore, #tpu.memory_space<semaphore_mem>>)
    %dma_start3A_23 = arith.constant 3 : i32
    %dma_start3A_24 = arith.constant 0 : i32
    %dma_start3A_25 = tpu.memref_slice %arg7[%dma_start3A_23, %dma_start3A_24] : memref<316x32xi32, #tpu.memory_space<vmem>> -> memref<1x32xi32, #tpu.memory_space<vmem>>
    %dma_start3A_26 = tpu.memref_squeeze %dma_start3A_25 : memref<1x32xi32, #tpu.memory_space<vmem>> -> memref<32xi32, #tpu.memory_space<vmem>>
    %dma_start3A_27 = arith.constant 0 : i32
    %dma_start3A_28 = arith.constant 0 : i32
    %dma_start3A_29 = tpu.memref_slice %arg2[%dma_start3A_27, %dma_start3A_28] : memref<10240x128xf32, #tpu.memory_space<hbm>> -> memref<10240x128xf32, #tpu.memory_space<hbm>>
    tpu.enqueue_indirect_dma source(%dma_start3A_29 : memref<10240x128xf32, #tpu.memory_space<hbm>>) target(%arg13 : memref<32x128xf32, #tpu.memory_space<vmem>>) offsets(%dma_start3A_26 : memref<32xi32, #tpu.memory_space<vmem>>) semaphore(%arg19 : memref<!tpu.dma_semaphore, #tpu.memory_space<semaphore_mem>>)
    %dma_start3A_30 = arith.constant 4 : i32
    %dma_start3A_31 = arith.constant 0 : i32
    %dma_start3A_32 = tpu.memref_slice %arg7[%dma_start3A_30, %dma_start3A_31] : memref<316x32xi32, #tpu.memory_space<vmem>> -> memref<1x32xi32, #tpu.memory_space<vmem>>
    %dma_start3A_33 = tpu.memref_squeeze %dma_start3A_32 : memref<1x32xi32, #tpu.memory_space<vmem>> -> memref<32xi32, #tpu.memory_space<vmem>>
    %dma_start3A_34 = arith.constant 0 : i32
    %dma_start3A_35 = arith.constant 0 : i32
    %dma_start3A_36 = tpu.memref_slice %arg2[%dma_start3A_34, %dma_start3A_35] : memref<10240x128xf32, #tpu.memory_space<hbm>> -> memref<10240x128xf32, #tpu.memory_space<hbm>>
    tpu.enqueue_indirect_dma source(%dma_start3A_36 : memref<10240x128xf32, #tpu.memory_space<hbm>>) target(%arg14 : memref<32x128xf32, #tpu.memory_space<vmem>>) offsets(%dma_start3A_33 : memref<32xi32, #tpu.memory_space<vmem>>) semaphore(%arg20 : memref<!tpu.dma_semaphore, #tpu.memory_space<semaphore_mem>>)
    %dma_start3A_37 = arith.constant 5 : i32
    %dma_start3A_38 = arith.constant 0 : i32
    %dma_start3A_39 = tpu.memref_slice %arg7[%dma_start3A_37, %dma_start3A_38] : memref<316x32xi32, #tpu.memory_space<vmem>> -> memref<1x32xi32, #tpu.memory_space<vmem>>
    %dma_start3A_40 = tpu.memref_squeeze %dma_start3A_39 : memref<1x32xi32, #tpu.memory_space<vmem>> -> memref<32xi32, #tpu.memory_space<vmem>>
    %dma_start3A_41 = arith.constant 0 : i32
    %dma_start3A_42 = arith.constant 0 : i32
    %dma_start3A_43 = tpu.memref_slice %arg2[%dma_start3A_41, %dma_start3A_42] : memref<10240x128xf32, #tpu.memory_space<hbm>> -> memref<10240x128xf32, #tpu.memory_space<hbm>>
    tpu.enqueue_indirect_dma source(%dma_start3A_43 : memref<10240x128xf32, #tpu.memory_space<hbm>>) target(%arg15 : memref<32x128xf32, #tpu.memory_space<vmem>>) offsets(%dma_start3A_40 : memref<32xi32, #tpu.memory_space<vmem>>) semaphore(%arg21 : memref<!tpu.dma_semaphore, #tpu.memory_space<semaphore_mem>>)
    %scan3A = arith.constant 0 : i32
    %scan3A_44 = arith.constant 0 : i32
    %scan3A_45 = arith.constant 53 : i32
    %scan3A_46 = arith.addi %scan3A_44, %scan3A_45 : i32
    %scan3A_47 = arith.constant 1 : i32
    %scan3A_48 = scf.for %scan3A_96 = %scan3A_44 to %scan3A_46 step %scan3A_47 iter_args(%scan3A_97 = %scan3A) -> (i32)  : i32 {
      %mul3A_98 = arith.constant 6 : i32
      %mul3A_99 = arith.muli %scan3A_96, %mul3A_98 : i32
      %add3A_100 = arith.constant 0 : i32
      %add3A_101 = arith.addi %mul3A_99, %add3A_100 : i32
      %lt3A = arith.constant 316 : i32
      %lt3A_102 = arith.cmpi slt, %add3A_101, %lt3A : i32
      %convert_element_type3A = arith.extui %lt3A_102 : i1 to i32
      %cond3A = arith.constant 0 : i32
      %cond3A_103 = arith.cmpi ne, %convert_element_type3A, %cond3A : i32
      scf.if %cond3A_103 {
        %dma_wait3A_216 = arith.constant 0 : i32
        %dma_wait3A_217 = tpu.memref_slice %arg7[%add3A_101, %dma_wait3A_216] : memref<316x32xi32, #tpu.memory_space<vmem>> -> memref<1x32xi32, #tpu.memory_space<vmem>>
        %dma_wait3A_218 = tpu.memref_squeeze %dma_wait3A_217 : memref<1x32xi32, #tpu.memory_space<vmem>> -> memref<32xi32, #tpu.memory_space<vmem>>
        %dma_wait3A_219 = arith.constant 0 : i32
        %dma_wait3A_220 = arith.constant 0 : i32
        %dma_wait3A_221 = tpu.memref_slice %arg2[%dma_wait3A_219, %dma_wait3A_220] : memref<10240x128xf32, #tpu.memory_space<hbm>> -> memref<10240x128xf32, #tpu.memory_space<hbm>>
        tpu.wait_indirect_dma semaphore(%arg16 : memref<!tpu.dma_semaphore, #tpu.memory_space<semaphore_mem>>) src(%dma_wait3A_221 : memref<10240x128xf32, #tpu.memory_space<hbm>>) dst(%arg10 : memref<32x128xf32, #tpu.memory_space<vmem>>)
        %dma_start3A_222 = arith.constant 0 : i32
        %dma_start3A_223 = tpu.memref_slice %arg8[%add3A_101, %dma_start3A_222] : memref<316x32xi32, #tpu.memory_space<vmem>> -> memref<1x32xi32, #tpu.memory_space<vmem>>
        %dma_start3A_224 = tpu.memref_squeeze %dma_start3A_223 : memref<1x32xi32, #tpu.memory_space<vmem>> -> memref<32xi32, #tpu.memory_space<vmem>>
        %dma_start3A_225 = arith.constant 0 : i32
        %dma_start3A_226 = arith.constant 0 : i32
        %dma_start3A_227 = tpu.memref_slice %arg9[%dma_start3A_225, %dma_start3A_226] : memref<10240x128xf32, #tpu.memory_space<vmem_shared>> -> memref<10240x128xf32, #tpu.memory_space<vmem_shared>>
        tpu.enqueue_indirect_dma source(%arg10 : memref<32x128xf32, #tpu.memory_space<vmem>>) target(%dma_start3A_227 : memref<10240x128xf32, #tpu.memory_space<vmem_shared>>) offsets(%dma_start3A_224 : memref<32xi32, #tpu.memory_space<vmem>>) semaphore(%arg22 : memref<!tpu.dma_semaphore, #tpu.memory_space<semaphore_mem>>) {add = true}
      } else {
      }
      %mul3A_104 = arith.constant 6 : i32
      %mul3A_105 = arith.muli %scan3A_96, %mul3A_104 : i32
      %add3A_106 = arith.constant 1 : i32
      %add3A_107 = arith.addi %mul3A_105, %add3A_106 : i32
      %lt3A_108 = arith.constant 316 : i32
      %lt3A_109 = arith.cmpi slt, %add3A_107, %lt3A_108 : i32
      %convert_element_type3A_110 = arith.extui %lt3A_109 : i1 to i32
      %cond3A_111 = arith.constant 0 : i32
      %cond3A_112 = arith.cmpi ne, %convert_element_type3A_110, %cond3A_111 : i32
      scf.if %cond3A_112 {
        %dma_wait3A_216 = arith.constant 0 : i32
        %dma_wait3A_217 = tpu.memref_slice %arg7[%add3A_107, %dma_wait3A_216] : memref<316x32xi32, #tpu.memory_space<vmem>> -> memref<1x32xi32, #tpu.memory_space<vmem>>
        %dma_wait3A_218 = tpu.memref_squeeze %dma_wait3A_217 : memref<1x32xi32, #tpu.memory_space<vmem>> -> memref<32xi32, #tpu.memory_space<vmem>>
        %dma_wait3A_219 = arith.constant 0 : i32
        %dma_wait3A_220 = arith.constant 0 : i32
        %dma_wait3A_221 = tpu.memref_slice %arg2[%dma_wait3A_219, %dma_wait3A_220] : memref<10240x128xf32, #tpu.memory_space<hbm>> -> memref<10240x128xf32, #tpu.memory_space<hbm>>
        tpu.wait_indirect_dma semaphore(%arg17 : memref<!tpu.dma_semaphore, #tpu.memory_space<semaphore_mem>>) src(%dma_wait3A_221 : memref<10240x128xf32, #tpu.memory_space<hbm>>) dst(%arg11 : memref<32x128xf32, #tpu.memory_space<vmem>>)
        %dma_start3A_222 = arith.constant 0 : i32
        %dma_start3A_223 = tpu.memref_slice %arg8[%add3A_107, %dma_start3A_222] : memref<316x32xi32, #tpu.memory_space<vmem>> -> memref<1x32xi32, #tpu.memory_space<vmem>>
        %dma_start3A_224 = tpu.memref_squeeze %dma_start3A_223 : memref<1x32xi32, #tpu.memory_space<vmem>> -> memref<32xi32, #tpu.memory_space<vmem>>
        %dma_start3A_225 = arith.constant 0 : i32
        %dma_start3A_226 = arith.constant 0 : i32
        %dma_start3A_227 = tpu.memref_slice %arg9[%dma_start3A_225, %dma_start3A_226] : memref<10240x128xf32, #tpu.memory_space<vmem_shared>> -> memref<10240x128xf32, #tpu.memory_space<vmem_shared>>
        tpu.enqueue_indirect_dma source(%arg11 : memref<32x128xf32, #tpu.memory_space<vmem>>) target(%dma_start3A_227 : memref<10240x128xf32, #tpu.memory_space<vmem_shared>>) offsets(%dma_start3A_224 : memref<32xi32, #tpu.memory_space<vmem>>) semaphore(%arg23 : memref<!tpu.dma_semaphore, #tpu.memory_space<semaphore_mem>>) {add = true}
      } else {
      }
      %mul3A_113 = arith.constant 6 : i32
      %mul3A_114 = arith.muli %scan3A_96, %mul3A_113 : i32
      %add3A_115 = arith.constant 2 : i32
      %add3A_116 = arith.addi %mul3A_114, %add3A_115 : i32
      %lt3A_117 = arith.constant 316 : i32
      %lt3A_118 = arith.cmpi slt, %add3A_116, %lt3A_117 : i32
      %convert_element_type3A_119 = arith.extui %lt3A_118 : i1 to i32
      %cond3A_120 = arith.constant 0 : i32
      %cond3A_121 = arith.cmpi ne, %convert_element_type3A_119, %cond3A_120 : i32
      scf.if %cond3A_121 {
        %dma_wait3A_216 = arith.constant 0 : i32
        %dma_wait3A_217 = tpu.memref_slice %arg7[%add3A_116, %dma_wait3A_216] : memref<316x32xi32, #tpu.memory_space<vmem>> -> memref<1x32xi32, #tpu.memory_space<vmem>>
        %dma_wait3A_218 = tpu.memref_squeeze %dma_wait3A_217 : memref<1x32xi32, #tpu.memory_space<vmem>> -> memref<32xi32, #tpu.memory_space<vmem>>
        %dma_wait3A_219 = arith.constant 0 : i32
        %dma_wait3A_220 = arith.constant 0 : i32
        %dma_wait3A_221 = tpu.memref_slice %arg2[%dma_wait3A_219, %dma_wait3A_220] : memref<10240x128xf32, #tpu.memory_space<hbm>> -> memref<10240x128xf32, #tpu.memory_space<hbm>>
        tpu.wait_indirect_dma semaphore(%arg18 : memref<!tpu.dma_semaphore, #tpu.memory_space<semaphore_mem>>) src(%dma_wait3A_221 : memref<10240x128xf32, #tpu.memory_space<hbm>>) dst(%arg12 : memref<32x128xf32, #tpu.memory_space<vmem>>)
        %dma_start3A_222 = arith.constant 0 : i32
        %dma_start3A_223 = tpu.memref_slice %arg8[%add3A_116, %dma_start3A_222] : memref<316x32xi32, #tpu.memory_space<vmem>> -> memref<1x32xi32, #tpu.memory_space<vmem>>
        %dma_start3A_224 = tpu.memref_squeeze %dma_start3A_223 : memref<1x32xi32, #tpu.memory_space<vmem>> -> memref<32xi32, #tpu.memory_space<vmem>>
        %dma_start3A_225 = arith.constant 0 : i32
        %dma_start3A_226 = arith.constant 0 : i32
        %dma_start3A_227 = tpu.memref_slice %arg9[%dma_start3A_225, %dma_start3A_226] : memref<10240x128xf32, #tpu.memory_space<vmem_shared>> -> memref<10240x128xf32, #tpu.memory_space<vmem_shared>>
        tpu.enqueue_indirect_dma source(%arg12 : memref<32x128xf32, #tpu.memory_space<vmem>>) target(%dma_start3A_227 : memref<10240x128xf32, #tpu.memory_space<vmem_shared>>) offsets(%dma_start3A_224 : memref<32xi32, #tpu.memory_space<vmem>>) semaphore(%arg24 : memref<!tpu.dma_semaphore, #tpu.memory_space<semaphore_mem>>) {add = true}
      } else {
      }
      %mul3A_122 = arith.constant 6 : i32
      %mul3A_123 = arith.muli %scan3A_96, %mul3A_122 : i32
      %add3A_124 = arith.constant 3 : i32
      %add3A_125 = arith.addi %mul3A_123, %add3A_124 : i32
      %lt3A_126 = arith.constant 316 : i32
      %lt3A_127 = arith.cmpi slt, %add3A_125, %lt3A_126 : i32
      %convert_element_type3A_128 = arith.extui %lt3A_127 : i1 to i32
      %cond3A_129 = arith.constant 0 : i32
      %cond3A_130 = arith.cmpi ne, %convert_element_type3A_128, %cond3A_129 : i32
      scf.if %cond3A_130 {
        %dma_wait3A_216 = arith.constant 0 : i32
        %dma_wait3A_217 = tpu.memref_slice %arg7[%add3A_125, %dma_wait3A_216] : memref<316x32xi32, #tpu.memory_space<vmem>> -> memref<1x32xi32, #tpu.memory_space<vmem>>
        %dma_wait3A_218 = tpu.memref_squeeze %dma_wait3A_217 : memref<1x32xi32, #tpu.memory_space<vmem>> -> memref<32xi32, #tpu.memory_space<vmem>>
        %dma_wait3A_219 = arith.constant 0 : i32
        %dma_wait3A_220 = arith.constant 0 : i32
        %dma_wait3A_221 = tpu.memref_slice %arg2[%dma_wait3A_219, %dma_wait3A_220] : memref<10240x128xf32, #tpu.memory_space<hbm>> -> memref<10240x128xf32, #tpu.memory_space<hbm>>
        tpu.wait_indirect_dma semaphore(%arg19 : memref<!tpu.dma_semaphore, #tpu.memory_space<semaphore_mem>>) src(%dma_wait3A_221 : memref<10240x128xf32, #tpu.memory_space<hbm>>) dst(%arg13 : memref<32x128xf32, #tpu.memory_space<vmem>>)
        %dma_start3A_222 = arith.constant 0 : i32
        %dma_start3A_223 = tpu.memref_slice %arg8[%add3A_125, %dma_start3A_222] : memref<316x32xi32, #tpu.memory_space<vmem>> -> memref<1x32xi32, #tpu.memory_space<vmem>>
        %dma_start3A_224 = tpu.memref_squeeze %dma_start3A_223 : memref<1x32xi32, #tpu.memory_space<vmem>> -> memref<32xi32, #tpu.memory_space<vmem>>
        %dma_start3A_225 = arith.constant 0 : i32
        %dma_start3A_226 = arith.constant 0 : i32
        %dma_start3A_227 = tpu.memref_slice %arg9[%dma_start3A_225, %dma_start3A_226] : memref<10240x128xf32, #tpu.memory_space<vmem_shared>> -> memref<10240x128xf32, #tpu.memory_space<vmem_shared>>
        tpu.enqueue_indirect_dma source(%arg13 : memref<32x128xf32, #tpu.memory_space<vmem>>) target(%dma_start3A_227 : memref<10240x128xf32, #tpu.memory_space<vmem_shared>>) offsets(%dma_start3A_224 : memref<32xi32, #tpu.memory_space<vmem>>) semaphore(%arg25 : memref<!tpu.dma_semaphore, #tpu.memory_space<semaphore_mem>>) {add = true}
      } else {
      }
      %mul3A_131 = arith.constant 6 : i32
      %mul3A_132 = arith.muli %scan3A_96, %mul3A_131 : i32
      %add3A_133 = arith.constant 4 : i32
      %add3A_134 = arith.addi %mul3A_132, %add3A_133 : i32
      %lt3A_135 = arith.constant 316 : i32
      %lt3A_136 = arith.cmpi slt, %add3A_134, %lt3A_135 : i32
      %convert_element_type3A_137 = arith.extui %lt3A_136 : i1 to i32
      %cond3A_138 = arith.constant 0 : i32
      %cond3A_139 = arith.cmpi ne, %convert_element_type3A_137, %cond3A_138 : i32
      scf.if %cond3A_139 {
        %dma_wait3A_216 = arith.constant 0 : i32
        %dma_wait3A_217 = tpu.memref_slice %arg7[%add3A_134, %dma_wait3A_216] : memref<316x32xi32, #tpu.memory_space<vmem>> -> memref<1x32xi32, #tpu.memory_space<vmem>>
        %dma_wait3A_218 = tpu.memref_squeeze %dma_wait3A_217 : memref<1x32xi32, #tpu.memory_space<vmem>> -> memref<32xi32, #tpu.memory_space<vmem>>
        %dma_wait3A_219 = arith.constant 0 : i32
        %dma_wait3A_220 = arith.constant 0 : i32
        %dma_wait3A_221 = tpu.memref_slice %arg2[%dma_wait3A_219, %dma_wait3A_220] : memref<10240x128xf32, #tpu.memory_space<hbm>> -> memref<10240x128xf32, #tpu.memory_space<hbm>>
        tpu.wait_indirect_dma semaphore(%arg20 : memref<!tpu.dma_semaphore, #tpu.memory_space<semaphore_mem>>) src(%dma_wait3A_221 : memref<10240x128xf32, #tpu.memory_space<hbm>>) dst(%arg14 : memref<32x128xf32, #tpu.memory_space<vmem>>)
        %dma_start3A_222 = arith.constant 0 : i32
        %dma_start3A_223 = tpu.memref_slice %arg8[%add3A_134, %dma_start3A_222] : memref<316x32xi32, #tpu.memory_space<vmem>> -> memref<1x32xi32, #tpu.memory_space<vmem>>
        %dma_start3A_224 = tpu.memref_squeeze %dma_start3A_223 : memref<1x32xi32, #tpu.memory_space<vmem>> -> memref<32xi32, #tpu.memory_space<vmem>>
        %dma_start3A_225 = arith.constant 0 : i32
        %dma_start3A_226 = arith.constant 0 : i32
        %dma_start3A_227 = tpu.memref_slice %arg9[%dma_start3A_225, %dma_start3A_226] : memref<10240x128xf32, #tpu.memory_space<vmem_shared>> -> memref<10240x128xf32, #tpu.memory_space<vmem_shared>>
        tpu.enqueue_indirect_dma source(%arg14 : memref<32x128xf32, #tpu.memory_space<vmem>>) target(%dma_start3A_227 : memref<10240x128xf32, #tpu.memory_space<vmem_shared>>) offsets(%dma_start3A_224 : memref<32xi32, #tpu.memory_space<vmem>>) semaphore(%arg26 : memref<!tpu.dma_semaphore, #tpu.memory_space<semaphore_mem>>) {add = true}
      } else {
      }
      %mul3A_140 = arith.constant 6 : i32
      %mul3A_141 = arith.muli %scan3A_96, %mul3A_140 : i32
      %add3A_142 = arith.constant 5 : i32
      %add3A_143 = arith.addi %mul3A_141, %add3A_142 : i32
      %lt3A_144 = arith.constant 316 : i32
      %lt3A_145 = arith.cmpi slt, %add3A_143, %lt3A_144 : i32
      %convert_element_type3A_146 = arith.extui %lt3A_145 : i1 to i32
      %cond3A_147 = arith.constant 0 : i32
      %cond3A_148 = arith.cmpi ne, %convert_element_type3A_146, %cond3A_147 : i32
      scf.if %cond3A_148 {
        %dma_wait3A_216 = arith.constant 0 : i32
        %dma_wait3A_217 = tpu.memref_slice %arg7[%add3A_143, %dma_wait3A_216] : memref<316x32xi32, #tpu.memory_space<vmem>> -> memref<1x32xi32, #tpu.memory_space<vmem>>
        %dma_wait3A_218 = tpu.memref_squeeze %dma_wait3A_217 : memref<1x32xi32, #tpu.memory_space<vmem>> -> memref<32xi32, #tpu.memory_space<vmem>>
        %dma_wait3A_219 = arith.constant 0 : i32
        %dma_wait3A_220 = arith.constant 0 : i32
        %dma_wait3A_221 = tpu.memref_slice %arg2[%dma_wait3A_219, %dma_wait3A_220] : memref<10240x128xf32, #tpu.memory_space<hbm>> -> memref<10240x128xf32, #tpu.memory_space<hbm>>
        tpu.wait_indirect_dma semaphore(%arg21 : memref<!tpu.dma_semaphore, #tpu.memory_space<semaphore_mem>>) src(%dma_wait3A_221 : memref<10240x128xf32, #tpu.memory_space<hbm>>) dst(%arg15 : memref<32x128xf32, #tpu.memory_space<vmem>>)
        %dma_start3A_222 = arith.constant 0 : i32
        %dma_start3A_223 = tpu.memref_slice %arg8[%add3A_143, %dma_start3A_222] : memref<316x32xi32, #tpu.memory_space<vmem>> -> memref<1x32xi32, #tpu.memory_space<vmem>>
        %dma_start3A_224 = tpu.memref_squeeze %dma_start3A_223 : memref<1x32xi32, #tpu.memory_space<vmem>> -> memref<32xi32, #tpu.memory_space<vmem>>
        %dma_start3A_225 = arith.constant 0 : i32
        %dma_start3A_226 = arith.constant 0 : i32
        %dma_start3A_227 = tpu.memref_slice %arg9[%dma_start3A_225, %dma_start3A_226] : memref<10240x128xf32, #tpu.memory_space<vmem_shared>> -> memref<10240x128xf32, #tpu.memory_space<vmem_shared>>
        tpu.enqueue_indirect_dma source(%arg15 : memref<32x128xf32, #tpu.memory_space<vmem>>) target(%dma_start3A_227 : memref<10240x128xf32, #tpu.memory_space<vmem_shared>>) offsets(%dma_start3A_224 : memref<32xi32, #tpu.memory_space<vmem>>) semaphore(%arg27 : memref<!tpu.dma_semaphore, #tpu.memory_space<semaphore_mem>>) {add = true}
      } else {
      }
      %add3A_149 = arith.constant 1 : i32
      %add3A_150 = arith.addi %scan3A_96, %add3A_149 : i32
      %mul3A_151 = arith.constant 6 : i32
      %mul3A_152 = arith.muli %add3A_150, %mul3A_151 : i32
      %add3A_153 = arith.constant 0 : i32
      %add3A_154 = arith.addi %mul3A_152, %add3A_153 : i32
      %lt3A_155 = arith.constant 316 : i32
      %lt3A_156 = arith.cmpi slt, %add3A_154, %lt3A_155 : i32
      %convert_element_type3A_157 = arith.extui %lt3A_156 : i1 to i32
      %cond3A_158 = arith.constant 0 : i32
      %cond3A_159 = arith.cmpi ne, %convert_element_type3A_157, %cond3A_158 : i32
      scf.if %cond3A_159 {
        %sub3A = arith.constant 6 : i32
        %sub3A_216 = arith.subi %add3A_154, %sub3A : i32
        %dma_wait3A_217 = arith.constant 0 : i32
        %dma_wait3A_218 = tpu.memref_slice %arg8[%sub3A_216, %dma_wait3A_217] : memref<316x32xi32, #tpu.memory_space<vmem>> -> memref<1x32xi32, #tpu.memory_space<vmem>>
        %dma_wait3A_219 = tpu.memref_squeeze %dma_wait3A_218 : memref<1x32xi32, #tpu.memory_space<vmem>> -> memref<32xi32, #tpu.memory_space<vmem>>
        %dma_wait3A_220 = arith.constant 0 : i32
        %dma_wait3A_221 = arith.constant 0 : i32
        %dma_wait3A_222 = tpu.memref_slice %arg9[%dma_wait3A_220, %dma_wait3A_221] : memref<10240x128xf32, #tpu.memory_space<vmem_shared>> -> memref<10240x128xf32, #tpu.memory_space<vmem_shared>>
        tpu.wait_indirect_dma semaphore(%arg22 : memref<!tpu.dma_semaphore, #tpu.memory_space<semaphore_mem>>) src(%arg10 : memref<32x128xf32, #tpu.memory_space<vmem>>) dst(%dma_wait3A_222 : memref<10240x128xf32, #tpu.memory_space<vmem_shared>>)
        %dma_start3A_223 = arith.constant 0 : i32
        %dma_start3A_224 = tpu.memref_slice %arg7[%add3A_154, %dma_start3A_223] : memref<316x32xi32, #tpu.memory_space<vmem>> -> memref<1x32xi32, #tpu.memory_space<vmem>>
        %dma_start3A_225 = tpu.memref_squeeze %dma_start3A_224 : memref<1x32xi32, #tpu.memory_space<vmem>> -> memref<32xi32, #tpu.memory_space<vmem>>
        %dma_start3A_226 = arith.constant 0 : i32
        %dma_start3A_227 = arith.constant 0 : i32
        %dma_start3A_228 = tpu.memref_slice %arg2[%dma_start3A_226, %dma_start3A_227] : memref<10240x128xf32, #tpu.memory_space<hbm>> -> memref<10240x128xf32, #tpu.memory_space<hbm>>
        tpu.enqueue_indirect_dma source(%dma_start3A_228 : memref<10240x128xf32, #tpu.memory_space<hbm>>) target(%arg10 : memref<32x128xf32, #tpu.memory_space<vmem>>) offsets(%dma_start3A_225 : memref<32xi32, #tpu.memory_space<vmem>>) semaphore(%arg16 : memref<!tpu.dma_semaphore, #tpu.memory_space<semaphore_mem>>)
      } else {
      }
      %add3A_160 = arith.constant 1 : i32
      %add3A_161 = arith.addi %scan3A_96, %add3A_160 : i32
      %mul3A_162 = arith.constant 6 : i32
      %mul3A_163 = arith.muli %add3A_161, %mul3A_162 : i32
      %add3A_164 = arith.constant 1 : i32
      %add3A_165 = arith.addi %mul3A_163, %add3A_164 : i32
      %lt3A_166 = arith.constant 316 : i32
      %lt3A_167 = arith.cmpi slt, %add3A_165, %lt3A_166 : i32
      %convert_element_type3A_168 = arith.extui %lt3A_167 : i1 to i32
      %cond3A_169 = arith.constant 0 : i32
      %cond3A_170 = arith.cmpi ne, %convert_element_type3A_168, %cond3A_169 : i32
      scf.if %cond3A_170 {
        %sub3A = arith.constant 6 : i32
        %sub3A_216 = arith.subi %add3A_165, %sub3A : i32
        %dma_wait3A_217 = arith.constant 0 : i32
        %dma_wait3A_218 = tpu.memref_slice %arg8[%sub3A_216, %dma_wait3A_217] : memref<316x32xi32, #tpu.memory_space<vmem>> -> memref<1x32xi32, #tpu.memory_space<vmem>>
        %dma_wait3A_219 = tpu.memref_squeeze %dma_wait3A_218 : memref<1x32xi32, #tpu.memory_space<vmem>> -> memref<32xi32, #tpu.memory_space<vmem>>
        %dma_wait3A_220 = arith.constant 0 : i32
        %dma_wait3A_221 = arith.constant 0 : i32
        %dma_wait3A_222 = tpu.memref_slice %arg9[%dma_wait3A_220, %dma_wait3A_221] : memref<10240x128xf32, #tpu.memory_space<vmem_shared>> -> memref<10240x128xf32, #tpu.memory_space<vmem_shared>>
        tpu.wait_indirect_dma semaphore(%arg23 : memref<!tpu.dma_semaphore, #tpu.memory_space<semaphore_mem>>) src(%arg11 : memref<32x128xf32, #tpu.memory_space<vmem>>) dst(%dma_wait3A_222 : memref<10240x128xf32, #tpu.memory_space<vmem_shared>>)
        %dma_start3A_223 = arith.constant 0 : i32
        %dma_start3A_224 = tpu.memref_slice %arg7[%add3A_165, %dma_start3A_223] : memref<316x32xi32, #tpu.memory_space<vmem>> -> memref<1x32xi32, #tpu.memory_space<vmem>>
        %dma_start3A_225 = tpu.memref_squeeze %dma_start3A_224 : memref<1x32xi32, #tpu.memory_space<vmem>> -> memref<32xi32, #tpu.memory_space<vmem>>
        %dma_start3A_226 = arith.constant 0 : i32
        %dma_start3A_227 = arith.constant 0 : i32
        %dma_start3A_228 = tpu.memref_slice %arg2[%dma_start3A_226, %dma_start3A_227] : memref<10240x128xf32, #tpu.memory_space<hbm>> -> memref<10240x128xf32, #tpu.memory_space<hbm>>
        tpu.enqueue_indirect_dma source(%dma_start3A_228 : memref<10240x128xf32, #tpu.memory_space<hbm>>) target(%arg11 : memref<32x128xf32, #tpu.memory_space<vmem>>) offsets(%dma_start3A_225 : memref<32xi32, #tpu.memory_space<vmem>>) semaphore(%arg17 : memref<!tpu.dma_semaphore, #tpu.memory_space<semaphore_mem>>)
      } else {
      }
      %add3A_171 = arith.constant 1 : i32
      %add3A_172 = arith.addi %scan3A_96, %add3A_171 : i32
      %mul3A_173 = arith.constant 6 : i32
      %mul3A_174 = arith.muli %add3A_172, %mul3A_173 : i32
      %add3A_175 = arith.constant 2 : i32
      %add3A_176 = arith.addi %mul3A_174, %add3A_175 : i32
      %lt3A_177 = arith.constant 316 : i32
      %lt3A_178 = arith.cmpi slt, %add3A_176, %lt3A_177 : i32
      %convert_element_type3A_179 = arith.extui %lt3A_178 : i1 to i32
      %cond3A_180 = arith.constant 0 : i32
      %cond3A_181 = arith.cmpi ne, %convert_element_type3A_179, %cond3A_180 : i32
      scf.if %cond3A_181 {
        %sub3A = arith.constant 6 : i32
        %sub3A_216 = arith.subi %add3A_176, %sub3A : i32
        %dma_wait3A_217 = arith.constant 0 : i32
        %dma_wait3A_218 = tpu.memref_slice %arg8[%sub3A_216, %dma_wait3A_217] : memref<316x32xi32, #tpu.memory_space<vmem>> -> memref<1x32xi32, #tpu.memory_space<vmem>>
        %dma_wait3A_219 = tpu.memref_squeeze %dma_wait3A_218 : memref<1x32xi32, #tpu.memory_space<vmem>> -> memref<32xi32, #tpu.memory_space<vmem>>
        %dma_wait3A_220 = arith.constant 0 : i32
        %dma_wait3A_221 = arith.constant 0 : i32
        %dma_wait3A_222 = tpu.memref_slice %arg9[%dma_wait3A_220, %dma_wait3A_221] : memref<10240x128xf32, #tpu.memory_space<vmem_shared>> -> memref<10240x128xf32, #tpu.memory_space<vmem_shared>>
        tpu.wait_indirect_dma semaphore(%arg24 : memref<!tpu.dma_semaphore, #tpu.memory_space<semaphore_mem>>) src(%arg12 : memref<32x128xf32, #tpu.memory_space<vmem>>) dst(%dma_wait3A_222 : memref<10240x128xf32, #tpu.memory_space<vmem_shared>>)
        %dma_start3A_223 = arith.constant 0 : i32
        %dma_start3A_224 = tpu.memref_slice %arg7[%add3A_176, %dma_start3A_223] : memref<316x32xi32, #tpu.memory_space<vmem>> -> memref<1x32xi32, #tpu.memory_space<vmem>>
        %dma_start3A_225 = tpu.memref_squeeze %dma_start3A_224 : memref<1x32xi32, #tpu.memory_space<vmem>> -> memref<32xi32, #tpu.memory_space<vmem>>
        %dma_start3A_226 = arith.constant 0 : i32
        %dma_start3A_227 = arith.constant 0 : i32
        %dma_start3A_228 = tpu.memref_slice %arg2[%dma_start3A_226, %dma_start3A_227] : memref<10240x128xf32, #tpu.memory_space<hbm>> -> memref<10240x128xf32, #tpu.memory_space<hbm>>
        tpu.enqueue_indirect_dma source(%dma_start3A_228 : memref<10240x128xf32, #tpu.memory_space<hbm>>) target(%arg12 : memref<32x128xf32, #tpu.memory_space<vmem>>) offsets(%dma_start3A_225 : memref<32xi32, #tpu.memory_space<vmem>>) semaphore(%arg18 : memref<!tpu.dma_semaphore, #tpu.memory_space<semaphore_mem>>)
      } else {
      }
      %add3A_182 = arith.constant 1 : i32
      %add3A_183 = arith.addi %scan3A_96, %add3A_182 : i32
      %mul3A_184 = arith.constant 6 : i32
      %mul3A_185 = arith.muli %add3A_183, %mul3A_184 : i32
      %add3A_186 = arith.constant 3 : i32
      %add3A_187 = arith.addi %mul3A_185, %add3A_186 : i32
      %lt3A_188 = arith.constant 316 : i32
      %lt3A_189 = arith.cmpi slt, %add3A_187, %lt3A_188 : i32
      %convert_element_type3A_190 = arith.extui %lt3A_189 : i1 to i32
      %cond3A_191 = arith.constant 0 : i32
      %cond3A_192 = arith.cmpi ne, %convert_element_type3A_190, %cond3A_191 : i32
      scf.if %cond3A_192 {
        %sub3A = arith.constant 6 : i32
        %sub3A_216 = arith.subi %add3A_187, %sub3A : i32
        %dma_wait3A_217 = arith.constant 0 : i32
        %dma_wait3A_218 = tpu.memref_slice %arg8[%sub3A_216, %dma_wait3A_217] : memref<316x32xi32, #tpu.memory_space<vmem>> -> memref<1x32xi32, #tpu.memory_space<vmem>>
        %dma_wait3A_219 = tpu.memref_squeeze %dma_wait3A_218 : memref<1x32xi32, #tpu.memory_space<vmem>> -> memref<32xi32, #tpu.memory_space<vmem>>
        %dma_wait3A_220 = arith.constant 0 : i32
        %dma_wait3A_221 = arith.constant 0 : i32
        %dma_wait3A_222 = tpu.memref_slice %arg9[%dma_wait3A_220, %dma_wait3A_221] : memref<10240x128xf32, #tpu.memory_space<vmem_shared>> -> memref<10240x128xf32, #tpu.memory_space<vmem_shared>>
        tpu.wait_indirect_dma semaphore(%arg25 : memref<!tpu.dma_semaphore, #tpu.memory_space<semaphore_mem>>) src(%arg13 : memref<32x128xf32, #tpu.memory_space<vmem>>) dst(%dma_wait3A_222 : memref<10240x128xf32, #tpu.memory_space<vmem_shared>>)
        %dma_start3A_223 = arith.constant 0 : i32
        %dma_start3A_224 = tpu.memref_slice %arg7[%add3A_187, %dma_start3A_223] : memref<316x32xi32, #tpu.memory_space<vmem>> -> memref<1x32xi32, #tpu.memory_space<vmem>>
        %dma_start3A_225 = tpu.memref_squeeze %dma_start3A_224 : memref<1x32xi32, #tpu.memory_space<vmem>> -> memref<32xi32, #tpu.memory_space<vmem>>
        %dma_start3A_226 = arith.constant 0 : i32
        %dma_start3A_227 = arith.constant 0 : i32
        %dma_start3A_228 = tpu.memref_slice %arg2[%dma_start3A_226, %dma_start3A_227] : memref<10240x128xf32, #tpu.memory_space<hbm>> -> memref<10240x128xf32, #tpu.memory_space<hbm>>
        tpu.enqueue_indirect_dma source(%dma_start3A_228 : memref<10240x128xf32, #tpu.memory_space<hbm>>) target(%arg13 : memref<32x128xf32, #tpu.memory_space<vmem>>) offsets(%dma_start3A_225 : memref<32xi32, #tpu.memory_space<vmem>>) semaphore(%arg19 : memref<!tpu.dma_semaphore, #tpu.memory_space<semaphore_mem>>)
      } else {
      }
      %add3A_193 = arith.constant 1 : i32
      %add3A_194 = arith.addi %scan3A_96, %add3A_193 : i32
      %mul3A_195 = arith.constant 6 : i32
      %mul3A_196 = arith.muli %add3A_194, %mul3A_195 : i32
      %add3A_197 = arith.constant 4 : i32
      %add3A_198 = arith.addi %mul3A_196, %add3A_197 : i32
      %lt3A_199 = arith.constant 316 : i32
      %lt3A_200 = arith.cmpi slt, %add3A_198, %lt3A_199 : i32
      %convert_element_type3A_201 = arith.extui %lt3A_200 : i1 to i32
      %cond3A_202 = arith.constant 0 : i32
      %cond3A_203 = arith.cmpi ne, %convert_element_type3A_201, %cond3A_202 : i32
      scf.if %cond3A_203 {
        %sub3A = arith.constant 6 : i32
        %sub3A_216 = arith.subi %add3A_198, %sub3A : i32
        %dma_wait3A_217 = arith.constant 0 : i32
        %dma_wait3A_218 = tpu.memref_slice %arg8[%sub3A_216, %dma_wait3A_217] : memref<316x32xi32, #tpu.memory_space<vmem>> -> memref<1x32xi32, #tpu.memory_space<vmem>>
        %dma_wait3A_219 = tpu.memref_squeeze %dma_wait3A_218 : memref<1x32xi32, #tpu.memory_space<vmem>> -> memref<32xi32, #tpu.memory_space<vmem>>
        %dma_wait3A_220 = arith.constant 0 : i32
        %dma_wait3A_221 = arith.constant 0 : i32
        %dma_wait3A_222 = tpu.memref_slice %arg9[%dma_wait3A_220, %dma_wait3A_221] : memref<10240x128xf32, #tpu.memory_space<vmem_shared>> -> memref<10240x128xf32, #tpu.memory_space<vmem_shared>>
        tpu.wait_indirect_dma semaphore(%arg26 : memref<!tpu.dma_semaphore, #tpu.memory_space<semaphore_mem>>) src(%arg14 : memref<32x128xf32, #tpu.memory_space<vmem>>) dst(%dma_wait3A_222 : memref<10240x128xf32, #tpu.memory_space<vmem_shared>>)
        %dma_start3A_223 = arith.constant 0 : i32
        %dma_start3A_224 = tpu.memref_slice %arg7[%add3A_198, %dma_start3A_223] : memref<316x32xi32, #tpu.memory_space<vmem>> -> memref<1x32xi32, #tpu.memory_space<vmem>>
        %dma_start3A_225 = tpu.memref_squeeze %dma_start3A_224 : memref<1x32xi32, #tpu.memory_space<vmem>> -> memref<32xi32, #tpu.memory_space<vmem>>
        %dma_start3A_226 = arith.constant 0 : i32
        %dma_start3A_227 = arith.constant 0 : i32
        %dma_start3A_228 = tpu.memref_slice %arg2[%dma_start3A_226, %dma_start3A_227] : memref<10240x128xf32, #tpu.memory_space<hbm>> -> memref<10240x128xf32, #tpu.memory_space<hbm>>
        tpu.enqueue_indirect_dma source(%dma_start3A_228 : memref<10240x128xf32, #tpu.memory_space<hbm>>) target(%arg14 : memref<32x128xf32, #tpu.memory_space<vmem>>) offsets(%dma_start3A_225 : memref<32xi32, #tpu.memory_space<vmem>>) semaphore(%arg20 : memref<!tpu.dma_semaphore, #tpu.memory_space<semaphore_mem>>)
      } else {
      }
      %add3A_204 = arith.constant 1 : i32
      %add3A_205 = arith.addi %scan3A_96, %add3A_204 : i32
      %mul3A_206 = arith.constant 6 : i32
      %mul3A_207 = arith.muli %add3A_205, %mul3A_206 : i32
      %add3A_208 = arith.constant 5 : i32
      %add3A_209 = arith.addi %mul3A_207, %add3A_208 : i32
      %lt3A_210 = arith.constant 316 : i32
      %lt3A_211 = arith.cmpi slt, %add3A_209, %lt3A_210 : i32
      %convert_element_type3A_212 = arith.extui %lt3A_211 : i1 to i32
      %cond3A_213 = arith.constant 0 : i32
      %cond3A_214 = arith.cmpi ne, %convert_element_type3A_212, %cond3A_213 : i32
      scf.if %cond3A_214 {
        %sub3A = arith.constant 6 : i32
        %sub3A_216 = arith.subi %add3A_209, %sub3A : i32
        %dma_wait3A_217 = arith.constant 0 : i32
        %dma_wait3A_218 = tpu.memref_slice %arg8[%sub3A_216, %dma_wait3A_217] : memref<316x32xi32, #tpu.memory_space<vmem>> -> memref<1x32xi32, #tpu.memory_space<vmem>>
        %dma_wait3A_219 = tpu.memref_squeeze %dma_wait3A_218 : memref<1x32xi32, #tpu.memory_space<vmem>> -> memref<32xi32, #tpu.memory_space<vmem>>
        %dma_wait3A_220 = arith.constant 0 : i32
        %dma_wait3A_221 = arith.constant 0 : i32
        %dma_wait3A_222 = tpu.memref_slice %arg9[%dma_wait3A_220, %dma_wait3A_221] : memref<10240x128xf32, #tpu.memory_space<vmem_shared>> -> memref<10240x128xf32, #tpu.memory_space<vmem_shared>>
        tpu.wait_indirect_dma semaphore(%arg27 : memref<!tpu.dma_semaphore, #tpu.memory_space<semaphore_mem>>) src(%arg15 : memref<32x128xf32, #tpu.memory_space<vmem>>) dst(%dma_wait3A_222 : memref<10240x128xf32, #tpu.memory_space<vmem_shared>>)
        %dma_start3A_223 = arith.constant 0 : i32
        %dma_start3A_224 = tpu.memref_slice %arg7[%add3A_209, %dma_start3A_223] : memref<316x32xi32, #tpu.memory_space<vmem>> -> memref<1x32xi32, #tpu.memory_space<vmem>>
        %dma_start3A_225 = tpu.memref_squeeze %dma_start3A_224 : memref<1x32xi32, #tpu.memory_space<vmem>> -> memref<32xi32, #tpu.memory_space<vmem>>
        %dma_start3A_226 = arith.constant 0 : i32
        %dma_start3A_227 = arith.constant 0 : i32
        %dma_start3A_228 = tpu.memref_slice %arg2[%dma_start3A_226, %dma_start3A_227] : memref<10240x128xf32, #tpu.memory_space<hbm>> -> memref<10240x128xf32, #tpu.memory_space<hbm>>
        tpu.enqueue_indirect_dma source(%dma_start3A_228 : memref<10240x128xf32, #tpu.memory_space<hbm>>) target(%arg15 : memref<32x128xf32, #tpu.memory_space<vmem>>) offsets(%dma_start3A_225 : memref<32xi32, #tpu.memory_space<vmem>>) semaphore(%arg21 : memref<!tpu.dma_semaphore, #tpu.memory_space<semaphore_mem>>)
      } else {
      }
      %scan3A_215 = arith.constant 0 : i32
      scf.yield %scan3A_215 : i32
    }
    %scan3A_49 = arith.constant 53 : i32
    %dma_wait3A = arith.constant 312 : i32
    %dma_wait3A_50 = arith.constant 0 : i32
    %dma_wait3A_51 = tpu.memref_slice %arg8[%dma_wait3A, %dma_wait3A_50] : memref<316x32xi32, #tpu.memory_space<vmem>> -> memref<1x32xi32, #tpu.memory_space<vmem>>
    %dma_wait3A_52 = tpu.memref_squeeze %dma_wait3A_51 : memref<1x32xi32, #tpu.memory_space<vmem>> -> memref<32xi32, #tpu.memory_space<vmem>>
    %dma_wait3A_53 = arith.constant 0 : i32
    %dma_wait3A_54 = arith.constant 0 : i32
    %dma_wait3A_55 = tpu.memref_slice %arg9[%dma_wait3A_53, %dma_wait3A_54] : memref<10240x128xf32, #tpu.memory_space<vmem_shared>> -> memref<10240x128xf32, #tpu.memory_space<vmem_shared>>
    tpu.wait_indirect_dma semaphore(%arg22 : memref<!tpu.dma_semaphore, #tpu.memory_space<semaphore_mem>>) src(%arg10 : memref<32x128xf32, #tpu.memory_space<vmem>>) dst(%dma_wait3A_55 : memref<10240x128xf32, #tpu.memory_space<vmem_shared>>)
    %dma_wait3A_56 = arith.constant 313 : i32
    %dma_wait3A_57 = arith.constant 0 : i32
    %dma_wait3A_58 = tpu.memref_slice %arg8[%dma_wait3A_56, %dma_wait3A_57] : memref<316x32xi32, #tpu.memory_space<vmem>> -> memref<1x32xi32, #tpu.memory_space<vmem>>
    %dma_wait3A_59 = tpu.memref_squeeze %dma_wait3A_58 : memref<1x32xi32, #tpu.memory_space<vmem>> -> memref<32xi32, #tpu.memory_space<vmem>>
    %dma_wait3A_60 = arith.constant 0 : i32
    %dma_wait3A_61 = arith.constant 0 : i32
    %dma_wait3A_62 = tpu.memref_slice %arg9[%dma_wait3A_60, %dma_wait3A_61] : memref<10240x128xf32, #tpu.memory_space<vmem_shared>> -> memref<10240x128xf32, #tpu.memory_space<vmem_shared>>
    tpu.wait_indirect_dma semaphore(%arg23 : memref<!tpu.dma_semaphore, #tpu.memory_space<semaphore_mem>>) src(%arg11 : memref<32x128xf32, #tpu.memory_space<vmem>>) dst(%dma_wait3A_62 : memref<10240x128xf32, #tpu.memory_space<vmem_shared>>)
    %dma_wait3A_63 = arith.constant 314 : i32
    %dma_wait3A_64 = arith.constant 0 : i32
    %dma_wait3A_65 = tpu.memref_slice %arg8[%dma_wait3A_63, %dma_wait3A_64] : memref<316x32xi32, #tpu.memory_space<vmem>> -> memref<1x32xi32, #tpu.memory_space<vmem>>
    %dma_wait3A_66 = tpu.memref_squeeze %dma_wait3A_65 : memref<1x32xi32, #tpu.memory_space<vmem>> -> memref<32xi32, #tpu.memory_space<vmem>>
    %dma_wait3A_67 = arith.constant 0 : i32
    %dma_wait3A_68 = arith.constant 0 : i32
    %dma_wait3A_69 = tpu.memref_slice %arg9[%dma_wait3A_67, %dma_wait3A_68] : memref<10240x128xf32, #tpu.memory_space<vmem_shared>> -> memref<10240x128xf32, #tpu.memory_space<vmem_shared>>
    tpu.wait_indirect_dma semaphore(%arg24 : memref<!tpu.dma_semaphore, #tpu.memory_space<semaphore_mem>>) src(%arg12 : memref<32x128xf32, #tpu.memory_space<vmem>>) dst(%dma_wait3A_69 : memref<10240x128xf32, #tpu.memory_space<vmem_shared>>)
    %dma_wait3A_70 = arith.constant 315 : i32
    %dma_wait3A_71 = arith.constant 0 : i32
    %dma_wait3A_72 = tpu.memref_slice %arg8[%dma_wait3A_70, %dma_wait3A_71] : memref<316x32xi32, #tpu.memory_space<vmem>> -> memref<1x32xi32, #tpu.memory_space<vmem>>
    %dma_wait3A_73 = tpu.memref_squeeze %dma_wait3A_72 : memref<1x32xi32, #tpu.memory_space<vmem>> -> memref<32xi32, #tpu.memory_space<vmem>>
    %dma_wait3A_74 = arith.constant 0 : i32
    %dma_wait3A_75 = arith.constant 0 : i32
    %dma_wait3A_76 = tpu.memref_slice %arg9[%dma_wait3A_74, %dma_wait3A_75] : memref<10240x128xf32, #tpu.memory_space<vmem_shared>> -> memref<10240x128xf32, #tpu.memory_space<vmem_shared>>
    tpu.wait_indirect_dma semaphore(%arg25 : memref<!tpu.dma_semaphore, #tpu.memory_space<semaphore_mem>>) src(%arg13 : memref<32x128xf32, #tpu.memory_space<vmem>>) dst(%dma_wait3A_76 : memref<10240x128xf32, #tpu.memory_space<vmem_shared>>)
    %dma_wait3A_77 = arith.constant 310 : i32
    %dma_wait3A_78 = arith.constant 0 : i32
    %dma_wait3A_79 = tpu.memref_slice %arg8[%dma_wait3A_77, %dma_wait3A_78] : memref<316x32xi32, #tpu.memory_space<vmem>> -> memref<1x32xi32, #tpu.memory_space<vmem>>
    %dma_wait3A_80 = tpu.memref_squeeze %dma_wait3A_79 : memref<1x32xi32, #tpu.memory_space<vmem>> -> memref<32xi32, #tpu.memory_space<vmem>>
    %dma_wait3A_81 = arith.constant 0 : i32
    %dma_wait3A_82 = arith.constant 0 : i32
    %dma_wait3A_83 = tpu.memref_slice %arg9[%dma_wait3A_81, %dma_wait3A_82] : memref<10240x128xf32, #tpu.memory_space<vmem_shared>> -> memref<10240x128xf32, #tpu.memory_space<vmem_shared>>
    tpu.wait_indirect_dma semaphore(%arg26 : memref<!tpu.dma_semaphore, #tpu.memory_space<semaphore_mem>>) src(%arg14 : memref<32x128xf32, #tpu.memory_space<vmem>>) dst(%dma_wait3A_83 : memref<10240x128xf32, #tpu.memory_space<vmem_shared>>)
    %dma_wait3A_84 = arith.constant 311 : i32
    %dma_wait3A_85 = arith.constant 0 : i32
    %dma_wait3A_86 = tpu.memref_slice %arg8[%dma_wait3A_84, %dma_wait3A_85] : memref<316x32xi32, #tpu.memory_space<vmem>> -> memref<1x32xi32, #tpu.memory_space<vmem>>
    %dma_wait3A_87 = tpu.memref_squeeze %dma_wait3A_86 : memref<1x32xi32, #tpu.memory_space<vmem>> -> memref<32xi32, #tpu.memory_space<vmem>>
    %dma_wait3A_88 = arith.constant 0 : i32
    %dma_wait3A_89 = arith.constant 0 : i32
    %dma_wait3A_90 = tpu.memref_slice %arg9[%dma_wait3A_88, %dma_wait3A_89] : memref<10240x128xf32, #tpu.memory_space<vmem_shared>> -> memref<10240x128xf32, #tpu.memory_space<vmem_shared>>
    tpu.wait_indirect_dma semaphore(%arg27 : memref<!tpu.dma_semaphore, #tpu.memory_space<semaphore_mem>>) src(%arg15 : memref<32x128xf32, #tpu.memory_space<vmem>>) dst(%dma_wait3A_90 : memref<10240x128xf32, #tpu.memory_space<vmem_shared>>)
    %barrier3A_91 = arith.constant 0 : index
    tpu.barrier barrier_id(%barrier3A_91)
    %mul3A_92 = arith.constant 640 : i32
    %mul3A_93 = arith.muli %arg1, %mul3A_92 : i32
    %mul3A_94 = arith.constant 640 : i32
    %mul3A_95 = arith.muli %arg1, %mul3A_94 : i32
    "tpu.region"() ({
      %run_scoped3A = tpu.sem_alloc : memref<!tpu.dma_semaphore, #tpu.memory_space<semaphore_mem>>
      %dma_start3A_96 = arith.constant 0 : i32
      %dma_start3A_97 = tpu.memref_slice %arg6[%arg0, %mul3A_95, %dma_start3A_96] : memref<2x10240x128xf32, #tpu.memory_space<hbm>> -> memref<1x640x128xf32, #tpu.memory_space<hbm>>
      %dma_start3A_98 = tpu.memref_squeeze %dma_start3A_97 : memref<1x640x128xf32, #tpu.memory_space<hbm>> -> memref<640x128xf32, #tpu.memory_space<hbm>>
      %dma_start3A_99 = arith.constant 0 : i32
      %dma_start3A_100 = tpu.memref_slice %arg9[%mul3A_93, %dma_start3A_99] : memref<10240x128xf32, #tpu.memory_space<vmem_shared>> -> memref<640x128xf32, #tpu.memory_space<vmem_shared>>
      tpu.enqueue_dma source(%dma_start3A_100 : memref<640x128xf32, #tpu.memory_space<vmem_shared>>) target(%dma_start3A_98 : memref<640x128xf32, #tpu.memory_space<hbm>>) target_semaphore(%run_scoped3A : memref<!tpu.dma_semaphore, #tpu.memory_space<semaphore_mem>>)
      %dma_wait3A_101 = arith.constant 0 : i32
      %dma_wait3A_102 = tpu.memref_slice %arg6[%arg0, %mul3A_95, %dma_wait3A_101] : memref<2x10240x128xf32, #tpu.memory_space<hbm>> -> memref<1x640x128xf32, #tpu.memory_space<hbm>>
      %dma_wait3A_103 = tpu.memref_squeeze %dma_wait3A_102 : memref<1x640x128xf32, #tpu.memory_space<hbm>> -> memref<640x128xf32, #tpu.memory_space<hbm>>
      %dma_wait3A_104 = arith.constant 0 : i32
      %dma_wait3A_105 = tpu.memref_slice %arg9[%mul3A_93, %dma_wait3A_104] : memref<10240x128xf32, #tpu.memory_space<vmem_shared>> -> memref<640x128xf32, #tpu.memory_space<vmem_shared>>
      tpu.wait_dma2 semaphore(%run_scoped3A : memref<!tpu.dma_semaphore, #tpu.memory_space<semaphore_mem>>) src(%dma_wait3A_105 : memref<640x128xf32, #tpu.memory_space<vmem_shared>>) dst(%dma_wait3A_103 : memref<640x128xf32, #tpu.memory_space<hbm>>)
      tpu.yield
    }) : () -> ()
    return
  }
}

#map = affine_map<(d0, d1) -> (0, 0)>
#map1 = affine_map<(d0, d1) -> (0, 0, 0)>
module attributes {stable_mosaic.version = 14 : i64} {
  func.func @_sc_msg(%arg0: i32, %arg1: i32, %arg2: memref<10240x32xf32, #tpu.memory_space<hbm>>, %arg3: memref<32x79x128xi32, #tpu.memory_space<hbm>>, %arg4: memref<32x79x128xi32, #tpu.memory_space<hbm>>, %arg5: memref<640x32xf32, #tpu.memory_space<hbm>>, %arg6: memref<2x10240x32xf32, #tpu.memory_space<hbm>>, %arg7: memref<79x128xi32, #tpu.memory_space<vmem>>, %arg8: memref<79x128xi32, #tpu.memory_space<vmem>>, %arg9: memref<10240x32xf32, #tpu.memory_space<vmem_shared>>, %arg10: memref<128x32xf32, #tpu.memory_space<vmem>>, %arg11: memref<128x32xf32, #tpu.memory_space<vmem>>, %arg12: memref<128x32xf32, #tpu.memory_space<vmem>>, %arg13: memref<128x32xf32, #tpu.memory_space<vmem>>, %arg14: memref<128x32xf32, #tpu.memory_space<vmem>>, %arg15: memref<128x32xf32, #tpu.memory_space<vmem>>, %arg16: memref<128x32xf32, #tpu.memory_space<vmem>>, %arg17: memref<128x32xf32, #tpu.memory_space<vmem>>, %arg18: memref<!tpu.dma_semaphore, #tpu.memory_space<semaphore_mem>>, %arg19: memref<!tpu.dma_semaphore, #tpu.memory_space<semaphore_mem>>, %arg20: memref<!tpu.dma_semaphore, #tpu.memory_space<semaphore_mem>>, %arg21: memref<!tpu.dma_semaphore, #tpu.memory_space<semaphore_mem>>, %arg22: memref<!tpu.dma_semaphore, #tpu.memory_space<semaphore_mem>>, %arg23: memref<!tpu.dma_semaphore, #tpu.memory_space<semaphore_mem>>, %arg24: memref<!tpu.dma_semaphore, #tpu.memory_space<semaphore_mem>>, %arg25: memref<!tpu.dma_semaphore, #tpu.memory_space<semaphore_mem>>, %arg26: memref<!tpu.dma_semaphore, #tpu.memory_space<semaphore_mem>>, %arg27: memref<!tpu.dma_semaphore, #tpu.memory_space<semaphore_mem>>, %arg28: memref<!tpu.dma_semaphore, #tpu.memory_space<semaphore_mem>>, %arg29: memref<!tpu.dma_semaphore, #tpu.memory_space<semaphore_mem>>, %arg30: memref<!tpu.dma_semaphore, #tpu.memory_space<semaphore_mem>>, %arg31: memref<!tpu.dma_semaphore, #tpu.memory_space<semaphore_mem>>, %arg32: memref<!tpu.dma_semaphore, #tpu.memory_space<semaphore_mem>>, %arg33: memref<!tpu.dma_semaphore, #tpu.memory_space<semaphore_mem>>) attributes {dimension_semantics = [#tpu.dimension_semantics<core_parallel>, #tpu.dimension_semantics<subcore_parallel>], iteration_bounds = array<i64: 2, 16>, scalar_prefetch = 0 : i64, scratch_operands = 27 : i64, tpu.core_type = #tpu.core_type<sc_vector_subcore>, window_params = [{transform_indices = #map}, {transform_indices = #map1}, {transform_indices = #map1}, {transform_indices = #map}, {transform_indices = #map1}]} {
    %mul3A = arith.constant 16 : i32
    %mul3A_0 = arith.muli %arg0, %mul3A : i32
    %add3A = arith.addi %mul3A_0, %arg1 : i32
    "tpu.region"() ({
      %run_scoped3A = tpu.sem_alloc : memref<!tpu.dma_semaphore, #tpu.memory_space<semaphore_mem>>
      %dma_start3A_124 = arith.constant 0 : i32
      %dma_start3A_125 = arith.constant 0 : i32
      %dma_start3A_126 = tpu.memref_slice %arg3[%add3A, %dma_start3A_124, %dma_start3A_125] : memref<32x79x128xi32, #tpu.memory_space<hbm>> -> memref<1x79x128xi32, #tpu.memory_space<hbm>>
      %dma_start3A_127 = tpu.memref_squeeze %dma_start3A_126 : memref<1x79x128xi32, #tpu.memory_space<hbm>> -> memref<79x128xi32, #tpu.memory_space<hbm>>
      %dma_start3A_128 = arith.constant 0 : i32
      %dma_start3A_129 = arith.constant 0 : i32
      %dma_start3A_130 = tpu.memref_slice %arg3[%add3A, %dma_start3A_128, %dma_start3A_129] : memref<32x79x128xi32, #tpu.memory_space<hbm>> -> memref<1x79x128xi32, #tpu.memory_space<hbm>>
      %dma_start3A_131 = tpu.memref_squeeze %dma_start3A_130 : memref<1x79x128xi32, #tpu.memory_space<hbm>> -> memref<79x128xi32, #tpu.memory_space<hbm>>
      tpu.enqueue_dma source(%dma_start3A_131 : memref<79x128xi32, #tpu.memory_space<hbm>>) target(%arg7 : memref<79x128xi32, #tpu.memory_space<vmem>>) target_semaphore(%run_scoped3A : memref<!tpu.dma_semaphore, #tpu.memory_space<semaphore_mem>>)
      %dma_wait3A_132 = arith.constant 0 : i32
      %dma_wait3A_133 = arith.constant 0 : i32
      %dma_wait3A_134 = tpu.memref_slice %arg3[%add3A, %dma_wait3A_132, %dma_wait3A_133] : memref<32x79x128xi32, #tpu.memory_space<hbm>> -> memref<1x79x128xi32, #tpu.memory_space<hbm>>
      %dma_wait3A_135 = tpu.memref_squeeze %dma_wait3A_134 : memref<1x79x128xi32, #tpu.memory_space<hbm>> -> memref<79x128xi32, #tpu.memory_space<hbm>>
      %dma_wait3A_136 = arith.constant 0 : i32
      %dma_wait3A_137 = arith.constant 0 : i32
      %dma_wait3A_138 = tpu.memref_slice %arg3[%add3A, %dma_wait3A_136, %dma_wait3A_137] : memref<32x79x128xi32, #tpu.memory_space<hbm>> -> memref<1x79x128xi32, #tpu.memory_space<hbm>>
      %dma_wait3A_139 = tpu.memref_squeeze %dma_wait3A_138 : memref<1x79x128xi32, #tpu.memory_space<hbm>> -> memref<79x128xi32, #tpu.memory_space<hbm>>
      tpu.wait_dma2 semaphore(%run_scoped3A : memref<!tpu.dma_semaphore, #tpu.memory_space<semaphore_mem>>) src(%dma_wait3A_139 : memref<79x128xi32, #tpu.memory_space<hbm>>) dst(%arg7 : memref<79x128xi32, #tpu.memory_space<vmem>>)
      tpu.yield
    }) : () -> ()
    "tpu.region"() ({
      %run_scoped3A = tpu.sem_alloc : memref<!tpu.dma_semaphore, #tpu.memory_space<semaphore_mem>>
      %dma_start3A_124 = arith.constant 0 : i32
      %dma_start3A_125 = arith.constant 0 : i32
      %dma_start3A_126 = tpu.memref_slice %arg4[%add3A, %dma_start3A_124, %dma_start3A_125] : memref<32x79x128xi32, #tpu.memory_space<hbm>> -> memref<1x79x128xi32, #tpu.memory_space<hbm>>
      %dma_start3A_127 = tpu.memref_squeeze %dma_start3A_126 : memref<1x79x128xi32, #tpu.memory_space<hbm>> -> memref<79x128xi32, #tpu.memory_space<hbm>>
      %dma_start3A_128 = arith.constant 0 : i32
      %dma_start3A_129 = arith.constant 0 : i32
      %dma_start3A_130 = tpu.memref_slice %arg4[%add3A, %dma_start3A_128, %dma_start3A_129] : memref<32x79x128xi32, #tpu.memory_space<hbm>> -> memref<1x79x128xi32, #tpu.memory_space<hbm>>
      %dma_start3A_131 = tpu.memref_squeeze %dma_start3A_130 : memref<1x79x128xi32, #tpu.memory_space<hbm>> -> memref<79x128xi32, #tpu.memory_space<hbm>>
      tpu.enqueue_dma source(%dma_start3A_131 : memref<79x128xi32, #tpu.memory_space<hbm>>) target(%arg8 : memref<79x128xi32, #tpu.memory_space<vmem>>) target_semaphore(%run_scoped3A : memref<!tpu.dma_semaphore, #tpu.memory_space<semaphore_mem>>)
      %dma_wait3A_132 = arith.constant 0 : i32
      %dma_wait3A_133 = arith.constant 0 : i32
      %dma_wait3A_134 = tpu.memref_slice %arg4[%add3A, %dma_wait3A_132, %dma_wait3A_133] : memref<32x79x128xi32, #tpu.memory_space<hbm>> -> memref<1x79x128xi32, #tpu.memory_space<hbm>>
      %dma_wait3A_135 = tpu.memref_squeeze %dma_wait3A_134 : memref<1x79x128xi32, #tpu.memory_space<hbm>> -> memref<79x128xi32, #tpu.memory_space<hbm>>
      %dma_wait3A_136 = arith.constant 0 : i32
      %dma_wait3A_137 = arith.constant 0 : i32
      %dma_wait3A_138 = tpu.memref_slice %arg4[%add3A, %dma_wait3A_136, %dma_wait3A_137] : memref<32x79x128xi32, #tpu.memory_space<hbm>> -> memref<1x79x128xi32, #tpu.memory_space<hbm>>
      %dma_wait3A_139 = tpu.memref_squeeze %dma_wait3A_138 : memref<1x79x128xi32, #tpu.memory_space<hbm>> -> memref<79x128xi32, #tpu.memory_space<hbm>>
      tpu.wait_dma2 semaphore(%run_scoped3A : memref<!tpu.dma_semaphore, #tpu.memory_space<semaphore_mem>>) src(%dma_wait3A_139 : memref<79x128xi32, #tpu.memory_space<hbm>>) dst(%arg8 : memref<79x128xi32, #tpu.memory_space<vmem>>)
      tpu.yield
    }) : () -> ()
    %mul3A_1 = arith.constant 640 : i32
    %mul3A_2 = arith.muli %arg1, %mul3A_1 : i32
    "tpu.region"() ({
      %run_scoped3A = tpu.sem_alloc : memref<!tpu.dma_semaphore, #tpu.memory_space<semaphore_mem>>
      %dma_start3A_124 = arith.constant 0 : i32
      %dma_start3A_125 = tpu.memref_slice %arg9[%mul3A_2, %dma_start3A_124] : memref<10240x32xf32, #tpu.memory_space<vmem_shared>> -> memref<640x32xf32, #tpu.memory_space<vmem_shared>>
      tpu.enqueue_dma source(%arg5 : memref<640x32xf32, #tpu.memory_space<hbm>>) target(%dma_start3A_125 : memref<640x32xf32, #tpu.memory_space<vmem_shared>>) target_semaphore(%run_scoped3A : memref<!tpu.dma_semaphore, #tpu.memory_space<semaphore_mem>>)
      %dma_wait3A_126 = arith.constant 0 : i32
      %dma_wait3A_127 = tpu.memref_slice %arg9[%mul3A_2, %dma_wait3A_126] : memref<10240x32xf32, #tpu.memory_space<vmem_shared>> -> memref<640x32xf32, #tpu.memory_space<vmem_shared>>
      tpu.wait_dma2 semaphore(%run_scoped3A : memref<!tpu.dma_semaphore, #tpu.memory_space<semaphore_mem>>) src(%arg5 : memref<640x32xf32, #tpu.memory_space<hbm>>) dst(%dma_wait3A_127 : memref<640x32xf32, #tpu.memory_space<vmem_shared>>)
      tpu.yield
    }) : () -> ()
    %barrier3A = arith.constant 0 : index
    tpu.barrier barrier_id(%barrier3A)
    %dma_start3A = arith.constant 0 : i32
    %dma_start3A_3 = arith.constant 0 : i32
    %dma_start3A_4 = tpu.memref_slice %arg7[%dma_start3A, %dma_start3A_3] : memref<79x128xi32, #tpu.memory_space<vmem>> -> memref<1x128xi32, #tpu.memory_space<vmem>>
    %dma_start3A_5 = tpu.memref_squeeze %dma_start3A_4 : memref<1x128xi32, #tpu.memory_space<vmem>> -> memref<128xi32, #tpu.memory_space<vmem>>
    %dma_start3A_6 = arith.constant 0 : i32
    %dma_start3A_7 = arith.constant 0 : i32
    %dma_start3A_8 = tpu.memref_slice %arg2[%dma_start3A_6, %dma_start3A_7] : memref<10240x32xf32, #tpu.memory_space<hbm>> -> memref<10240x32xf32, #tpu.memory_space<hbm>>
    tpu.enqueue_indirect_dma source(%dma_start3A_8 : memref<10240x32xf32, #tpu.memory_space<hbm>>) target(%arg10 : memref<128x32xf32, #tpu.memory_space<vmem>>) offsets(%dma_start3A_5 : memref<128xi32, #tpu.memory_space<vmem>>) semaphore(%arg18 : memref<!tpu.dma_semaphore, #tpu.memory_space<semaphore_mem>>)
    %dma_start3A_9 = arith.constant 1 : i32
    %dma_start3A_10 = arith.constant 0 : i32
    %dma_start3A_11 = tpu.memref_slice %arg7[%dma_start3A_9, %dma_start3A_10] : memref<79x128xi32, #tpu.memory_space<vmem>> -> memref<1x128xi32, #tpu.memory_space<vmem>>
    %dma_start3A_12 = tpu.memref_squeeze %dma_start3A_11 : memref<1x128xi32, #tpu.memory_space<vmem>> -> memref<128xi32, #tpu.memory_space<vmem>>
    %dma_start3A_13 = arith.constant 0 : i32
    %dma_start3A_14 = arith.constant 0 : i32
    %dma_start3A_15 = tpu.memref_slice %arg2[%dma_start3A_13, %dma_start3A_14] : memref<10240x32xf32, #tpu.memory_space<hbm>> -> memref<10240x32xf32, #tpu.memory_space<hbm>>
    tpu.enqueue_indirect_dma source(%dma_start3A_15 : memref<10240x32xf32, #tpu.memory_space<hbm>>) target(%arg11 : memref<128x32xf32, #tpu.memory_space<vmem>>) offsets(%dma_start3A_12 : memref<128xi32, #tpu.memory_space<vmem>>) semaphore(%arg19 : memref<!tpu.dma_semaphore, #tpu.memory_space<semaphore_mem>>)
    %dma_start3A_16 = arith.constant 2 : i32
    %dma_start3A_17 = arith.constant 0 : i32
    %dma_start3A_18 = tpu.memref_slice %arg7[%dma_start3A_16, %dma_start3A_17] : memref<79x128xi32, #tpu.memory_space<vmem>> -> memref<1x128xi32, #tpu.memory_space<vmem>>
    %dma_start3A_19 = tpu.memref_squeeze %dma_start3A_18 : memref<1x128xi32, #tpu.memory_space<vmem>> -> memref<128xi32, #tpu.memory_space<vmem>>
    %dma_start3A_20 = arith.constant 0 : i32
    %dma_start3A_21 = arith.constant 0 : i32
    %dma_start3A_22 = tpu.memref_slice %arg2[%dma_start3A_20, %dma_start3A_21] : memref<10240x32xf32, #tpu.memory_space<hbm>> -> memref<10240x32xf32, #tpu.memory_space<hbm>>
    tpu.enqueue_indirect_dma source(%dma_start3A_22 : memref<10240x32xf32, #tpu.memory_space<hbm>>) target(%arg12 : memref<128x32xf32, #tpu.memory_space<vmem>>) offsets(%dma_start3A_19 : memref<128xi32, #tpu.memory_space<vmem>>) semaphore(%arg20 : memref<!tpu.dma_semaphore, #tpu.memory_space<semaphore_mem>>)
    %dma_start3A_23 = arith.constant 3 : i32
    %dma_start3A_24 = arith.constant 0 : i32
    %dma_start3A_25 = tpu.memref_slice %arg7[%dma_start3A_23, %dma_start3A_24] : memref<79x128xi32, #tpu.memory_space<vmem>> -> memref<1x128xi32, #tpu.memory_space<vmem>>
    %dma_start3A_26 = tpu.memref_squeeze %dma_start3A_25 : memref<1x128xi32, #tpu.memory_space<vmem>> -> memref<128xi32, #tpu.memory_space<vmem>>
    %dma_start3A_27 = arith.constant 0 : i32
    %dma_start3A_28 = arith.constant 0 : i32
    %dma_start3A_29 = tpu.memref_slice %arg2[%dma_start3A_27, %dma_start3A_28] : memref<10240x32xf32, #tpu.memory_space<hbm>> -> memref<10240x32xf32, #tpu.memory_space<hbm>>
    tpu.enqueue_indirect_dma source(%dma_start3A_29 : memref<10240x32xf32, #tpu.memory_space<hbm>>) target(%arg13 : memref<128x32xf32, #tpu.memory_space<vmem>>) offsets(%dma_start3A_26 : memref<128xi32, #tpu.memory_space<vmem>>) semaphore(%arg21 : memref<!tpu.dma_semaphore, #tpu.memory_space<semaphore_mem>>)
    %dma_start3A_30 = arith.constant 4 : i32
    %dma_start3A_31 = arith.constant 0 : i32
    %dma_start3A_32 = tpu.memref_slice %arg7[%dma_start3A_30, %dma_start3A_31] : memref<79x128xi32, #tpu.memory_space<vmem>> -> memref<1x128xi32, #tpu.memory_space<vmem>>
    %dma_start3A_33 = tpu.memref_squeeze %dma_start3A_32 : memref<1x128xi32, #tpu.memory_space<vmem>> -> memref<128xi32, #tpu.memory_space<vmem>>
    %dma_start3A_34 = arith.constant 0 : i32
    %dma_start3A_35 = arith.constant 0 : i32
    %dma_start3A_36 = tpu.memref_slice %arg2[%dma_start3A_34, %dma_start3A_35] : memref<10240x32xf32, #tpu.memory_space<hbm>> -> memref<10240x32xf32, #tpu.memory_space<hbm>>
    tpu.enqueue_indirect_dma source(%dma_start3A_36 : memref<10240x32xf32, #tpu.memory_space<hbm>>) target(%arg14 : memref<128x32xf32, #tpu.memory_space<vmem>>) offsets(%dma_start3A_33 : memref<128xi32, #tpu.memory_space<vmem>>) semaphore(%arg22 : memref<!tpu.dma_semaphore, #tpu.memory_space<semaphore_mem>>)
    %dma_start3A_37 = arith.constant 5 : i32
    %dma_start3A_38 = arith.constant 0 : i32
    %dma_start3A_39 = tpu.memref_slice %arg7[%dma_start3A_37, %dma_start3A_38] : memref<79x128xi32, #tpu.memory_space<vmem>> -> memref<1x128xi32, #tpu.memory_space<vmem>>
    %dma_start3A_40 = tpu.memref_squeeze %dma_start3A_39 : memref<1x128xi32, #tpu.memory_space<vmem>> -> memref<128xi32, #tpu.memory_space<vmem>>
    %dma_start3A_41 = arith.constant 0 : i32
    %dma_start3A_42 = arith.constant 0 : i32
    %dma_start3A_43 = tpu.memref_slice %arg2[%dma_start3A_41, %dma_start3A_42] : memref<10240x32xf32, #tpu.memory_space<hbm>> -> memref<10240x32xf32, #tpu.memory_space<hbm>>
    tpu.enqueue_indirect_dma source(%dma_start3A_43 : memref<10240x32xf32, #tpu.memory_space<hbm>>) target(%arg15 : memref<128x32xf32, #tpu.memory_space<vmem>>) offsets(%dma_start3A_40 : memref<128xi32, #tpu.memory_space<vmem>>) semaphore(%arg23 : memref<!tpu.dma_semaphore, #tpu.memory_space<semaphore_mem>>)
    %dma_start3A_44 = arith.constant 6 : i32
    %dma_start3A_45 = arith.constant 0 : i32
    %dma_start3A_46 = tpu.memref_slice %arg7[%dma_start3A_44, %dma_start3A_45] : memref<79x128xi32, #tpu.memory_space<vmem>> -> memref<1x128xi32, #tpu.memory_space<vmem>>
    %dma_start3A_47 = tpu.memref_squeeze %dma_start3A_46 : memref<1x128xi32, #tpu.memory_space<vmem>> -> memref<128xi32, #tpu.memory_space<vmem>>
    %dma_start3A_48 = arith.constant 0 : i32
    %dma_start3A_49 = arith.constant 0 : i32
    %dma_start3A_50 = tpu.memref_slice %arg2[%dma_start3A_48, %dma_start3A_49] : memref<10240x32xf32, #tpu.memory_space<hbm>> -> memref<10240x32xf32, #tpu.memory_space<hbm>>
    tpu.enqueue_indirect_dma source(%dma_start3A_50 : memref<10240x32xf32, #tpu.memory_space<hbm>>) target(%arg16 : memref<128x32xf32, #tpu.memory_space<vmem>>) offsets(%dma_start3A_47 : memref<128xi32, #tpu.memory_space<vmem>>) semaphore(%arg24 : memref<!tpu.dma_semaphore, #tpu.memory_space<semaphore_mem>>)
    %dma_start3A_51 = arith.constant 7 : i32
    %dma_start3A_52 = arith.constant 0 : i32
    %dma_start3A_53 = tpu.memref_slice %arg7[%dma_start3A_51, %dma_start3A_52] : memref<79x128xi32, #tpu.memory_space<vmem>> -> memref<1x128xi32, #tpu.memory_space<vmem>>
    %dma_start3A_54 = tpu.memref_squeeze %dma_start3A_53 : memref<1x128xi32, #tpu.memory_space<vmem>> -> memref<128xi32, #tpu.memory_space<vmem>>
    %dma_start3A_55 = arith.constant 0 : i32
    %dma_start3A_56 = arith.constant 0 : i32
    %dma_start3A_57 = tpu.memref_slice %arg2[%dma_start3A_55, %dma_start3A_56] : memref<10240x32xf32, #tpu.memory_space<hbm>> -> memref<10240x32xf32, #tpu.memory_space<hbm>>
    tpu.enqueue_indirect_dma source(%dma_start3A_57 : memref<10240x32xf32, #tpu.memory_space<hbm>>) target(%arg17 : memref<128x32xf32, #tpu.memory_space<vmem>>) offsets(%dma_start3A_54 : memref<128xi32, #tpu.memory_space<vmem>>) semaphore(%arg25 : memref<!tpu.dma_semaphore, #tpu.memory_space<semaphore_mem>>)
    %scan3A = arith.constant 0 : i32
    %scan3A_58 = arith.constant 0 : i32
    %scan3A_59 = arith.constant 10 : i32
    %scan3A_60 = arith.addi %scan3A_58, %scan3A_59 : i32
    %scan3A_61 = arith.constant 1 : i32
    %scan3A_62 = scf.for %scan3A_124 = %scan3A_58 to %scan3A_60 step %scan3A_61 iter_args(%scan3A_125 = %scan3A) -> (i32)  : i32 {
      %mul3A_126 = arith.constant 8 : i32
      %mul3A_127 = arith.muli %scan3A_124, %mul3A_126 : i32
      %add3A_128 = arith.constant 0 : i32
      %add3A_129 = arith.addi %mul3A_127, %add3A_128 : i32
      %lt3A = arith.constant 79 : i32
      %lt3A_130 = arith.cmpi slt, %add3A_129, %lt3A : i32
      %convert_element_type3A = arith.extui %lt3A_130 : i1 to i32
      %cond3A = arith.constant 0 : i32
      %cond3A_131 = arith.cmpi ne, %convert_element_type3A, %cond3A : i32
      scf.if %cond3A_131 {
        %dma_wait3A_284 = arith.constant 0 : i32
        %dma_wait3A_285 = tpu.memref_slice %arg7[%add3A_129, %dma_wait3A_284] : memref<79x128xi32, #tpu.memory_space<vmem>> -> memref<1x128xi32, #tpu.memory_space<vmem>>
        %dma_wait3A_286 = tpu.memref_squeeze %dma_wait3A_285 : memref<1x128xi32, #tpu.memory_space<vmem>> -> memref<128xi32, #tpu.memory_space<vmem>>
        %dma_wait3A_287 = arith.constant 0 : i32
        %dma_wait3A_288 = arith.constant 0 : i32
        %dma_wait3A_289 = tpu.memref_slice %arg2[%dma_wait3A_287, %dma_wait3A_288] : memref<10240x32xf32, #tpu.memory_space<hbm>> -> memref<10240x32xf32, #tpu.memory_space<hbm>>
        tpu.wait_indirect_dma semaphore(%arg18 : memref<!tpu.dma_semaphore, #tpu.memory_space<semaphore_mem>>) src(%dma_wait3A_289 : memref<10240x32xf32, #tpu.memory_space<hbm>>) dst(%arg10 : memref<128x32xf32, #tpu.memory_space<vmem>>)
        %dma_start3A_290 = arith.constant 0 : i32
        %dma_start3A_291 = tpu.memref_slice %arg8[%add3A_129, %dma_start3A_290] : memref<79x128xi32, #tpu.memory_space<vmem>> -> memref<1x128xi32, #tpu.memory_space<vmem>>
        %dma_start3A_292 = tpu.memref_squeeze %dma_start3A_291 : memref<1x128xi32, #tpu.memory_space<vmem>> -> memref<128xi32, #tpu.memory_space<vmem>>
        %dma_start3A_293 = arith.constant 0 : i32
        %dma_start3A_294 = arith.constant 0 : i32
        %dma_start3A_295 = tpu.memref_slice %arg9[%dma_start3A_293, %dma_start3A_294] : memref<10240x32xf32, #tpu.memory_space<vmem_shared>> -> memref<10240x32xf32, #tpu.memory_space<vmem_shared>>
        tpu.enqueue_indirect_dma source(%arg10 : memref<128x32xf32, #tpu.memory_space<vmem>>) target(%dma_start3A_295 : memref<10240x32xf32, #tpu.memory_space<vmem_shared>>) offsets(%dma_start3A_292 : memref<128xi32, #tpu.memory_space<vmem>>) semaphore(%arg26 : memref<!tpu.dma_semaphore, #tpu.memory_space<semaphore_mem>>) {add = true}
      } else {
      }
      %mul3A_132 = arith.constant 8 : i32
      %mul3A_133 = arith.muli %scan3A_124, %mul3A_132 : i32
      %add3A_134 = arith.constant 1 : i32
      %add3A_135 = arith.addi %mul3A_133, %add3A_134 : i32
      %lt3A_136 = arith.constant 79 : i32
      %lt3A_137 = arith.cmpi slt, %add3A_135, %lt3A_136 : i32
      %convert_element_type3A_138 = arith.extui %lt3A_137 : i1 to i32
      %cond3A_139 = arith.constant 0 : i32
      %cond3A_140 = arith.cmpi ne, %convert_element_type3A_138, %cond3A_139 : i32
      scf.if %cond3A_140 {
        %dma_wait3A_284 = arith.constant 0 : i32
        %dma_wait3A_285 = tpu.memref_slice %arg7[%add3A_135, %dma_wait3A_284] : memref<79x128xi32, #tpu.memory_space<vmem>> -> memref<1x128xi32, #tpu.memory_space<vmem>>
        %dma_wait3A_286 = tpu.memref_squeeze %dma_wait3A_285 : memref<1x128xi32, #tpu.memory_space<vmem>> -> memref<128xi32, #tpu.memory_space<vmem>>
        %dma_wait3A_287 = arith.constant 0 : i32
        %dma_wait3A_288 = arith.constant 0 : i32
        %dma_wait3A_289 = tpu.memref_slice %arg2[%dma_wait3A_287, %dma_wait3A_288] : memref<10240x32xf32, #tpu.memory_space<hbm>> -> memref<10240x32xf32, #tpu.memory_space<hbm>>
        tpu.wait_indirect_dma semaphore(%arg19 : memref<!tpu.dma_semaphore, #tpu.memory_space<semaphore_mem>>) src(%dma_wait3A_289 : memref<10240x32xf32, #tpu.memory_space<hbm>>) dst(%arg11 : memref<128x32xf32, #tpu.memory_space<vmem>>)
        %dma_start3A_290 = arith.constant 0 : i32
        %dma_start3A_291 = tpu.memref_slice %arg8[%add3A_135, %dma_start3A_290] : memref<79x128xi32, #tpu.memory_space<vmem>> -> memref<1x128xi32, #tpu.memory_space<vmem>>
        %dma_start3A_292 = tpu.memref_squeeze %dma_start3A_291 : memref<1x128xi32, #tpu.memory_space<vmem>> -> memref<128xi32, #tpu.memory_space<vmem>>
        %dma_start3A_293 = arith.constant 0 : i32
        %dma_start3A_294 = arith.constant 0 : i32
        %dma_start3A_295 = tpu.memref_slice %arg9[%dma_start3A_293, %dma_start3A_294] : memref<10240x32xf32, #tpu.memory_space<vmem_shared>> -> memref<10240x32xf32, #tpu.memory_space<vmem_shared>>
        tpu.enqueue_indirect_dma source(%arg11 : memref<128x32xf32, #tpu.memory_space<vmem>>) target(%dma_start3A_295 : memref<10240x32xf32, #tpu.memory_space<vmem_shared>>) offsets(%dma_start3A_292 : memref<128xi32, #tpu.memory_space<vmem>>) semaphore(%arg27 : memref<!tpu.dma_semaphore, #tpu.memory_space<semaphore_mem>>) {add = true}
      } else {
      }
      %mul3A_141 = arith.constant 8 : i32
      %mul3A_142 = arith.muli %scan3A_124, %mul3A_141 : i32
      %add3A_143 = arith.constant 2 : i32
      %add3A_144 = arith.addi %mul3A_142, %add3A_143 : i32
      %lt3A_145 = arith.constant 79 : i32
      %lt3A_146 = arith.cmpi slt, %add3A_144, %lt3A_145 : i32
      %convert_element_type3A_147 = arith.extui %lt3A_146 : i1 to i32
      %cond3A_148 = arith.constant 0 : i32
      %cond3A_149 = arith.cmpi ne, %convert_element_type3A_147, %cond3A_148 : i32
      scf.if %cond3A_149 {
        %dma_wait3A_284 = arith.constant 0 : i32
        %dma_wait3A_285 = tpu.memref_slice %arg7[%add3A_144, %dma_wait3A_284] : memref<79x128xi32, #tpu.memory_space<vmem>> -> memref<1x128xi32, #tpu.memory_space<vmem>>
        %dma_wait3A_286 = tpu.memref_squeeze %dma_wait3A_285 : memref<1x128xi32, #tpu.memory_space<vmem>> -> memref<128xi32, #tpu.memory_space<vmem>>
        %dma_wait3A_287 = arith.constant 0 : i32
        %dma_wait3A_288 = arith.constant 0 : i32
        %dma_wait3A_289 = tpu.memref_slice %arg2[%dma_wait3A_287, %dma_wait3A_288] : memref<10240x32xf32, #tpu.memory_space<hbm>> -> memref<10240x32xf32, #tpu.memory_space<hbm>>
        tpu.wait_indirect_dma semaphore(%arg20 : memref<!tpu.dma_semaphore, #tpu.memory_space<semaphore_mem>>) src(%dma_wait3A_289 : memref<10240x32xf32, #tpu.memory_space<hbm>>) dst(%arg12 : memref<128x32xf32, #tpu.memory_space<vmem>>)
        %dma_start3A_290 = arith.constant 0 : i32
        %dma_start3A_291 = tpu.memref_slice %arg8[%add3A_144, %dma_start3A_290] : memref<79x128xi32, #tpu.memory_space<vmem>> -> memref<1x128xi32, #tpu.memory_space<vmem>>
        %dma_start3A_292 = tpu.memref_squeeze %dma_start3A_291 : memref<1x128xi32, #tpu.memory_space<vmem>> -> memref<128xi32, #tpu.memory_space<vmem>>
        %dma_start3A_293 = arith.constant 0 : i32
        %dma_start3A_294 = arith.constant 0 : i32
        %dma_start3A_295 = tpu.memref_slice %arg9[%dma_start3A_293, %dma_start3A_294] : memref<10240x32xf32, #tpu.memory_space<vmem_shared>> -> memref<10240x32xf32, #tpu.memory_space<vmem_shared>>
        tpu.enqueue_indirect_dma source(%arg12 : memref<128x32xf32, #tpu.memory_space<vmem>>) target(%dma_start3A_295 : memref<10240x32xf32, #tpu.memory_space<vmem_shared>>) offsets(%dma_start3A_292 : memref<128xi32, #tpu.memory_space<vmem>>) semaphore(%arg28 : memref<!tpu.dma_semaphore, #tpu.memory_space<semaphore_mem>>) {add = true}
      } else {
      }
      %mul3A_150 = arith.constant 8 : i32
      %mul3A_151 = arith.muli %scan3A_124, %mul3A_150 : i32
      %add3A_152 = arith.constant 3 : i32
      %add3A_153 = arith.addi %mul3A_151, %add3A_152 : i32
      %lt3A_154 = arith.constant 79 : i32
      %lt3A_155 = arith.cmpi slt, %add3A_153, %lt3A_154 : i32
      %convert_element_type3A_156 = arith.extui %lt3A_155 : i1 to i32
      %cond3A_157 = arith.constant 0 : i32
      %cond3A_158 = arith.cmpi ne, %convert_element_type3A_156, %cond3A_157 : i32
      scf.if %cond3A_158 {
        %dma_wait3A_284 = arith.constant 0 : i32
        %dma_wait3A_285 = tpu.memref_slice %arg7[%add3A_153, %dma_wait3A_284] : memref<79x128xi32, #tpu.memory_space<vmem>> -> memref<1x128xi32, #tpu.memory_space<vmem>>
        %dma_wait3A_286 = tpu.memref_squeeze %dma_wait3A_285 : memref<1x128xi32, #tpu.memory_space<vmem>> -> memref<128xi32, #tpu.memory_space<vmem>>
        %dma_wait3A_287 = arith.constant 0 : i32
        %dma_wait3A_288 = arith.constant 0 : i32
        %dma_wait3A_289 = tpu.memref_slice %arg2[%dma_wait3A_287, %dma_wait3A_288] : memref<10240x32xf32, #tpu.memory_space<hbm>> -> memref<10240x32xf32, #tpu.memory_space<hbm>>
        tpu.wait_indirect_dma semaphore(%arg21 : memref<!tpu.dma_semaphore, #tpu.memory_space<semaphore_mem>>) src(%dma_wait3A_289 : memref<10240x32xf32, #tpu.memory_space<hbm>>) dst(%arg13 : memref<128x32xf32, #tpu.memory_space<vmem>>)
        %dma_start3A_290 = arith.constant 0 : i32
        %dma_start3A_291 = tpu.memref_slice %arg8[%add3A_153, %dma_start3A_290] : memref<79x128xi32, #tpu.memory_space<vmem>> -> memref<1x128xi32, #tpu.memory_space<vmem>>
        %dma_start3A_292 = tpu.memref_squeeze %dma_start3A_291 : memref<1x128xi32, #tpu.memory_space<vmem>> -> memref<128xi32, #tpu.memory_space<vmem>>
        %dma_start3A_293 = arith.constant 0 : i32
        %dma_start3A_294 = arith.constant 0 : i32
        %dma_start3A_295 = tpu.memref_slice %arg9[%dma_start3A_293, %dma_start3A_294] : memref<10240x32xf32, #tpu.memory_space<vmem_shared>> -> memref<10240x32xf32, #tpu.memory_space<vmem_shared>>
        tpu.enqueue_indirect_dma source(%arg13 : memref<128x32xf32, #tpu.memory_space<vmem>>) target(%dma_start3A_295 : memref<10240x32xf32, #tpu.memory_space<vmem_shared>>) offsets(%dma_start3A_292 : memref<128xi32, #tpu.memory_space<vmem>>) semaphore(%arg29 : memref<!tpu.dma_semaphore, #tpu.memory_space<semaphore_mem>>) {add = true}
      } else {
      }
      %mul3A_159 = arith.constant 8 : i32
      %mul3A_160 = arith.muli %scan3A_124, %mul3A_159 : i32
      %add3A_161 = arith.constant 4 : i32
      %add3A_162 = arith.addi %mul3A_160, %add3A_161 : i32
      %lt3A_163 = arith.constant 79 : i32
      %lt3A_164 = arith.cmpi slt, %add3A_162, %lt3A_163 : i32
      %convert_element_type3A_165 = arith.extui %lt3A_164 : i1 to i32
      %cond3A_166 = arith.constant 0 : i32
      %cond3A_167 = arith.cmpi ne, %convert_element_type3A_165, %cond3A_166 : i32
      scf.if %cond3A_167 {
        %dma_wait3A_284 = arith.constant 0 : i32
        %dma_wait3A_285 = tpu.memref_slice %arg7[%add3A_162, %dma_wait3A_284] : memref<79x128xi32, #tpu.memory_space<vmem>> -> memref<1x128xi32, #tpu.memory_space<vmem>>
        %dma_wait3A_286 = tpu.memref_squeeze %dma_wait3A_285 : memref<1x128xi32, #tpu.memory_space<vmem>> -> memref<128xi32, #tpu.memory_space<vmem>>
        %dma_wait3A_287 = arith.constant 0 : i32
        %dma_wait3A_288 = arith.constant 0 : i32
        %dma_wait3A_289 = tpu.memref_slice %arg2[%dma_wait3A_287, %dma_wait3A_288] : memref<10240x32xf32, #tpu.memory_space<hbm>> -> memref<10240x32xf32, #tpu.memory_space<hbm>>
        tpu.wait_indirect_dma semaphore(%arg22 : memref<!tpu.dma_semaphore, #tpu.memory_space<semaphore_mem>>) src(%dma_wait3A_289 : memref<10240x32xf32, #tpu.memory_space<hbm>>) dst(%arg14 : memref<128x32xf32, #tpu.memory_space<vmem>>)
        %dma_start3A_290 = arith.constant 0 : i32
        %dma_start3A_291 = tpu.memref_slice %arg8[%add3A_162, %dma_start3A_290] : memref<79x128xi32, #tpu.memory_space<vmem>> -> memref<1x128xi32, #tpu.memory_space<vmem>>
        %dma_start3A_292 = tpu.memref_squeeze %dma_start3A_291 : memref<1x128xi32, #tpu.memory_space<vmem>> -> memref<128xi32, #tpu.memory_space<vmem>>
        %dma_start3A_293 = arith.constant 0 : i32
        %dma_start3A_294 = arith.constant 0 : i32
        %dma_start3A_295 = tpu.memref_slice %arg9[%dma_start3A_293, %dma_start3A_294] : memref<10240x32xf32, #tpu.memory_space<vmem_shared>> -> memref<10240x32xf32, #tpu.memory_space<vmem_shared>>
        tpu.enqueue_indirect_dma source(%arg14 : memref<128x32xf32, #tpu.memory_space<vmem>>) target(%dma_start3A_295 : memref<10240x32xf32, #tpu.memory_space<vmem_shared>>) offsets(%dma_start3A_292 : memref<128xi32, #tpu.memory_space<vmem>>) semaphore(%arg30 : memref<!tpu.dma_semaphore, #tpu.memory_space<semaphore_mem>>) {add = true}
      } else {
      }
      %mul3A_168 = arith.constant 8 : i32
      %mul3A_169 = arith.muli %scan3A_124, %mul3A_168 : i32
      %add3A_170 = arith.constant 5 : i32
      %add3A_171 = arith.addi %mul3A_169, %add3A_170 : i32
      %lt3A_172 = arith.constant 79 : i32
      %lt3A_173 = arith.cmpi slt, %add3A_171, %lt3A_172 : i32
      %convert_element_type3A_174 = arith.extui %lt3A_173 : i1 to i32
      %cond3A_175 = arith.constant 0 : i32
      %cond3A_176 = arith.cmpi ne, %convert_element_type3A_174, %cond3A_175 : i32
      scf.if %cond3A_176 {
        %dma_wait3A_284 = arith.constant 0 : i32
        %dma_wait3A_285 = tpu.memref_slice %arg7[%add3A_171, %dma_wait3A_284] : memref<79x128xi32, #tpu.memory_space<vmem>> -> memref<1x128xi32, #tpu.memory_space<vmem>>
        %dma_wait3A_286 = tpu.memref_squeeze %dma_wait3A_285 : memref<1x128xi32, #tpu.memory_space<vmem>> -> memref<128xi32, #tpu.memory_space<vmem>>
        %dma_wait3A_287 = arith.constant 0 : i32
        %dma_wait3A_288 = arith.constant 0 : i32
        %dma_wait3A_289 = tpu.memref_slice %arg2[%dma_wait3A_287, %dma_wait3A_288] : memref<10240x32xf32, #tpu.memory_space<hbm>> -> memref<10240x32xf32, #tpu.memory_space<hbm>>
        tpu.wait_indirect_dma semaphore(%arg23 : memref<!tpu.dma_semaphore, #tpu.memory_space<semaphore_mem>>) src(%dma_wait3A_289 : memref<10240x32xf32, #tpu.memory_space<hbm>>) dst(%arg15 : memref<128x32xf32, #tpu.memory_space<vmem>>)
        %dma_start3A_290 = arith.constant 0 : i32
        %dma_start3A_291 = tpu.memref_slice %arg8[%add3A_171, %dma_start3A_290] : memref<79x128xi32, #tpu.memory_space<vmem>> -> memref<1x128xi32, #tpu.memory_space<vmem>>
        %dma_start3A_292 = tpu.memref_squeeze %dma_start3A_291 : memref<1x128xi32, #tpu.memory_space<vmem>> -> memref<128xi32, #tpu.memory_space<vmem>>
        %dma_start3A_293 = arith.constant 0 : i32
        %dma_start3A_294 = arith.constant 0 : i32
        %dma_start3A_295 = tpu.memref_slice %arg9[%dma_start3A_293, %dma_start3A_294] : memref<10240x32xf32, #tpu.memory_space<vmem_shared>> -> memref<10240x32xf32, #tpu.memory_space<vmem_shared>>
        tpu.enqueue_indirect_dma source(%arg15 : memref<128x32xf32, #tpu.memory_space<vmem>>) target(%dma_start3A_295 : memref<10240x32xf32, #tpu.memory_space<vmem_shared>>) offsets(%dma_start3A_292 : memref<128xi32, #tpu.memory_space<vmem>>) semaphore(%arg31 : memref<!tpu.dma_semaphore, #tpu.memory_space<semaphore_mem>>) {add = true}
      } else {
      }
      %mul3A_177 = arith.constant 8 : i32
      %mul3A_178 = arith.muli %scan3A_124, %mul3A_177 : i32
      %add3A_179 = arith.constant 6 : i32
      %add3A_180 = arith.addi %mul3A_178, %add3A_179 : i32
      %lt3A_181 = arith.constant 79 : i32
      %lt3A_182 = arith.cmpi slt, %add3A_180, %lt3A_181 : i32
      %convert_element_type3A_183 = arith.extui %lt3A_182 : i1 to i32
      %cond3A_184 = arith.constant 0 : i32
      %cond3A_185 = arith.cmpi ne, %convert_element_type3A_183, %cond3A_184 : i32
      scf.if %cond3A_185 {
        %dma_wait3A_284 = arith.constant 0 : i32
        %dma_wait3A_285 = tpu.memref_slice %arg7[%add3A_180, %dma_wait3A_284] : memref<79x128xi32, #tpu.memory_space<vmem>> -> memref<1x128xi32, #tpu.memory_space<vmem>>
        %dma_wait3A_286 = tpu.memref_squeeze %dma_wait3A_285 : memref<1x128xi32, #tpu.memory_space<vmem>> -> memref<128xi32, #tpu.memory_space<vmem>>
        %dma_wait3A_287 = arith.constant 0 : i32
        %dma_wait3A_288 = arith.constant 0 : i32
        %dma_wait3A_289 = tpu.memref_slice %arg2[%dma_wait3A_287, %dma_wait3A_288] : memref<10240x32xf32, #tpu.memory_space<hbm>> -> memref<10240x32xf32, #tpu.memory_space<hbm>>
        tpu.wait_indirect_dma semaphore(%arg24 : memref<!tpu.dma_semaphore, #tpu.memory_space<semaphore_mem>>) src(%dma_wait3A_289 : memref<10240x32xf32, #tpu.memory_space<hbm>>) dst(%arg16 : memref<128x32xf32, #tpu.memory_space<vmem>>)
        %dma_start3A_290 = arith.constant 0 : i32
        %dma_start3A_291 = tpu.memref_slice %arg8[%add3A_180, %dma_start3A_290] : memref<79x128xi32, #tpu.memory_space<vmem>> -> memref<1x128xi32, #tpu.memory_space<vmem>>
        %dma_start3A_292 = tpu.memref_squeeze %dma_start3A_291 : memref<1x128xi32, #tpu.memory_space<vmem>> -> memref<128xi32, #tpu.memory_space<vmem>>
        %dma_start3A_293 = arith.constant 0 : i32
        %dma_start3A_294 = arith.constant 0 : i32
        %dma_start3A_295 = tpu.memref_slice %arg9[%dma_start3A_293, %dma_start3A_294] : memref<10240x32xf32, #tpu.memory_space<vmem_shared>> -> memref<10240x32xf32, #tpu.memory_space<vmem_shared>>
        tpu.enqueue_indirect_dma source(%arg16 : memref<128x32xf32, #tpu.memory_space<vmem>>) target(%dma_start3A_295 : memref<10240x32xf32, #tpu.memory_space<vmem_shared>>) offsets(%dma_start3A_292 : memref<128xi32, #tpu.memory_space<vmem>>) semaphore(%arg32 : memref<!tpu.dma_semaphore, #tpu.memory_space<semaphore_mem>>) {add = true}
      } else {
      }
      %mul3A_186 = arith.constant 8 : i32
      %mul3A_187 = arith.muli %scan3A_124, %mul3A_186 : i32
      %add3A_188 = arith.constant 7 : i32
      %add3A_189 = arith.addi %mul3A_187, %add3A_188 : i32
      %lt3A_190 = arith.constant 79 : i32
      %lt3A_191 = arith.cmpi slt, %add3A_189, %lt3A_190 : i32
      %convert_element_type3A_192 = arith.extui %lt3A_191 : i1 to i32
      %cond3A_193 = arith.constant 0 : i32
      %cond3A_194 = arith.cmpi ne, %convert_element_type3A_192, %cond3A_193 : i32
      scf.if %cond3A_194 {
        %dma_wait3A_284 = arith.constant 0 : i32
        %dma_wait3A_285 = tpu.memref_slice %arg7[%add3A_189, %dma_wait3A_284] : memref<79x128xi32, #tpu.memory_space<vmem>> -> memref<1x128xi32, #tpu.memory_space<vmem>>
        %dma_wait3A_286 = tpu.memref_squeeze %dma_wait3A_285 : memref<1x128xi32, #tpu.memory_space<vmem>> -> memref<128xi32, #tpu.memory_space<vmem>>
        %dma_wait3A_287 = arith.constant 0 : i32
        %dma_wait3A_288 = arith.constant 0 : i32
        %dma_wait3A_289 = tpu.memref_slice %arg2[%dma_wait3A_287, %dma_wait3A_288] : memref<10240x32xf32, #tpu.memory_space<hbm>> -> memref<10240x32xf32, #tpu.memory_space<hbm>>
        tpu.wait_indirect_dma semaphore(%arg25 : memref<!tpu.dma_semaphore, #tpu.memory_space<semaphore_mem>>) src(%dma_wait3A_289 : memref<10240x32xf32, #tpu.memory_space<hbm>>) dst(%arg17 : memref<128x32xf32, #tpu.memory_space<vmem>>)
        %dma_start3A_290 = arith.constant 0 : i32
        %dma_start3A_291 = tpu.memref_slice %arg8[%add3A_189, %dma_start3A_290] : memref<79x128xi32, #tpu.memory_space<vmem>> -> memref<1x128xi32, #tpu.memory_space<vmem>>
        %dma_start3A_292 = tpu.memref_squeeze %dma_start3A_291 : memref<1x128xi32, #tpu.memory_space<vmem>> -> memref<128xi32, #tpu.memory_space<vmem>>
        %dma_start3A_293 = arith.constant 0 : i32
        %dma_start3A_294 = arith.constant 0 : i32
        %dma_start3A_295 = tpu.memref_slice %arg9[%dma_start3A_293, %dma_start3A_294] : memref<10240x32xf32, #tpu.memory_space<vmem_shared>> -> memref<10240x32xf32, #tpu.memory_space<vmem_shared>>
        tpu.enqueue_indirect_dma source(%arg17 : memref<128x32xf32, #tpu.memory_space<vmem>>) target(%dma_start3A_295 : memref<10240x32xf32, #tpu.memory_space<vmem_shared>>) offsets(%dma_start3A_292 : memref<128xi32, #tpu.memory_space<vmem>>) semaphore(%arg33 : memref<!tpu.dma_semaphore, #tpu.memory_space<semaphore_mem>>) {add = true}
      } else {
      }
      %add3A_195 = arith.constant 1 : i32
      %add3A_196 = arith.addi %scan3A_124, %add3A_195 : i32
      %mul3A_197 = arith.constant 8 : i32
      %mul3A_198 = arith.muli %add3A_196, %mul3A_197 : i32
      %add3A_199 = arith.constant 0 : i32
      %add3A_200 = arith.addi %mul3A_198, %add3A_199 : i32
      %lt3A_201 = arith.constant 79 : i32
      %lt3A_202 = arith.cmpi slt, %add3A_200, %lt3A_201 : i32
      %convert_element_type3A_203 = arith.extui %lt3A_202 : i1 to i32
      %cond3A_204 = arith.constant 0 : i32
      %cond3A_205 = arith.cmpi ne, %convert_element_type3A_203, %cond3A_204 : i32
      scf.if %cond3A_205 {
        %sub3A = arith.constant 8 : i32
        %sub3A_284 = arith.subi %add3A_200, %sub3A : i32
        %dma_wait3A_285 = arith.constant 0 : i32
        %dma_wait3A_286 = tpu.memref_slice %arg8[%sub3A_284, %dma_wait3A_285] : memref<79x128xi32, #tpu.memory_space<vmem>> -> memref<1x128xi32, #tpu.memory_space<vmem>>
        %dma_wait3A_287 = tpu.memref_squeeze %dma_wait3A_286 : memref<1x128xi32, #tpu.memory_space<vmem>> -> memref<128xi32, #tpu.memory_space<vmem>>
        %dma_wait3A_288 = arith.constant 0 : i32
        %dma_wait3A_289 = arith.constant 0 : i32
        %dma_wait3A_290 = tpu.memref_slice %arg9[%dma_wait3A_288, %dma_wait3A_289] : memref<10240x32xf32, #tpu.memory_space<vmem_shared>> -> memref<10240x32xf32, #tpu.memory_space<vmem_shared>>
        tpu.wait_indirect_dma semaphore(%arg26 : memref<!tpu.dma_semaphore, #tpu.memory_space<semaphore_mem>>) src(%arg10 : memref<128x32xf32, #tpu.memory_space<vmem>>) dst(%dma_wait3A_290 : memref<10240x32xf32, #tpu.memory_space<vmem_shared>>)
        %dma_start3A_291 = arith.constant 0 : i32
        %dma_start3A_292 = tpu.memref_slice %arg7[%add3A_200, %dma_start3A_291] : memref<79x128xi32, #tpu.memory_space<vmem>> -> memref<1x128xi32, #tpu.memory_space<vmem>>
        %dma_start3A_293 = tpu.memref_squeeze %dma_start3A_292 : memref<1x128xi32, #tpu.memory_space<vmem>> -> memref<128xi32, #tpu.memory_space<vmem>>
        %dma_start3A_294 = arith.constant 0 : i32
        %dma_start3A_295 = arith.constant 0 : i32
        %dma_start3A_296 = tpu.memref_slice %arg2[%dma_start3A_294, %dma_start3A_295] : memref<10240x32xf32, #tpu.memory_space<hbm>> -> memref<10240x32xf32, #tpu.memory_space<hbm>>
        tpu.enqueue_indirect_dma source(%dma_start3A_296 : memref<10240x32xf32, #tpu.memory_space<hbm>>) target(%arg10 : memref<128x32xf32, #tpu.memory_space<vmem>>) offsets(%dma_start3A_293 : memref<128xi32, #tpu.memory_space<vmem>>) semaphore(%arg18 : memref<!tpu.dma_semaphore, #tpu.memory_space<semaphore_mem>>)
      } else {
      }
      %add3A_206 = arith.constant 1 : i32
      %add3A_207 = arith.addi %scan3A_124, %add3A_206 : i32
      %mul3A_208 = arith.constant 8 : i32
      %mul3A_209 = arith.muli %add3A_207, %mul3A_208 : i32
      %add3A_210 = arith.constant 1 : i32
      %add3A_211 = arith.addi %mul3A_209, %add3A_210 : i32
      %lt3A_212 = arith.constant 79 : i32
      %lt3A_213 = arith.cmpi slt, %add3A_211, %lt3A_212 : i32
      %convert_element_type3A_214 = arith.extui %lt3A_213 : i1 to i32
      %cond3A_215 = arith.constant 0 : i32
      %cond3A_216 = arith.cmpi ne, %convert_element_type3A_214, %cond3A_215 : i32
      scf.if %cond3A_216 {
        %sub3A = arith.constant 8 : i32
        %sub3A_284 = arith.subi %add3A_211, %sub3A : i32
        %dma_wait3A_285 = arith.constant 0 : i32
        %dma_wait3A_286 = tpu.memref_slice %arg8[%sub3A_284, %dma_wait3A_285] : memref<79x128xi32, #tpu.memory_space<vmem>> -> memref<1x128xi32, #tpu.memory_space<vmem>>
        %dma_wait3A_287 = tpu.memref_squeeze %dma_wait3A_286 : memref<1x128xi32, #tpu.memory_space<vmem>> -> memref<128xi32, #tpu.memory_space<vmem>>
        %dma_wait3A_288 = arith.constant 0 : i32
        %dma_wait3A_289 = arith.constant 0 : i32
        %dma_wait3A_290 = tpu.memref_slice %arg9[%dma_wait3A_288, %dma_wait3A_289] : memref<10240x32xf32, #tpu.memory_space<vmem_shared>> -> memref<10240x32xf32, #tpu.memory_space<vmem_shared>>
        tpu.wait_indirect_dma semaphore(%arg27 : memref<!tpu.dma_semaphore, #tpu.memory_space<semaphore_mem>>) src(%arg11 : memref<128x32xf32, #tpu.memory_space<vmem>>) dst(%dma_wait3A_290 : memref<10240x32xf32, #tpu.memory_space<vmem_shared>>)
        %dma_start3A_291 = arith.constant 0 : i32
        %dma_start3A_292 = tpu.memref_slice %arg7[%add3A_211, %dma_start3A_291] : memref<79x128xi32, #tpu.memory_space<vmem>> -> memref<1x128xi32, #tpu.memory_space<vmem>>
        %dma_start3A_293 = tpu.memref_squeeze %dma_start3A_292 : memref<1x128xi32, #tpu.memory_space<vmem>> -> memref<128xi32, #tpu.memory_space<vmem>>
        %dma_start3A_294 = arith.constant 0 : i32
        %dma_start3A_295 = arith.constant 0 : i32
        %dma_start3A_296 = tpu.memref_slice %arg2[%dma_start3A_294, %dma_start3A_295] : memref<10240x32xf32, #tpu.memory_space<hbm>> -> memref<10240x32xf32, #tpu.memory_space<hbm>>
        tpu.enqueue_indirect_dma source(%dma_start3A_296 : memref<10240x32xf32, #tpu.memory_space<hbm>>) target(%arg11 : memref<128x32xf32, #tpu.memory_space<vmem>>) offsets(%dma_start3A_293 : memref<128xi32, #tpu.memory_space<vmem>>) semaphore(%arg19 : memref<!tpu.dma_semaphore, #tpu.memory_space<semaphore_mem>>)
      } else {
      }
      %add3A_217 = arith.constant 1 : i32
      %add3A_218 = arith.addi %scan3A_124, %add3A_217 : i32
      %mul3A_219 = arith.constant 8 : i32
      %mul3A_220 = arith.muli %add3A_218, %mul3A_219 : i32
      %add3A_221 = arith.constant 2 : i32
      %add3A_222 = arith.addi %mul3A_220, %add3A_221 : i32
      %lt3A_223 = arith.constant 79 : i32
      %lt3A_224 = arith.cmpi slt, %add3A_222, %lt3A_223 : i32
      %convert_element_type3A_225 = arith.extui %lt3A_224 : i1 to i32
      %cond3A_226 = arith.constant 0 : i32
      %cond3A_227 = arith.cmpi ne, %convert_element_type3A_225, %cond3A_226 : i32
      scf.if %cond3A_227 {
        %sub3A = arith.constant 8 : i32
        %sub3A_284 = arith.subi %add3A_222, %sub3A : i32
        %dma_wait3A_285 = arith.constant 0 : i32
        %dma_wait3A_286 = tpu.memref_slice %arg8[%sub3A_284, %dma_wait3A_285] : memref<79x128xi32, #tpu.memory_space<vmem>> -> memref<1x128xi32, #tpu.memory_space<vmem>>
        %dma_wait3A_287 = tpu.memref_squeeze %dma_wait3A_286 : memref<1x128xi32, #tpu.memory_space<vmem>> -> memref<128xi32, #tpu.memory_space<vmem>>
        %dma_wait3A_288 = arith.constant 0 : i32
        %dma_wait3A_289 = arith.constant 0 : i32
        %dma_wait3A_290 = tpu.memref_slice %arg9[%dma_wait3A_288, %dma_wait3A_289] : memref<10240x32xf32, #tpu.memory_space<vmem_shared>> -> memref<10240x32xf32, #tpu.memory_space<vmem_shared>>
        tpu.wait_indirect_dma semaphore(%arg28 : memref<!tpu.dma_semaphore, #tpu.memory_space<semaphore_mem>>) src(%arg12 : memref<128x32xf32, #tpu.memory_space<vmem>>) dst(%dma_wait3A_290 : memref<10240x32xf32, #tpu.memory_space<vmem_shared>>)
        %dma_start3A_291 = arith.constant 0 : i32
        %dma_start3A_292 = tpu.memref_slice %arg7[%add3A_222, %dma_start3A_291] : memref<79x128xi32, #tpu.memory_space<vmem>> -> memref<1x128xi32, #tpu.memory_space<vmem>>
        %dma_start3A_293 = tpu.memref_squeeze %dma_start3A_292 : memref<1x128xi32, #tpu.memory_space<vmem>> -> memref<128xi32, #tpu.memory_space<vmem>>
        %dma_start3A_294 = arith.constant 0 : i32
        %dma_start3A_295 = arith.constant 0 : i32
        %dma_start3A_296 = tpu.memref_slice %arg2[%dma_start3A_294, %dma_start3A_295] : memref<10240x32xf32, #tpu.memory_space<hbm>> -> memref<10240x32xf32, #tpu.memory_space<hbm>>
        tpu.enqueue_indirect_dma source(%dma_start3A_296 : memref<10240x32xf32, #tpu.memory_space<hbm>>) target(%arg12 : memref<128x32xf32, #tpu.memory_space<vmem>>) offsets(%dma_start3A_293 : memref<128xi32, #tpu.memory_space<vmem>>) semaphore(%arg20 : memref<!tpu.dma_semaphore, #tpu.memory_space<semaphore_mem>>)
      } else {
      }
      %add3A_228 = arith.constant 1 : i32
      %add3A_229 = arith.addi %scan3A_124, %add3A_228 : i32
      %mul3A_230 = arith.constant 8 : i32
      %mul3A_231 = arith.muli %add3A_229, %mul3A_230 : i32
      %add3A_232 = arith.constant 3 : i32
      %add3A_233 = arith.addi %mul3A_231, %add3A_232 : i32
      %lt3A_234 = arith.constant 79 : i32
      %lt3A_235 = arith.cmpi slt, %add3A_233, %lt3A_234 : i32
      %convert_element_type3A_236 = arith.extui %lt3A_235 : i1 to i32
      %cond3A_237 = arith.constant 0 : i32
      %cond3A_238 = arith.cmpi ne, %convert_element_type3A_236, %cond3A_237 : i32
      scf.if %cond3A_238 {
        %sub3A = arith.constant 8 : i32
        %sub3A_284 = arith.subi %add3A_233, %sub3A : i32
        %dma_wait3A_285 = arith.constant 0 : i32
        %dma_wait3A_286 = tpu.memref_slice %arg8[%sub3A_284, %dma_wait3A_285] : memref<79x128xi32, #tpu.memory_space<vmem>> -> memref<1x128xi32, #tpu.memory_space<vmem>>
        %dma_wait3A_287 = tpu.memref_squeeze %dma_wait3A_286 : memref<1x128xi32, #tpu.memory_space<vmem>> -> memref<128xi32, #tpu.memory_space<vmem>>
        %dma_wait3A_288 = arith.constant 0 : i32
        %dma_wait3A_289 = arith.constant 0 : i32
        %dma_wait3A_290 = tpu.memref_slice %arg9[%dma_wait3A_288, %dma_wait3A_289] : memref<10240x32xf32, #tpu.memory_space<vmem_shared>> -> memref<10240x32xf32, #tpu.memory_space<vmem_shared>>
        tpu.wait_indirect_dma semaphore(%arg29 : memref<!tpu.dma_semaphore, #tpu.memory_space<semaphore_mem>>) src(%arg13 : memref<128x32xf32, #tpu.memory_space<vmem>>) dst(%dma_wait3A_290 : memref<10240x32xf32, #tpu.memory_space<vmem_shared>>)
        %dma_start3A_291 = arith.constant 0 : i32
        %dma_start3A_292 = tpu.memref_slice %arg7[%add3A_233, %dma_start3A_291] : memref<79x128xi32, #tpu.memory_space<vmem>> -> memref<1x128xi32, #tpu.memory_space<vmem>>
        %dma_start3A_293 = tpu.memref_squeeze %dma_start3A_292 : memref<1x128xi32, #tpu.memory_space<vmem>> -> memref<128xi32, #tpu.memory_space<vmem>>
        %dma_start3A_294 = arith.constant 0 : i32
        %dma_start3A_295 = arith.constant 0 : i32
        %dma_start3A_296 = tpu.memref_slice %arg2[%dma_start3A_294, %dma_start3A_295] : memref<10240x32xf32, #tpu.memory_space<hbm>> -> memref<10240x32xf32, #tpu.memory_space<hbm>>
        tpu.enqueue_indirect_dma source(%dma_start3A_296 : memref<10240x32xf32, #tpu.memory_space<hbm>>) target(%arg13 : memref<128x32xf32, #tpu.memory_space<vmem>>) offsets(%dma_start3A_293 : memref<128xi32, #tpu.memory_space<vmem>>) semaphore(%arg21 : memref<!tpu.dma_semaphore, #tpu.memory_space<semaphore_mem>>)
      } else {
      }
      %add3A_239 = arith.constant 1 : i32
      %add3A_240 = arith.addi %scan3A_124, %add3A_239 : i32
      %mul3A_241 = arith.constant 8 : i32
      %mul3A_242 = arith.muli %add3A_240, %mul3A_241 : i32
      %add3A_243 = arith.constant 4 : i32
      %add3A_244 = arith.addi %mul3A_242, %add3A_243 : i32
      %lt3A_245 = arith.constant 79 : i32
      %lt3A_246 = arith.cmpi slt, %add3A_244, %lt3A_245 : i32
      %convert_element_type3A_247 = arith.extui %lt3A_246 : i1 to i32
      %cond3A_248 = arith.constant 0 : i32
      %cond3A_249 = arith.cmpi ne, %convert_element_type3A_247, %cond3A_248 : i32
      scf.if %cond3A_249 {
        %sub3A = arith.constant 8 : i32
        %sub3A_284 = arith.subi %add3A_244, %sub3A : i32
        %dma_wait3A_285 = arith.constant 0 : i32
        %dma_wait3A_286 = tpu.memref_slice %arg8[%sub3A_284, %dma_wait3A_285] : memref<79x128xi32, #tpu.memory_space<vmem>> -> memref<1x128xi32, #tpu.memory_space<vmem>>
        %dma_wait3A_287 = tpu.memref_squeeze %dma_wait3A_286 : memref<1x128xi32, #tpu.memory_space<vmem>> -> memref<128xi32, #tpu.memory_space<vmem>>
        %dma_wait3A_288 = arith.constant 0 : i32
        %dma_wait3A_289 = arith.constant 0 : i32
        %dma_wait3A_290 = tpu.memref_slice %arg9[%dma_wait3A_288, %dma_wait3A_289] : memref<10240x32xf32, #tpu.memory_space<vmem_shared>> -> memref<10240x32xf32, #tpu.memory_space<vmem_shared>>
        tpu.wait_indirect_dma semaphore(%arg30 : memref<!tpu.dma_semaphore, #tpu.memory_space<semaphore_mem>>) src(%arg14 : memref<128x32xf32, #tpu.memory_space<vmem>>) dst(%dma_wait3A_290 : memref<10240x32xf32, #tpu.memory_space<vmem_shared>>)
        %dma_start3A_291 = arith.constant 0 : i32
        %dma_start3A_292 = tpu.memref_slice %arg7[%add3A_244, %dma_start3A_291] : memref<79x128xi32, #tpu.memory_space<vmem>> -> memref<1x128xi32, #tpu.memory_space<vmem>>
        %dma_start3A_293 = tpu.memref_squeeze %dma_start3A_292 : memref<1x128xi32, #tpu.memory_space<vmem>> -> memref<128xi32, #tpu.memory_space<vmem>>
        %dma_start3A_294 = arith.constant 0 : i32
        %dma_start3A_295 = arith.constant 0 : i32
        %dma_start3A_296 = tpu.memref_slice %arg2[%dma_start3A_294, %dma_start3A_295] : memref<10240x32xf32, #tpu.memory_space<hbm>> -> memref<10240x32xf32, #tpu.memory_space<hbm>>
        tpu.enqueue_indirect_dma source(%dma_start3A_296 : memref<10240x32xf32, #tpu.memory_space<hbm>>) target(%arg14 : memref<128x32xf32, #tpu.memory_space<vmem>>) offsets(%dma_start3A_293 : memref<128xi32, #tpu.memory_space<vmem>>) semaphore(%arg22 : memref<!tpu.dma_semaphore, #tpu.memory_space<semaphore_mem>>)
      } else {
      }
      %add3A_250 = arith.constant 1 : i32
      %add3A_251 = arith.addi %scan3A_124, %add3A_250 : i32
      %mul3A_252 = arith.constant 8 : i32
      %mul3A_253 = arith.muli %add3A_251, %mul3A_252 : i32
      %add3A_254 = arith.constant 5 : i32
      %add3A_255 = arith.addi %mul3A_253, %add3A_254 : i32
      %lt3A_256 = arith.constant 79 : i32
      %lt3A_257 = arith.cmpi slt, %add3A_255, %lt3A_256 : i32
      %convert_element_type3A_258 = arith.extui %lt3A_257 : i1 to i32
      %cond3A_259 = arith.constant 0 : i32
      %cond3A_260 = arith.cmpi ne, %convert_element_type3A_258, %cond3A_259 : i32
      scf.if %cond3A_260 {
        %sub3A = arith.constant 8 : i32
        %sub3A_284 = arith.subi %add3A_255, %sub3A : i32
        %dma_wait3A_285 = arith.constant 0 : i32
        %dma_wait3A_286 = tpu.memref_slice %arg8[%sub3A_284, %dma_wait3A_285] : memref<79x128xi32, #tpu.memory_space<vmem>> -> memref<1x128xi32, #tpu.memory_space<vmem>>
        %dma_wait3A_287 = tpu.memref_squeeze %dma_wait3A_286 : memref<1x128xi32, #tpu.memory_space<vmem>> -> memref<128xi32, #tpu.memory_space<vmem>>
        %dma_wait3A_288 = arith.constant 0 : i32
        %dma_wait3A_289 = arith.constant 0 : i32
        %dma_wait3A_290 = tpu.memref_slice %arg9[%dma_wait3A_288, %dma_wait3A_289] : memref<10240x32xf32, #tpu.memory_space<vmem_shared>> -> memref<10240x32xf32, #tpu.memory_space<vmem_shared>>
        tpu.wait_indirect_dma semaphore(%arg31 : memref<!tpu.dma_semaphore, #tpu.memory_space<semaphore_mem>>) src(%arg15 : memref<128x32xf32, #tpu.memory_space<vmem>>) dst(%dma_wait3A_290 : memref<10240x32xf32, #tpu.memory_space<vmem_shared>>)
        %dma_start3A_291 = arith.constant 0 : i32
        %dma_start3A_292 = tpu.memref_slice %arg7[%add3A_255, %dma_start3A_291] : memref<79x128xi32, #tpu.memory_space<vmem>> -> memref<1x128xi32, #tpu.memory_space<vmem>>
        %dma_start3A_293 = tpu.memref_squeeze %dma_start3A_292 : memref<1x128xi32, #tpu.memory_space<vmem>> -> memref<128xi32, #tpu.memory_space<vmem>>
        %dma_start3A_294 = arith.constant 0 : i32
        %dma_start3A_295 = arith.constant 0 : i32
        %dma_start3A_296 = tpu.memref_slice %arg2[%dma_start3A_294, %dma_start3A_295] : memref<10240x32xf32, #tpu.memory_space<hbm>> -> memref<10240x32xf32, #tpu.memory_space<hbm>>
        tpu.enqueue_indirect_dma source(%dma_start3A_296 : memref<10240x32xf32, #tpu.memory_space<hbm>>) target(%arg15 : memref<128x32xf32, #tpu.memory_space<vmem>>) offsets(%dma_start3A_293 : memref<128xi32, #tpu.memory_space<vmem>>) semaphore(%arg23 : memref<!tpu.dma_semaphore, #tpu.memory_space<semaphore_mem>>)
      } else {
      }
      %add3A_261 = arith.constant 1 : i32
      %add3A_262 = arith.addi %scan3A_124, %add3A_261 : i32
      %mul3A_263 = arith.constant 8 : i32
      %mul3A_264 = arith.muli %add3A_262, %mul3A_263 : i32
      %add3A_265 = arith.constant 6 : i32
      %add3A_266 = arith.addi %mul3A_264, %add3A_265 : i32
      %lt3A_267 = arith.constant 79 : i32
      %lt3A_268 = arith.cmpi slt, %add3A_266, %lt3A_267 : i32
      %convert_element_type3A_269 = arith.extui %lt3A_268 : i1 to i32
      %cond3A_270 = arith.constant 0 : i32
      %cond3A_271 = arith.cmpi ne, %convert_element_type3A_269, %cond3A_270 : i32
      scf.if %cond3A_271 {
        %sub3A = arith.constant 8 : i32
        %sub3A_284 = arith.subi %add3A_266, %sub3A : i32
        %dma_wait3A_285 = arith.constant 0 : i32
        %dma_wait3A_286 = tpu.memref_slice %arg8[%sub3A_284, %dma_wait3A_285] : memref<79x128xi32, #tpu.memory_space<vmem>> -> memref<1x128xi32, #tpu.memory_space<vmem>>
        %dma_wait3A_287 = tpu.memref_squeeze %dma_wait3A_286 : memref<1x128xi32, #tpu.memory_space<vmem>> -> memref<128xi32, #tpu.memory_space<vmem>>
        %dma_wait3A_288 = arith.constant 0 : i32
        %dma_wait3A_289 = arith.constant 0 : i32
        %dma_wait3A_290 = tpu.memref_slice %arg9[%dma_wait3A_288, %dma_wait3A_289] : memref<10240x32xf32, #tpu.memory_space<vmem_shared>> -> memref<10240x32xf32, #tpu.memory_space<vmem_shared>>
        tpu.wait_indirect_dma semaphore(%arg32 : memref<!tpu.dma_semaphore, #tpu.memory_space<semaphore_mem>>) src(%arg16 : memref<128x32xf32, #tpu.memory_space<vmem>>) dst(%dma_wait3A_290 : memref<10240x32xf32, #tpu.memory_space<vmem_shared>>)
        %dma_start3A_291 = arith.constant 0 : i32
        %dma_start3A_292 = tpu.memref_slice %arg7[%add3A_266, %dma_start3A_291] : memref<79x128xi32, #tpu.memory_space<vmem>> -> memref<1x128xi32, #tpu.memory_space<vmem>>
        %dma_start3A_293 = tpu.memref_squeeze %dma_start3A_292 : memref<1x128xi32, #tpu.memory_space<vmem>> -> memref<128xi32, #tpu.memory_space<vmem>>
        %dma_start3A_294 = arith.constant 0 : i32
        %dma_start3A_295 = arith.constant 0 : i32
        %dma_start3A_296 = tpu.memref_slice %arg2[%dma_start3A_294, %dma_start3A_295] : memref<10240x32xf32, #tpu.memory_space<hbm>> -> memref<10240x32xf32, #tpu.memory_space<hbm>>
        tpu.enqueue_indirect_dma source(%dma_start3A_296 : memref<10240x32xf32, #tpu.memory_space<hbm>>) target(%arg16 : memref<128x32xf32, #tpu.memory_space<vmem>>) offsets(%dma_start3A_293 : memref<128xi32, #tpu.memory_space<vmem>>) semaphore(%arg24 : memref<!tpu.dma_semaphore, #tpu.memory_space<semaphore_mem>>)
      } else {
      }
      %add3A_272 = arith.constant 1 : i32
      %add3A_273 = arith.addi %scan3A_124, %add3A_272 : i32
      %mul3A_274 = arith.constant 8 : i32
      %mul3A_275 = arith.muli %add3A_273, %mul3A_274 : i32
      %add3A_276 = arith.constant 7 : i32
      %add3A_277 = arith.addi %mul3A_275, %add3A_276 : i32
      %lt3A_278 = arith.constant 79 : i32
      %lt3A_279 = arith.cmpi slt, %add3A_277, %lt3A_278 : i32
      %convert_element_type3A_280 = arith.extui %lt3A_279 : i1 to i32
      %cond3A_281 = arith.constant 0 : i32
      %cond3A_282 = arith.cmpi ne, %convert_element_type3A_280, %cond3A_281 : i32
      scf.if %cond3A_282 {
        %sub3A = arith.constant 8 : i32
        %sub3A_284 = arith.subi %add3A_277, %sub3A : i32
        %dma_wait3A_285 = arith.constant 0 : i32
        %dma_wait3A_286 = tpu.memref_slice %arg8[%sub3A_284, %dma_wait3A_285] : memref<79x128xi32, #tpu.memory_space<vmem>> -> memref<1x128xi32, #tpu.memory_space<vmem>>
        %dma_wait3A_287 = tpu.memref_squeeze %dma_wait3A_286 : memref<1x128xi32, #tpu.memory_space<vmem>> -> memref<128xi32, #tpu.memory_space<vmem>>
        %dma_wait3A_288 = arith.constant 0 : i32
        %dma_wait3A_289 = arith.constant 0 : i32
        %dma_wait3A_290 = tpu.memref_slice %arg9[%dma_wait3A_288, %dma_wait3A_289] : memref<10240x32xf32, #tpu.memory_space<vmem_shared>> -> memref<10240x32xf32, #tpu.memory_space<vmem_shared>>
        tpu.wait_indirect_dma semaphore(%arg33 : memref<!tpu.dma_semaphore, #tpu.memory_space<semaphore_mem>>) src(%arg17 : memref<128x32xf32, #tpu.memory_space<vmem>>) dst(%dma_wait3A_290 : memref<10240x32xf32, #tpu.memory_space<vmem_shared>>)
        %dma_start3A_291 = arith.constant 0 : i32
        %dma_start3A_292 = tpu.memref_slice %arg7[%add3A_277, %dma_start3A_291] : memref<79x128xi32, #tpu.memory_space<vmem>> -> memref<1x128xi32, #tpu.memory_space<vmem>>
        %dma_start3A_293 = tpu.memref_squeeze %dma_start3A_292 : memref<1x128xi32, #tpu.memory_space<vmem>> -> memref<128xi32, #tpu.memory_space<vmem>>
        %dma_start3A_294 = arith.constant 0 : i32
        %dma_start3A_295 = arith.constant 0 : i32
        %dma_start3A_296 = tpu.memref_slice %arg2[%dma_start3A_294, %dma_start3A_295] : memref<10240x32xf32, #tpu.memory_space<hbm>> -> memref<10240x32xf32, #tpu.memory_space<hbm>>
        tpu.enqueue_indirect_dma source(%dma_start3A_296 : memref<10240x32xf32, #tpu.memory_space<hbm>>) target(%arg17 : memref<128x32xf32, #tpu.memory_space<vmem>>) offsets(%dma_start3A_293 : memref<128xi32, #tpu.memory_space<vmem>>) semaphore(%arg25 : memref<!tpu.dma_semaphore, #tpu.memory_space<semaphore_mem>>)
      } else {
      }
      %scan3A_283 = arith.constant 0 : i32
      scf.yield %scan3A_283 : i32
    }
    %scan3A_63 = arith.constant 10 : i32
    %dma_wait3A = arith.constant 72 : i32
    %dma_wait3A_64 = arith.constant 0 : i32
    %dma_wait3A_65 = tpu.memref_slice %arg8[%dma_wait3A, %dma_wait3A_64] : memref<79x128xi32, #tpu.memory_space<vmem>> -> memref<1x128xi32, #tpu.memory_space<vmem>>
    %dma_wait3A_66 = tpu.memref_squeeze %dma_wait3A_65 : memref<1x128xi32, #tpu.memory_space<vmem>> -> memref<128xi32, #tpu.memory_space<vmem>>
    %dma_wait3A_67 = arith.constant 0 : i32
    %dma_wait3A_68 = arith.constant 0 : i32
    %dma_wait3A_69 = tpu.memref_slice %arg9[%dma_wait3A_67, %dma_wait3A_68] : memref<10240x32xf32, #tpu.memory_space<vmem_shared>> -> memref<10240x32xf32, #tpu.memory_space<vmem_shared>>
    tpu.wait_indirect_dma semaphore(%arg26 : memref<!tpu.dma_semaphore, #tpu.memory_space<semaphore_mem>>) src(%arg10 : memref<128x32xf32, #tpu.memory_space<vmem>>) dst(%dma_wait3A_69 : memref<10240x32xf32, #tpu.memory_space<vmem_shared>>)
    %dma_wait3A_70 = arith.constant 73 : i32
    %dma_wait3A_71 = arith.constant 0 : i32
    %dma_wait3A_72 = tpu.memref_slice %arg8[%dma_wait3A_70, %dma_wait3A_71] : memref<79x128xi32, #tpu.memory_space<vmem>> -> memref<1x128xi32, #tpu.memory_space<vmem>>
    %dma_wait3A_73 = tpu.memref_squeeze %dma_wait3A_72 : memref<1x128xi32, #tpu.memory_space<vmem>> -> memref<128xi32, #tpu.memory_space<vmem>>
    %dma_wait3A_74 = arith.constant 0 : i32
    %dma_wait3A_75 = arith.constant 0 : i32
    %dma_wait3A_76 = tpu.memref_slice %arg9[%dma_wait3A_74, %dma_wait3A_75] : memref<10240x32xf32, #tpu.memory_space<vmem_shared>> -> memref<10240x32xf32, #tpu.memory_space<vmem_shared>>
    tpu.wait_indirect_dma semaphore(%arg27 : memref<!tpu.dma_semaphore, #tpu.memory_space<semaphore_mem>>) src(%arg11 : memref<128x32xf32, #tpu.memory_space<vmem>>) dst(%dma_wait3A_76 : memref<10240x32xf32, #tpu.memory_space<vmem_shared>>)
    %dma_wait3A_77 = arith.constant 74 : i32
    %dma_wait3A_78 = arith.constant 0 : i32
    %dma_wait3A_79 = tpu.memref_slice %arg8[%dma_wait3A_77, %dma_wait3A_78] : memref<79x128xi32, #tpu.memory_space<vmem>> -> memref<1x128xi32, #tpu.memory_space<vmem>>
    %dma_wait3A_80 = tpu.memref_squeeze %dma_wait3A_79 : memref<1x128xi32, #tpu.memory_space<vmem>> -> memref<128xi32, #tpu.memory_space<vmem>>
    %dma_wait3A_81 = arith.constant 0 : i32
    %dma_wait3A_82 = arith.constant 0 : i32
    %dma_wait3A_83 = tpu.memref_slice %arg9[%dma_wait3A_81, %dma_wait3A_82] : memref<10240x32xf32, #tpu.memory_space<vmem_shared>> -> memref<10240x32xf32, #tpu.memory_space<vmem_shared>>
    tpu.wait_indirect_dma semaphore(%arg28 : memref<!tpu.dma_semaphore, #tpu.memory_space<semaphore_mem>>) src(%arg12 : memref<128x32xf32, #tpu.memory_space<vmem>>) dst(%dma_wait3A_83 : memref<10240x32xf32, #tpu.memory_space<vmem_shared>>)
    %dma_wait3A_84 = arith.constant 75 : i32
    %dma_wait3A_85 = arith.constant 0 : i32
    %dma_wait3A_86 = tpu.memref_slice %arg8[%dma_wait3A_84, %dma_wait3A_85] : memref<79x128xi32, #tpu.memory_space<vmem>> -> memref<1x128xi32, #tpu.memory_space<vmem>>
    %dma_wait3A_87 = tpu.memref_squeeze %dma_wait3A_86 : memref<1x128xi32, #tpu.memory_space<vmem>> -> memref<128xi32, #tpu.memory_space<vmem>>
    %dma_wait3A_88 = arith.constant 0 : i32
    %dma_wait3A_89 = arith.constant 0 : i32
    %dma_wait3A_90 = tpu.memref_slice %arg9[%dma_wait3A_88, %dma_wait3A_89] : memref<10240x32xf32, #tpu.memory_space<vmem_shared>> -> memref<10240x32xf32, #tpu.memory_space<vmem_shared>>
    tpu.wait_indirect_dma semaphore(%arg29 : memref<!tpu.dma_semaphore, #tpu.memory_space<semaphore_mem>>) src(%arg13 : memref<128x32xf32, #tpu.memory_space<vmem>>) dst(%dma_wait3A_90 : memref<10240x32xf32, #tpu.memory_space<vmem_shared>>)
    %dma_wait3A_91 = arith.constant 76 : i32
    %dma_wait3A_92 = arith.constant 0 : i32
    %dma_wait3A_93 = tpu.memref_slice %arg8[%dma_wait3A_91, %dma_wait3A_92] : memref<79x128xi32, #tpu.memory_space<vmem>> -> memref<1x128xi32, #tpu.memory_space<vmem>>
    %dma_wait3A_94 = tpu.memref_squeeze %dma_wait3A_93 : memref<1x128xi32, #tpu.memory_space<vmem>> -> memref<128xi32, #tpu.memory_space<vmem>>
    %dma_wait3A_95 = arith.constant 0 : i32
    %dma_wait3A_96 = arith.constant 0 : i32
    %dma_wait3A_97 = tpu.memref_slice %arg9[%dma_wait3A_95, %dma_wait3A_96] : memref<10240x32xf32, #tpu.memory_space<vmem_shared>> -> memref<10240x32xf32, #tpu.memory_space<vmem_shared>>
    tpu.wait_indirect_dma semaphore(%arg30 : memref<!tpu.dma_semaphore, #tpu.memory_space<semaphore_mem>>) src(%arg14 : memref<128x32xf32, #tpu.memory_space<vmem>>) dst(%dma_wait3A_97 : memref<10240x32xf32, #tpu.memory_space<vmem_shared>>)
    %dma_wait3A_98 = arith.constant 77 : i32
    %dma_wait3A_99 = arith.constant 0 : i32
    %dma_wait3A_100 = tpu.memref_slice %arg8[%dma_wait3A_98, %dma_wait3A_99] : memref<79x128xi32, #tpu.memory_space<vmem>> -> memref<1x128xi32, #tpu.memory_space<vmem>>
    %dma_wait3A_101 = tpu.memref_squeeze %dma_wait3A_100 : memref<1x128xi32, #tpu.memory_space<vmem>> -> memref<128xi32, #tpu.memory_space<vmem>>
    %dma_wait3A_102 = arith.constant 0 : i32
    %dma_wait3A_103 = arith.constant 0 : i32
    %dma_wait3A_104 = tpu.memref_slice %arg9[%dma_wait3A_102, %dma_wait3A_103] : memref<10240x32xf32, #tpu.memory_space<vmem_shared>> -> memref<10240x32xf32, #tpu.memory_space<vmem_shared>>
    tpu.wait_indirect_dma semaphore(%arg31 : memref<!tpu.dma_semaphore, #tpu.memory_space<semaphore_mem>>) src(%arg15 : memref<128x32xf32, #tpu.memory_space<vmem>>) dst(%dma_wait3A_104 : memref<10240x32xf32, #tpu.memory_space<vmem_shared>>)
    %dma_wait3A_105 = arith.constant 78 : i32
    %dma_wait3A_106 = arith.constant 0 : i32
    %dma_wait3A_107 = tpu.memref_slice %arg8[%dma_wait3A_105, %dma_wait3A_106] : memref<79x128xi32, #tpu.memory_space<vmem>> -> memref<1x128xi32, #tpu.memory_space<vmem>>
    %dma_wait3A_108 = tpu.memref_squeeze %dma_wait3A_107 : memref<1x128xi32, #tpu.memory_space<vmem>> -> memref<128xi32, #tpu.memory_space<vmem>>
    %dma_wait3A_109 = arith.constant 0 : i32
    %dma_wait3A_110 = arith.constant 0 : i32
    %dma_wait3A_111 = tpu.memref_slice %arg9[%dma_wait3A_109, %dma_wait3A_110] : memref<10240x32xf32, #tpu.memory_space<vmem_shared>> -> memref<10240x32xf32, #tpu.memory_space<vmem_shared>>
    tpu.wait_indirect_dma semaphore(%arg32 : memref<!tpu.dma_semaphore, #tpu.memory_space<semaphore_mem>>) src(%arg16 : memref<128x32xf32, #tpu.memory_space<vmem>>) dst(%dma_wait3A_111 : memref<10240x32xf32, #tpu.memory_space<vmem_shared>>)
    %dma_wait3A_112 = arith.constant 71 : i32
    %dma_wait3A_113 = arith.constant 0 : i32
    %dma_wait3A_114 = tpu.memref_slice %arg8[%dma_wait3A_112, %dma_wait3A_113] : memref<79x128xi32, #tpu.memory_space<vmem>> -> memref<1x128xi32, #tpu.memory_space<vmem>>
    %dma_wait3A_115 = tpu.memref_squeeze %dma_wait3A_114 : memref<1x128xi32, #tpu.memory_space<vmem>> -> memref<128xi32, #tpu.memory_space<vmem>>
    %dma_wait3A_116 = arith.constant 0 : i32
    %dma_wait3A_117 = arith.constant 0 : i32
    %dma_wait3A_118 = tpu.memref_slice %arg9[%dma_wait3A_116, %dma_wait3A_117] : memref<10240x32xf32, #tpu.memory_space<vmem_shared>> -> memref<10240x32xf32, #tpu.memory_space<vmem_shared>>
    tpu.wait_indirect_dma semaphore(%arg33 : memref<!tpu.dma_semaphore, #tpu.memory_space<semaphore_mem>>) src(%arg17 : memref<128x32xf32, #tpu.memory_space<vmem>>) dst(%dma_wait3A_118 : memref<10240x32xf32, #tpu.memory_space<vmem_shared>>)
    %barrier3A_119 = arith.constant 0 : index
    tpu.barrier barrier_id(%barrier3A_119)
    %mul3A_120 = arith.constant 640 : i32
    %mul3A_121 = arith.muli %arg1, %mul3A_120 : i32
    %mul3A_122 = arith.constant 640 : i32
    %mul3A_123 = arith.muli %arg1, %mul3A_122 : i32
    "tpu.region"() ({
      %run_scoped3A = tpu.sem_alloc : memref<!tpu.dma_semaphore, #tpu.memory_space<semaphore_mem>>
      %dma_start3A_124 = arith.constant 0 : i32
      %dma_start3A_125 = tpu.memref_slice %arg6[%arg0, %mul3A_123, %dma_start3A_124] : memref<2x10240x32xf32, #tpu.memory_space<hbm>> -> memref<1x640x32xf32, #tpu.memory_space<hbm>>
      %dma_start3A_126 = tpu.memref_squeeze %dma_start3A_125 : memref<1x640x32xf32, #tpu.memory_space<hbm>> -> memref<640x32xf32, #tpu.memory_space<hbm>>
      %dma_start3A_127 = arith.constant 0 : i32
      %dma_start3A_128 = tpu.memref_slice %arg9[%mul3A_121, %dma_start3A_127] : memref<10240x32xf32, #tpu.memory_space<vmem_shared>> -> memref<640x32xf32, #tpu.memory_space<vmem_shared>>
      tpu.enqueue_dma source(%dma_start3A_128 : memref<640x32xf32, #tpu.memory_space<vmem_shared>>) target(%dma_start3A_126 : memref<640x32xf32, #tpu.memory_space<hbm>>) target_semaphore(%run_scoped3A : memref<!tpu.dma_semaphore, #tpu.memory_space<semaphore_mem>>)
      %dma_wait3A_129 = arith.constant 0 : i32
      %dma_wait3A_130 = tpu.memref_slice %arg6[%arg0, %mul3A_123, %dma_wait3A_129] : memref<2x10240x32xf32, #tpu.memory_space<hbm>> -> memref<1x640x32xf32, #tpu.memory_space<hbm>>
      %dma_wait3A_131 = tpu.memref_squeeze %dma_wait3A_130 : memref<1x640x32xf32, #tpu.memory_space<hbm>> -> memref<640x32xf32, #tpu.memory_space<hbm>>
      %dma_wait3A_132 = arith.constant 0 : i32
      %dma_wait3A_133 = tpu.memref_slice %arg9[%mul3A_121, %dma_wait3A_132] : memref<10240x32xf32, #tpu.memory_space<vmem_shared>> -> memref<640x32xf32, #tpu.memory_space<vmem_shared>>
      tpu.wait_dma2 semaphore(%run_scoped3A : memref<!tpu.dma_semaphore, #tpu.memory_space<semaphore_mem>>) src(%dma_wait3A_133 : memref<640x32xf32, #tpu.memory_space<vmem_shared>>) dst(%dma_wait3A_131 : memref<640x32xf32, #tpu.memory_space<hbm>>)
      tpu.yield
    }) : () -> ()
    return
  }
}

module attributes {stable_mosaic.version = 14 : i64} {
  func.func @_tc1_body(%arg0: memref<10240x128xf32, #tpu.memory_space<vmem>>, %arg1: memref<10240x128xf32, #tpu.memory_space<vmem>>, %arg2: memref<128x128xf32, #tpu.memory_space<vmem>>, %arg3: memref<10240x128xf32, #tpu.memory_space<vmem>>) attributes {dimension_semantics = [], scalar_prefetch = 0 : i64, scratch_operands = 0 : i64, tpu.core_type = #tpu.core_type<tc>} {
    %get3A = arith.constant 0 : index
    %get3A_0 = arith.constant 0 : index
    %get3A_1 = vector.load %arg0[%get3A, %get3A_0] : memref<10240x128xf32, #tpu.memory_space<vmem>>, vector<10240x128xf32>
    %get3A_2 = arith.constant 0 : index
    %get3A_3 = arith.constant 0 : index
    %get3A_4 = vector.load %arg1[%get3A_2, %get3A_3] : memref<10240x128xf32, #tpu.memory_space<vmem>>, vector<10240x128xf32>
    %mul3A = arith.mulf %get3A_1, %get3A_4 : vector<10240x128xf32>
    %get3A_5 = arith.constant 0 : index
    %get3A_6 = arith.constant 0 : index
    %get3A_7 = vector.load %arg2[%get3A_5, %get3A_6] : memref<128x128xf32, #tpu.memory_space<vmem>>, vector<128x128xf32>
    %dot_general3A = arith.constant dense<0.000000e+00> : vector<10240x128xf32>
    %dot_general3A_8 = tpu.matmul %mul3A, %get3A_7, %dot_general3A {dimension_numbers = #tpu.dot_dimension_numbers<[1], [0], [0], [1], [0, 0, 1, 1], [], []>, precision = #tpu.contract_precision<fp32>, transpose_lhs_hint = false} : vector<10240x128xf32>, vector<128x128xf32>, vector<10240x128xf32> -> vector<10240x128xf32>
    %swap3A = arith.constant 0 : index
    %swap3A_9 = arith.constant 0 : index
    %swap3A_10 = vector.load %arg3[%swap3A, %swap3A_9] : memref<10240x128xf32, #tpu.memory_space<vmem>>, vector<10240x128xf32>
    tpu.vector_store %arg3[%swap3A, %swap3A_9], %dot_general3A_8 {strides = array<i32>} : memref<10240x128xf32, #tpu.memory_space<vmem>>, vector<10240x128xf32>,
    return
  }
}

module attributes {stable_mosaic.version = 14 : i64} {
  func.func @_tc2a_body(%arg0: memref<32x10240xf32, #tpu.memory_space<vmem>>, %arg1: memref<10240x128xf32, #tpu.memory_space<vmem>>, %arg2: memref<10240x128xf32, #tpu.memory_space<vmem>>, %arg3: memref<10240x1xf32, #tpu.memory_space<vmem>>) attributes {dimension_semantics = [], scalar_prefetch = 0 : i64, scratch_operands = 0 : i64, tpu.core_type = #tpu.core_type<tc>} {
    %broadcast_in_dim3A = arith.constant 1.000000e+00 : f32
    %broadcast_in_dim3A_0 = vector.broadcast %broadcast_in_dim3A : f32 to vector<32x1xf32>
    %get3A = arith.constant 0 : index
    %get3A_1 = arith.constant 0 : index
    %get3A_2 = vector.load %arg0[%get3A, %get3A_1] : memref<32x10240xf32, #tpu.memory_space<vmem>>, vector<32x10240xf32>
    %dot_general3A = arith.constant dense<0.000000e+00> : vector<10240x1xf32>
    %dot_general3A_3 = tpu.matmul %get3A_2, %broadcast_in_dim3A_0, %dot_general3A {dimension_numbers = #tpu.dot_dimension_numbers<[0], [0], [1], [1], [0, 1, 1, 1], [], []>, precision = #tpu.contract_precision<fp32>, transpose_lhs_hint = false} : vector<32x10240xf32>, vector<32x1xf32>, vector<10240x1xf32> -> vector<10240x1xf32>
    %add3A = arith.constant 1.000000e+00 : f32
    %add3A_4 = vector.broadcast %add3A : f32 to vector<10240x1xf32>
    %add3A_5 = arith.addf %dot_general3A_3, %add3A_4 : vector<10240x1xf32>
    %rsqrt3A = math.rsqrt %add3A_5 : vector<10240x1xf32>
    %swap3A = arith.constant 0 : index
    %swap3A_6 = arith.constant 0 : index
    %swap3A_7 = vector.load %arg3[%swap3A, %swap3A_6] : memref<10240x1xf32, #tpu.memory_space<vmem>>, vector<10240x1xf32>
    tpu.vector_store %arg3[%swap3A, %swap3A_6], %rsqrt3A {strides = array<i32>} : memref<10240x1xf32, #tpu.memory_space<vmem>>, vector<10240x1xf32>,
    %get3A_8 = arith.constant 0 : index
    %get3A_9 = arith.constant 0 : index
    %get3A_10 = vector.load %arg1[%get3A_8, %get3A_9] : memref<10240x128xf32, #tpu.memory_space<vmem>>, vector<10240x128xf32>
    %mul3A = vector.broadcast %rsqrt3A : vector<10240x1xf32> to vector<10240x128xf32>
    %mul3A_11 = arith.mulf %mul3A, %get3A_10 : vector<10240x128xf32>
    %swap3A_12 = arith.constant 0 : index
    %swap3A_13 = arith.constant 0 : index
    %swap3A_14 = vector.load %arg2[%swap3A_12, %swap3A_13] : memref<10240x128xf32, #tpu.memory_space<vmem>>, vector<10240x128xf32>
    tpu.vector_store %arg2[%swap3A_12, %swap3A_13], %mul3A_11 {strides = array<i32>} : memref<10240x128xf32, #tpu.memory_space<vmem>>, vector<10240x128xf32>,
    return
  }
}

module attributes {stable_mosaic.version = 14 : i64} {
  func.func @_tc2_body(%arg0: memref<2x10240x128xf32, #tpu.memory_space<vmem>>, %arg1: memref<10240x128xf32, #tpu.memory_space<vmem>>, %arg2: memref<10240x1xf32, #tpu.memory_space<vmem>>, %arg3: memref<1x128xf32, #tpu.memory_space<vmem>>, %arg4: memref<128x1xf32, #tpu.memory_space<vmem>>, %arg5: memref<128x32xf32, #tpu.memory_space<vmem>>, %arg6: memref<10240x32xf32, #tpu.memory_space<vmem>>, %arg7: memref<10240x1xf32, #tpu.memory_space<vmem>>) attributes {dimension_semantics = [], scalar_prefetch = 0 : i64, scratch_operands = 0 : i64, tpu.core_type = #tpu.core_type<tc>} {
    %get3A = arith.constant 0 : index
    %get3A_0 = arith.constant 0 : index
    %get3A_1 = arith.constant 0 : index
    %get3A_2 = vector.load %arg0[%get3A, %get3A_0, %get3A_1] : memref<2x10240x128xf32, #tpu.memory_space<vmem>>, vector<1x10240x128xf32>
    %get3A_3 = vector.shape_cast %get3A_2 : vector<1x10240x128xf32> to vector<10240x128xf32>
    %get3A_4 = arith.constant 1 : index
    %get3A_5 = arith.constant 0 : index
    %get3A_6 = arith.constant 0 : index
    %get3A_7 = vector.load %arg0[%get3A_4, %get3A_5, %get3A_6] : memref<2x10240x128xf32, #tpu.memory_space<vmem>>, vector<1x10240x128xf32>
    %get3A_8 = vector.shape_cast %get3A_7 : vector<1x10240x128xf32> to vector<10240x128xf32>
    %add3A = arith.addf %get3A_3, %get3A_8 : vector<10240x128xf32>
    %get3A_9 = arith.constant 0 : index
    %get3A_10 = arith.constant 0 : index
    %get3A_11 = vector.load %arg2[%get3A_9, %get3A_10] : memref<10240x1xf32, #tpu.memory_space<vmem>>, vector<10240x1xf32>
    %mul3A = vector.broadcast %get3A_11 : vector<10240x1xf32> to vector<10240x128xf32>
    %mul3A_12 = arith.mulf %mul3A, %add3A : vector<10240x128xf32>
    %mul3A_13 = arith.mulf %get3A_11, %get3A_11 : vector<10240x1xf32>
    %get3A_14 = arith.constant 0 : index
    %get3A_15 = arith.constant 0 : index
    %get3A_16 = vector.load %arg1[%get3A_14, %get3A_15] : memref<10240x128xf32, #tpu.memory_space<vmem>>, vector<10240x128xf32>
    %mul3A_17 = vector.broadcast %mul3A_13 : vector<10240x1xf32> to vector<10240x128xf32>
    %mul3A_18 = arith.mulf %mul3A_17, %get3A_16 : vector<10240x128xf32>
    %add3A_19 = arith.addf %mul3A_12, %mul3A_18 : vector<10240x128xf32>
    %get3A_20 = arith.constant 0 : index
    %get3A_21 = arith.constant 0 : index
    %get3A_22 = vector.load %arg3[%get3A_20, %get3A_21] : memref<1x128xf32, #tpu.memory_space<vmem>>, vector<1x128xf32>
    %add3A_23 = vector.broadcast %get3A_22 : vector<1x128xf32> to vector<10240x128xf32>
    %add3A_24 = arith.addf %add3A_19, %add3A_23 : vector<10240x128xf32>
    %get3A_25 = arith.constant 0 : index
    %get3A_26 = arith.constant 0 : index
    %get3A_27 = vector.load %arg4[%get3A_25, %get3A_26] : memref<128x1xf32, #tpu.memory_space<vmem>>, vector<128x1xf32>
    %mul3A_28 = arith.mulf %get3A_27, %get3A_27 : vector<128x1xf32>
    %reduce_sum3A = vector.shape_cast %mul3A_28 : vector<128x1xf32> to vector<1x128x1xf32>
    %reduce_sum3A_29 = arith.constant dense<0.000000e+00> : vector<1xf32>
    %reduce_sum3A_30 = vector.multi_reduction <add>, %reduce_sum3A, %reduce_sum3A_29 [1, 2] : vector<1x128x1xf32> to vector<1xf32>
    %reduce_sum3A_31 = vector.shape_cast %reduce_sum3A_30 : vector<1xf32> to vector<1x1x1xf32>
    %reduce_sum3A_32 = vector.extract %reduce_sum3A_31[0, 0, 0] : f32 from vector<1x1x1xf32>
    %rsqrt3A = math.rsqrt %reduce_sum3A_32 : f32
    %dot_general3A = arith.constant dense<0.000000e+00> : vector<10240x1xf32>
    %dot_general3A_33 = tpu.matmul %add3A_24, %get3A_27, %dot_general3A {dimension_numbers = #tpu.dot_dimension_numbers<[1], [0], [0], [1], [0, 0, 1, 1], [], []>, precision = #tpu.contract_precision<fp32>, transpose_lhs_hint = false} : vector<10240x128xf32>, vector<128x1xf32>, vector<10240x1xf32> -> vector<10240x1xf32>
    %mul3A_34 = vector.broadcast %rsqrt3A : f32 to vector<10240x1xf32>
    %mul3A_35 = arith.mulf %dot_general3A_33, %mul3A_34 : vector<10240x1xf32>
    %tanh3A = math.tanh %mul3A_35 : vector<10240x1xf32>
    %bitcast_convert_type3A = tpu.bitcast %tanh3A : vector<10240x1xf32> -> vector<10240x1xi32>
    %lt3A = arith.constant 0 : i32
    %lt3A_36 = vector.broadcast %lt3A : i32 to vector<10240x1xi32>
    %lt3A_37 = arith.cmpi slt, %bitcast_convert_type3A, %lt3A_36 : vector<10240x1xi32>
    %xor3A = arith.constant 2147483647 : i32
    %xor3A_38 = vector.broadcast %xor3A : i32 to vector<10240x1xi32>
    %xor3A_39 = arith.xori %bitcast_convert_type3A, %xor3A_38 : vector<10240x1xi32>
    %select_n3A = arith.select %lt3A_37, %xor3A_39, %bitcast_convert_type3A : vector<10240x1xi1>, vector<10240x1xi32>
    %iota3A = tpu.iota {dimensions = array<i32: 0>} : vector<10240x1xi32>
    %lt3A_40 = arith.constant 10000 : i32
    %lt3A_41 = vector.broadcast %lt3A_40 : i32 to vector<10240x1xi32>
    %lt3A_42 = arith.cmpi slt, %iota3A, %lt3A_41 : vector<10240x1xi32>
    %scan3A = arith.constant 5.000000e+03 : f32
    %scan3A_43 = arith.constant -1065353218 : i32
    %scan3A_44 = arith.constant 1065353217 : i32
    %scan3A_45 = arith.constant 0 : i32
    %scan3A_46 = arith.constant 34 : i32
    %scan3A_47 = arith.addi %scan3A_45, %scan3A_46 : i32
    %scan3A_48 = arith.constant 1 : i32
    %scan3A_49:2 = scf.for %scan3A_70 = %scan3A_45 to %scan3A_47 step %scan3A_48 iter_args(%scan3A_71 = %scan3A_43, %scan3A_72 = %scan3A_44) -> (i32, i32)  : i32 {
      %sub3A = arith.subi %scan3A_72, %scan3A_71 : i32
      %shift_right_arithmetic3A = arith.constant 1 : i32
      %shift_right_arithmetic3A_73 = arith.shrsi %sub3A, %shift_right_arithmetic3A : i32
      %add3A_74 = arith.addi %scan3A_71, %shift_right_arithmetic3A_73 : i32
      %ge3A_75 = vector.broadcast %add3A_74 : i32 to vector<10240x1xi32>
      %ge3A_76 = arith.cmpi sge, %select_n3A, %ge3A_75 : vector<10240x1xi32>
      %and3A_77 = arith.andi %lt3A_42, %ge3A_76 : vector<10240x1xi1>
      %jit3A_78 = arith.constant 1.000000e+00 : f32
      %jit3A_79 = arith.constant 0.000000e+00 : f32
      %broadcast_in_dim3A_80 = vector.broadcast %jit3A_78 : f32 to vector<10240x1xf32>
      %broadcast_in_dim3A_81 = vector.broadcast %jit3A_79 : f32 to vector<10240x1xf32>
      %select_n3A_82 = arith.select %and3A_77, %broadcast_in_dim3A_80, %broadcast_in_dim3A_81 : vector<10240x1xi1>, vector<10240x1xf32>
      %reduce_sum3A_83 = vector.shape_cast %select_n3A_82 : vector<10240x1xf32> to vector<1x10240x1xf32>
      %reduce_sum3A_84 = arith.constant dense<0.000000e+00> : vector<1xf32>
      %reduce_sum3A_85 = vector.multi_reduction <add>, %reduce_sum3A_83, %reduce_sum3A_84 [1, 2] : vector<1x10240x1xf32> to vector<1xf32>
      %reduce_sum3A_86 = vector.shape_cast %reduce_sum3A_85 : vector<1xf32> to vector<1x1x1xf32>
      %reduce_sum3A_87 = vector.extract %reduce_sum3A_86[0, 0, 0] : f32 from vector<1x1x1xf32>
      %ge3A_88 = arith.cmpf oge, %reduce_sum3A_87, %scan3A : f32
      %select_n3A_89 = arith.select %ge3A_88, %add3A_74, %scan3A_71 : i32
      %select_n3A_90 = arith.select %ge3A_88, %scan3A_72, %add3A_74 : i32
      scf.yield %select_n3A_89, %select_n3A_90 : i32, i32
    }
    %ge3A = vector.broadcast %scan3A_49#0 : i32 to vector<10240x1xi32>
    %ge3A_50 = arith.cmpi sge, %select_n3A, %ge3A : vector<10240x1xi32>
    %and3A = arith.andi %lt3A_42, %ge3A_50 : vector<10240x1xi1>
    %jit3A = arith.constant 1.000000e+00 : f32
    %jit3A_51 = arith.constant 0.000000e+00 : f32
    %broadcast_in_dim3A = vector.broadcast %jit3A : f32 to vector<10240x1xf32>
    %broadcast_in_dim3A_52 = vector.broadcast %jit3A_51 : f32 to vector<10240x1xf32>
    %select_n3A_53 = arith.select %and3A, %broadcast_in_dim3A, %broadcast_in_dim3A_52 : vector<10240x1xi1>, vector<10240x1xf32>
    %swap3A = arith.constant 0 : index
    %swap3A_54 = arith.constant 0 : index
    %swap3A_55 = vector.load %arg7[%swap3A, %swap3A_54] : memref<10240x1xf32, #tpu.memory_space<vmem>>, vector<10240x1xf32>
    tpu.vector_store %arg7[%swap3A, %swap3A_54], %select_n3A_53 {strides = array<i32>} : memref<10240x1xf32, #tpu.memory_space<vmem>>, vector<10240x1xf32>,
    %mul3A_56 = vector.broadcast %tanh3A : vector<10240x1xf32> to vector<10240x128xf32>
    %mul3A_57 = arith.mulf %add3A_24, %mul3A_56 : vector<10240x128xf32>
    %max3A = arith.constant 0.000000e+00 : f32
    %max3A_58 = vector.broadcast %max3A : f32 to vector<10240x128xf32>
    %max3A_59 = arith.maximumf %mul3A_57, %max3A_58 : vector<10240x128xf32>
    %mul3A_60 = vector.broadcast %select_n3A_53 : vector<10240x1xf32> to vector<10240x128xf32>
    %mul3A_61 = arith.mulf %max3A_59, %mul3A_60 : vector<10240x128xf32>
    %get3A_62 = arith.constant 0 : index
    %get3A_63 = arith.constant 0 : index
    %get3A_64 = vector.load %arg5[%get3A_62, %get3A_63] : memref<128x32xf32, #tpu.memory_space<vmem>>, vector<128x32xf32>
    %dot_general3A_65 = arith.constant dense<0.000000e+00> : vector<10240x32xf32>
    %dot_general3A_66 = tpu.matmul %mul3A_61, %get3A_64, %dot_general3A_65 {dimension_numbers = #tpu.dot_dimension_numbers<[1], [0], [0], [1], [0, 0, 1, 1], [], []>, precision = #tpu.contract_precision<fp32>, transpose_lhs_hint = false} : vector<10240x128xf32>, vector<128x32xf32>, vector<10240x32xf32> -> vector<10240x32xf32>
    %swap3A_67 = arith.constant 0 : index
    %swap3A_68 = arith.constant 0 : index
    %swap3A_69 = vector.load %arg6[%swap3A_67, %swap3A_68] : memref<10240x32xf32, #tpu.memory_space<vmem>>, vector<10240x32xf32>
    tpu.vector_store %arg6[%swap3A_67, %swap3A_68], %dot_general3A_66 {strides = array<i32>} : memref<10240x32xf32, #tpu.memory_space<vmem>>, vector<10240x32xf32>,
    return
  }
}

module attributes {stable_mosaic.version = 14 : i64} {
  func.func @_tc3_body(%arg0: memref<32x10240xf32, #tpu.memory_space<vmem>>, %arg1: memref<10240x32xf32, #tpu.memory_space<vmem>>, %arg2: memref<10240x1xf32, #tpu.memory_space<vmem>>, %arg3: memref<10240x32xf32, #tpu.memory_space<vmem>>, %arg4: memref<10240x1xf32, #tpu.memory_space<vmem>>) attributes {dimension_semantics = [], scalar_prefetch = 0 : i64, scratch_operands = 0 : i64, tpu.core_type = #tpu.core_type<tc>} {
    %broadcast_in_dim3A = arith.constant 1.000000e+00 : f32
    %broadcast_in_dim3A_0 = vector.broadcast %broadcast_in_dim3A : f32 to vector<32x1xf32>
    %get3A = arith.constant 0 : index
    %get3A_1 = arith.constant 0 : index
    %get3A_2 = vector.load %arg0[%get3A, %get3A_1] : memref<32x10240xf32, #tpu.memory_space<vmem>>, vector<32x10240xf32>
    %dot_general3A = arith.constant dense<0.000000e+00> : vector<10240x1xf32>
    %dot_general3A_3 = tpu.matmul %get3A_2, %broadcast_in_dim3A_0, %dot_general3A {dimension_numbers = #tpu.dot_dimension_numbers<[0], [0], [1], [1], [0, 1, 1, 1], [], []>, precision = #tpu.contract_precision<fp32>, transpose_lhs_hint = false} : vector<32x10240xf32>, vector<32x1xf32>, vector<10240x1xf32> -> vector<10240x1xf32>
    %get3A_4 = arith.constant 0 : index
    %get3A_5 = arith.constant 0 : index
    %get3A_6 = vector.load %arg2[%get3A_4, %get3A_5] : memref<10240x1xf32, #tpu.memory_space<vmem>>, vector<10240x1xf32>
    %add3A = arith.constant 1.000000e+00 : f32
    %add3A_7 = vector.broadcast %add3A : f32 to vector<10240x1xf32>
    %add3A_8 = arith.addf %dot_general3A_3, %add3A_7 : vector<10240x1xf32>
    %rsqrt3A = math.rsqrt %add3A_8 : vector<10240x1xf32>
    %mul3A = arith.mulf %get3A_6, %rsqrt3A : vector<10240x1xf32>
    %swap3A = arith.constant 0 : index
    %swap3A_9 = arith.constant 0 : index
    %swap3A_10 = vector.load %arg4[%swap3A, %swap3A_9] : memref<10240x1xf32, #tpu.memory_space<vmem>>, vector<10240x1xf32>
    tpu.vector_store %arg4[%swap3A, %swap3A_9], %mul3A {strides = array<i32>} : memref<10240x1xf32, #tpu.memory_space<vmem>>, vector<10240x1xf32>,
    %get3A_11 = arith.constant 0 : index
    %get3A_12 = arith.constant 0 : index
    %get3A_13 = vector.load %arg1[%get3A_11, %get3A_12] : memref<10240x32xf32, #tpu.memory_space<vmem>>, vector<10240x32xf32>
    %mul3A_14 = vector.broadcast %mul3A : vector<10240x1xf32> to vector<10240x32xf32>
    %mul3A_15 = arith.mulf %mul3A_14, %get3A_13 : vector<10240x32xf32>
    %swap3A_16 = arith.constant 0 : index
    %swap3A_17 = arith.constant 0 : index
    %swap3A_18 = vector.load %arg3[%swap3A_16, %swap3A_17] : memref<10240x32xf32, #tpu.memory_space<vmem>>, vector<10240x32xf32>
    tpu.vector_store %arg3[%swap3A_16, %swap3A_17], %mul3A_15 {strides = array<i32>} : memref<10240x32xf32, #tpu.memory_space<vmem>>, vector<10240x32xf32>,
    return
  }
}

module attributes {stable_mosaic.version = 14 : i64} {
  func.func @_tc4_body(%arg0: memref<2x10240x32xf32, #tpu.memory_space<vmem>>, %arg1: memref<10240x32xf32, #tpu.memory_space<vmem>>, %arg2: memref<10240x1xf32, #tpu.memory_space<vmem>>, %arg3: memref<10240x1xf32, #tpu.memory_space<vmem>>, %arg4: memref<1x32xf32, #tpu.memory_space<vmem>>, %arg5: memref<32x10xf32, #tpu.memory_space<vmem>>, %arg6: memref<1x10xf32, #tpu.memory_space<vmem>>, %arg7: memref<1x10xf32, #tpu.memory_space<vmem>>) attributes {dimension_semantics = [], scalar_prefetch = 0 : i64, scratch_operands = 0 : i64, tpu.core_type = #tpu.core_type<tc>} {
    %get3A = arith.constant 0 : index
    %get3A_0 = arith.constant 0 : index
    %get3A_1 = arith.constant 0 : index
    %get3A_2 = vector.load %arg0[%get3A, %get3A_0, %get3A_1] : memref<2x10240x32xf32, #tpu.memory_space<vmem>>, vector<1x10240x32xf32>
    %get3A_3 = vector.shape_cast %get3A_2 : vector<1x10240x32xf32> to vector<10240x32xf32>
    %get3A_4 = arith.constant 1 : index
    %get3A_5 = arith.constant 0 : index
    %get3A_6 = arith.constant 0 : index
    %get3A_7 = vector.load %arg0[%get3A_4, %get3A_5, %get3A_6] : memref<2x10240x32xf32, #tpu.memory_space<vmem>>, vector<1x10240x32xf32>
    %get3A_8 = vector.shape_cast %get3A_7 : vector<1x10240x32xf32> to vector<10240x32xf32>
    %add3A = arith.addf %get3A_3, %get3A_8 : vector<10240x32xf32>
    %get3A_9 = arith.constant 0 : index
    %get3A_10 = arith.constant 0 : index
    %get3A_11 = vector.load %arg2[%get3A_9, %get3A_10] : memref<10240x1xf32, #tpu.memory_space<vmem>>, vector<10240x1xf32>
    %get3A_12 = arith.constant 0 : index
    %get3A_13 = arith.constant 0 : index
    %get3A_14 = vector.load %arg3[%get3A_12, %get3A_13] : memref<10240x1xf32, #tpu.memory_space<vmem>>, vector<10240x1xf32>
    %mul3A = vector.broadcast %get3A_11 : vector<10240x1xf32> to vector<10240x32xf32>
    %mul3A_15 = arith.mulf %mul3A, %add3A : vector<10240x32xf32>
    %mul3A_16 = arith.mulf %get3A_11, %get3A_11 : vector<10240x1xf32>
    %get3A_17 = arith.constant 0 : index
    %get3A_18 = arith.constant 0 : index
    %get3A_19 = vector.load %arg1[%get3A_17, %get3A_18] : memref<10240x32xf32, #tpu.memory_space<vmem>>, vector<10240x32xf32>
    %mul3A_20 = vector.broadcast %mul3A_16 : vector<10240x1xf32> to vector<10240x32xf32>
    %mul3A_21 = arith.mulf %mul3A_20, %get3A_19 : vector<10240x32xf32>
    %add3A_22 = arith.addf %mul3A_15, %mul3A_21 : vector<10240x32xf32>
    %get3A_23 = arith.constant 0 : index
    %get3A_24 = arith.constant 0 : index
    %get3A_25 = vector.load %arg4[%get3A_23, %get3A_24] : memref<1x32xf32, #tpu.memory_space<vmem>>, vector<1x32xf32>
    %add3A_26 = vector.broadcast %get3A_25 : vector<1x32xf32> to vector<10240x32xf32>
    %add3A_27 = arith.addf %add3A_22, %add3A_26 : vector<10240x32xf32>
    %max3A = arith.constant 0.000000e+00 : f32
    %max3A_28 = vector.broadcast %max3A : f32 to vector<10240x32xf32>
    %max3A_29 = arith.maximumf %add3A_27, %max3A_28 : vector<10240x32xf32>
    %mul3A_30 = vector.broadcast %get3A_14 : vector<10240x1xf32> to vector<10240x32xf32>
    %mul3A_31 = arith.mulf %mul3A_30, %max3A_29 : vector<10240x32xf32>
    %broadcast_in_dim3A = arith.constant 1.000000e+00 : f32
    %broadcast_in_dim3A_32 = vector.broadcast %broadcast_in_dim3A : f32 to vector<1x10240xf32>
    %dot_general3A = arith.constant dense<0.000000e+00> : vector<1x32xf32>
    %dot_general3A_33 = tpu.matmul %broadcast_in_dim3A_32, %mul3A_31, %dot_general3A {dimension_numbers = #tpu.dot_dimension_numbers<[1], [0], [0], [1], [0, 0, 1, 1], [], []>, precision = #tpu.contract_precision<fp32>, transpose_lhs_hint = false} : vector<1x10240xf32>, vector<10240x32xf32>, vector<1x32xf32> -> vector<1x32xf32>
    %mul3A_34 = arith.constant 2.000000e-04 : f32
    %mul3A_35 = vector.broadcast %mul3A_34 : f32 to vector<1x32xf32>
    %mul3A_36 = arith.mulf %dot_general3A_33, %mul3A_35 : vector<1x32xf32>
    %get3A_37 = arith.constant 0 : index
    %get3A_38 = arith.constant 0 : index
    %get3A_39 = vector.load %arg5[%get3A_37, %get3A_38] : memref<32x10xf32, #tpu.memory_space<vmem>>, vector<32x10xf32>
    %dot_general3A_40 = arith.constant dense<0.000000e+00> : vector<1x10xf32>
    %dot_general3A_41 = tpu.matmul %mul3A_36, %get3A_39, %dot_general3A_40 {dimension_numbers = #tpu.dot_dimension_numbers<[1], [0], [0], [1], [0, 0, 1, 1], [], []>, precision = #tpu.contract_precision<fp32>, transpose_lhs_hint = false} : vector<1x32xf32>, vector<32x10xf32>, vector<1x10xf32> -> vector<1x10xf32>
    %get3A_42 = arith.constant 0 : index
    %get3A_43 = arith.constant 0 : index
    %get3A_44 = vector.load %arg6[%get3A_42, %get3A_43] : memref<1x10xf32, #tpu.memory_space<vmem>>, vector<1x10xf32>
    %add3A_45 = arith.addf %dot_general3A_41, %get3A_44 : vector<1x10xf32>
    %swap3A = arith.constant 0 : index
    %swap3A_46 = arith.constant 0 : index
    %swap3A_47 = vector.load %arg7[%swap3A, %swap3A_46] : memref<1x10xf32, #tpu.memory_space<vmem>>, vector<1x10xf32>
    tpu.vector_store %arg7[%swap3A, %swap3A_46], %add3A_45 {strides = array<i32>} : memref<1x10xf32, #tpu.memory_space<vmem>>, vector<1x10xf32>,
    return
  }
}

</mosaic_0001>

<sc_bundles>
// kernel: kernel.11.cloned.1.call-start
scs
__scs_entry_jumppad:
0x0: {  	(pc) =	sbr.rel $0x88, $3  }
0x1: {  	(tag) =	ssettag $0x0;
	lr =	simm.s32 $0x1  }
0x2: {  	[smem:$0x3F97] =	sst lr;
	_ =	strace $0xD0000000  }
0x3: {  	_ = 	snop  }
0x4: {  	_ = 	snop  }
0x5: {  	_ = 	snop  }
0x6: {  	_ = 	snop  }
0x7: {  	_ = 	snop  }
__scs_overlays_trampoline_lowered:
0x8: {  	[smem:$0x3FA6] =	sst s0  }
0x9: {  	[smem:$0x3FA7] =	sst s1  }
0xa: {  	[smem:$0x3FA8] =	sst s2  }
0xb: {  	[smem:$0x3FA9] =	sst s3  }
0xc: {  	[smem:$0x3FAA] =	sst s4  }
0xd: {  	[smem:$0x3FAB] =	sst s5  }
0xe: {  	[smem:$0x3FAC] =	sst s6  }
0xf: {  	[smem:$0x3FAD] =	sst s7  }
0x10: {  	[smem:$0x3FAE] =	sst s8  }
0x11: {  	[smem:$0x3FAF] =	sst s9;
	s0 =	simm.s32 @!p0 $0x0  }
0x12: {  	s1 =	sld [smem:$0x3F95];
	s0 =	simm.s32 @p0 $0x1  }
0x13: {  	[smem:$0x3FB0] =	sst s0;
	s0 =	simm.s32 @!p1 $0x0  }
0x14: {  	s2 =	sld [smem:$0x3F94];
	s0 =	simm.s32 @p1 $0x1  }
0x15: {  	[smem:$0x3FB1] =	sst s0;
	s0 =	simm.s32 @!p2 $0x0  }
0x16: {  	s3 =	sld [smem:$0x3FDB];
	s0 =	simm.s32 @p2 $0x1  }
0x17: {  	s4 =	simm.s32 $0x1BF5;
	[smem:$0x3FB3] =	sst s0  }
0x18: {  	s0 =	sld [smem:$0x3F96];
	_ =	swait.ge [sflag:s4], $0x0  }
0x19: {  	s7 =	sld [smem:$0x3F97]  }
0x1a: {  	s8 =	sadd.s32 $0xFFFFE003, lr  }
0x1b: {  	s9 =	sadd.s32 $0xFFFFFEF7, lr;
	s5 =	simm.s32 $0xFFFFFFFF;
	p2 =	slt.u32 s8, $0xFFFFF086  }
0x1c: {  	p1 =	slt.u32 s9, $0xF7A;
	s5 =	simm.s32 @!p2 $0x0  }
0x1d: {  	s5 =	simm.s32 @p1 $0x1;
	p0 =	seq.s32 s7, s2  }
0x1e: {  	s7 =	smul.u32 @!p0 $0xF7A, s2;
	p2 =	seq.s32 @!p0 s5, $0x0  }
0x1f: {  	s9 =	smul.u32 $0xF7A, s1;
	s8 =	simm.s32 @!p0 $0x1BF5;
	p2 =	por !p2, p0  }
0x20: {  	[sflag:s8] =	ssyncset.s32 @!p0 $0xFFFFF086;
	s6 =	sadd.s32 @!p0 s3, s7;
	s7 =	simm.s32 @!p0 $0x108  }
0x21: {  	s3 =	sadd.s32 s3, s9;
	s6 =	sadd.s32 @!p0 $0x88, s6;
	s7 =	simm.s32 @p2 $0x1082  }
0x22: {  	[simem:s7], [sflag:s8] =	dma.local @!p0 [hbm:s6], $0xF7A  }
0x23: {  	s9 =	sor.u32 $0xD0000000, s2;
	s6 =	simm.s32 $0x108;
	_ =	swait.ge @!p0 [sflag:s8], $0x0  }
0x24: {  	s3 =	sadd.s32 $0x88, s3;
	s6 =	simm.s32 @!p1 $0x1082;
	[sflag:s4] =	ssyncset.s32 $0xFFFFF086  }
0x25: {  	[simem:s6], [sflag:s4] =	dma.local [hbm:s3], $0xF7A  }
0x26: {  	[smem:$0x3F97] =	sst s1;
	(tag) =	ssettag s2;
	_ =	strace s9  }
0x27: {  	s1 =	sld [smem:$0x3FA7]  }
0x28: {  	s2 =	sld [smem:$0x3FA8]  }
0x29: {  	s4 =	sld [smem:$0x3FAA]  }
0x2a: {  	p0 =	seq.s32 s5, $0x0;
	s5 =	sld [smem:$0x3FAB]  }
0x2b: {  	s6 =	sld [smem:$0x3FAC]  }
0x2c: {  	s7 =	sld [smem:$0x3FAD]  }
0x2d: {  	s3 =	simm.s32 $0x108;
	s8 =	sld [smem:$0x3FAE]  }
0x2e: {  	s3 =	simm.s32 @!p0 $0x1082;
	s9 =	sld [smem:$0x3FAF]  }
0x2f: {  	lr =	sadd.s32 s0, s3;
	s0 =	sld [smem:$0x3FA6]  }
0x30: {  	s3 =	sld [smem:$0x3FA9]  }
0x31: {  	[smem:$0x3FB2] =	sst s10  }
0x32: {  	s10 =	sld [smem:$0x3FB0];
	_ =	sdelay $0x3  }
0x33: {  	p0 =	seq.s32 s10, $0x1;
	s10 =	sld [smem:$0x3FB2];
	_ =	sdelay $0x3  }
0x34: {  	[smem:$0x3FB2] =	sst s10  }
0x35: {  	s10 =	sld [smem:$0x3FB1];
	_ =	sdelay $0x3  }
0x36: {  	p1 =	seq.s32 s10, $0x1;
	s10 =	sld [smem:$0x3FB2];
	_ =	sdelay $0x3  }
0x37: {  	[smem:$0x3FB2] =	sst s10  }
0x38: {  	s10 =	sld [smem:$0x3FB3]  }
0x39: {  	_ = 	snop;
	(pc) =	sbr.ind lr, $3  }
0x3a: {  	_ = 	snop  }
0x3b: {  	_ = 	snop  }
0x3c: {  	p2 =	seq.s32 s10, $0x1;
	s10 =	sld [smem:$0x3FB2]  }
0x3d: {  	_ =	shalt  }
0x3e: {  	_ =	shalt  }
0x3f: {  	_ =	shalt  }
0x40: {  	_ =	shalt  }
0x41: {  	_ =	shalt  }
0x42: {  	_ =	shalt  }
0x43: {  	_ =	shalt  }
0x44: {  	_ =	shalt  }
0x45: {  	_ =	shalt  }
0x46: {  	_ =	shalt  }
0x47: {  	_ =	shalt  }
0x48: {  	_ =	shalt  }
0x49: {  	_ =	shalt  }
0x4a: {  	_ =	shalt  }
0x4b: {  	_ =	shalt  }
0x4c: {  	_ =	shalt  }
0x4d: {  	_ =	shalt  }
0x4e: {  	_ =	shalt  }
0x4f: {  	_ =	shalt  }
0x50: {  	_ =	shalt  }
0x51: {  	_ =	shalt  }
0x52: {  	_ =	shalt  }
0x53: {  	_ =	shalt  }
0x54: {  	_ =	shalt  }
0x55: {  	_ =	shalt  }
0x56: {  	_ =	shalt  }
0x57: {  	_ =	shalt  }
0x58: {  	_ =	shalt  }
0x59: {  	_ =	shalt  }
0x5a: {  	_ =	shalt  }
0x5b: {  	_ =	shalt  }
0x5c: {  	_ =	shalt  }
0x5d: {  	_ =	shalt  }
0x5e: {  	_ =	shalt  }
0x5f: {  	_ =	shalt  }
0x60: {  	_ =	shalt  }
0x61: {  	_ =	shalt  }
0x62: {  	_ =	shalt  }
0x63: {  	_ =	shalt  }
0x64: {  	_ =	shalt  }
0x65: {  	_ =	shalt  }
0x66: {  	_ =	shalt  }
0x67: {  	_ =	shalt  }
0x68: {  	_ =	shalt  }
0x69: {  	_ =	shalt  }
0x6a: {  	_ =	shalt  }
0x6b: {  	_ =	shalt  }
0x6c: {  	_ =	shalt  }
0x6d: {  	_ =	shalt  }
0x6e: {  	_ =	shalt  }
0x6f: {  	_ =	shalt  }
0x70: {  	_ =	shalt  }
0x71: {  	_ =	shalt  }
0x72: {  	_ =	shalt  }
0x73: {  	_ =	shalt  }
0x74: {  	_ =	shalt  }
0x75: {  	_ =	shalt  }
0x76: {  	_ =	shalt  }
0x77: {  	_ =	shalt  }
0x78: {  	_ =	shalt  }
0x79: {  	_ =	shalt  }
0x7a: {  	_ =	shalt  }
0x7b: {  	_ =	shalt  }
0x7c: {  	_ =	shalt  }
0x7d: {  	_ =	shalt  }
0x7e: {  	_ =	shalt  }
0x7f: {  	_ =	shalt  }
0x80: {  	_ =	shalt  }
0x81: {  	_ =	shalt  }
0x82: {  	_ =	shalt  }
0x83: {  	_ =	shalt  }
0x84: {  	_ =	shalt  }
0x85: {  	_ =	shalt  }
0x86: {  	_ =	shalt  }
0x87: {  	_ =	shalt  }
.Lfunc_end0:
.L_simem_size_0:
called_computation_lowered:
.L_overlay_start_0:
0x88: {  	s2 =	sld [smem:$0x3FD9]  }
0x89: {  	s3 =	sld [smem:$0x3FFE];
	_ =	sdelay $0x1  }
0x8a: {  	s1 =	srdreg.scid  }
0x8b: {  	s0 =	sand.u32 $0x1, s1  }
0x8c: {  	s16 =	sshll.u32 s0, $0xA;
	s2 =	sadd.s32 s3, s2  }
0x8d: {  	s2 =	sadd.s32 s2, s16  }
0x8e: {  	[smem:$0x3FBE] =	sst s2  }
0x8f: {  	_ = 	snop  }
0x90: {  	(tm) =	ssettm $0x1  }
0x91: {  	s17 =	sld [smem:$0x3FFB];
	_ =	sdelay $0x3  }
0x92: {  	_ =	strace s17  }
0x93: {  	s2 =	sld [smem:$0x3FFC];
	_ =	sdelay $0x3  }
0x94: {  	_ =	strace s2  }
0x95: {  	s2 =	sld [smem:$0x3FFD];
	_ =	sdelay $0x3  }
0x96: {  	_ =	strace s2  }
0x97: {  	_ =	strace $0x8FFFFFFF  }
0x98: {  	s18 =	sld [smem:$0x3FDB];
	_ =	sdelay $0x1  }
0x99: {  	s19 =	simm.s32 $_scs_section_size  }
0x9a: {  	s4 =	simm.s32 $_size__tile_overlayer_lowered;
	s5 =	simm.s32 $_tile_overlayer_lowered  }
0x9b: {  	s22 =	simm.s32 $0x1BFF;
	s21 =	sshll.u32 s5, $0x1;
	s2 =	sadd.s32 s19, s18  }
0x9c: {  	s6 =	simm.s32 $0x0;
	s20 =	sshll.u32 s4, $0x1;
	s4 =	sadd.s32 s21, s2  }
0x9d: {  	[timem:s6], [sflag:s22] =	dma.local [hbm:s4], s20  }
0x9e: {  	_ =	swait.ge [sflag:s22], s20  }
0x9f: {  	s3 =	ssub.s32 $0x0, s20;
	[sflag:s22] =	ssyncset.done $0x0  }
0xa0: {  	[sflag:s22] =	ssyncadd.s32 s3;
	_ =	sdelay $0x1  }
0xa1: {  	s23 =	simm.s32 $0x1B8B  }
0xa2: {  	_ =	swait.ge [sflag:s23], $0x1  }
0xa3: {  	[sflag:s23] =	ssyncset.done $0x0  }
0xa4: {  	s25 =	simm.s32 $0x1B8E;
	s24 =	sld [smem:$0x3FFE];
	[sflag:s23] =	ssyncadd.s32 $0xFFFFFFFF  }
0xa5: {  	s26 =	simm.s32 $execute0_lowered;
	[smem:$0x3FD2] =	sst s25  }
0xa6: {  	s4 =	sshll.u32 s26, $0x1;
	_ =	strace $0x80000046;
	[dreg:$0x1] =	wrdreg $0xFFFFFFFF  }
0xa7: {  	s28 =	simm.s32 $_size_execute0_lowered;
	s2 =	sadd.s32 s2, s4;
	[dreg:$0x0] =	wrdreg $0x0  }
0xa8: {  	s4 =	sshll.u32 s28, $0x1;
	[dreg:$0x2] =	wrdreg s2  }
0xa9: {  	[dreg:$0x3] =	wrdreg s4  }
0xaa: {  	[dreg:$0x4] =	wrdreg $0xC0  }
0xab: {  	_ =	task [dreg:s6], $0x5FFFF  }
0xac: {  	[dreg:$0x1] =	wrdreg $0xFFFFFFFF  }
0xad: {  	[dreg:$0x0] =	wrdreg $0x60  }
0xae: {  	[dreg:$0x2] =	wrdreg s24  }
0xaf: {  	[dreg:$0x3] =	wrdreg $0x9  }
0xb0: {  	_ =	task.clear_ibuf [dreg:s6], $0x4FFFF;
	_ =	strace $0x90000046  }
0xb1: {  	s29 =	simm.s32 $0x9;
	_ =	strace $0x80000048  }
0xb2: {  	_ =	swait.ge [sflag:s29], $0x1  }
0xb3: {  	[sflag:s29] =	ssyncadd.s32 $0xFFFFFFFF  }
0xb4: {  	_ =	strace $0x90000048  }
0xb5: {  	_ =	sfence  }
0xb6: {  	s30 =	sld [smem:$0x0];
	_ =	sdelay $0x2  }
0xb7: {  	s31 =	sshll.u32 s1, $0xD;
	s1 =	sshrl.u32 s1, $0x2  }
0xb8: {  	s3 =	sand.u32 $0x4000, s31;
	s1 =	sadd.s32 s1, s30  }
0xb9: {  	s0 =	sor.u32 s3, s0;
	s1 =	sshll.u32 s1, $0x11  }
0xba: {  	s0 =	sor.u32 s1, s0  }
0xbb: {  	s0 =	sadd.s32 $0x8F2B, s0  }
0xbc: {  	[sflag:s0] =	ssyncadd.remote.s32 $0x1  }
0xbd: {  	_ =	sfence.sel $0xFFFF  }
0xbe: {  	[dreg:$0x0] =	wrdreg $0xFFFFFFFF;
	(pc) =	sbr.abs _section_cstart, $3  }
0xbf: {  	[dreg:$0x1] =	wrdreg $0xFFFFFFFF  }
0xc0: {  	_ =	task.clear_ibuf [dreg:s6], $0x2FFFF;
	_ =	strace $0x9FFFFFFF  }
0xc1: {  	(tm) =	ssettm $0x7FFFFFFF  }
tec
execute0_lowered:
.L_overlay_start_1:
0x0: {  	(tag) =	ssettag $0x1  }
0x1: {  	s0 =	srdreg.scid  }
0x2: {  	s3 =	sand.u32 $0x1, s0  }
0x3: {  	s4 =	rddreg [dreg:$0x0];
	s0 =	stileid.u32;
	s1 =	sshll.u32 s3, $0x4  }
0x4: {  	s2 =	simm.s32 $0x0;
	s8 =	simm.s32 $0x80;
	s5 =	sor.u32 s0, s1  }
0x5: {  	s9 =	simm.s32 $0x400;
	[smem:$0x7FF] =	sst s2;
	s6 =	sshrl.u32 s5, $0x3  }
0x6: {  	s7 =	sshll.u32 s0, $0x7;
	s3 =	ssub.s32 $0x2, s3;
	s6 =	smul.u32 $0x14000, s6  }
0x7: {  	s1 =	rddreg [dreg:$0x1];
	s7 =	sand.u32 $0x380, s7;
	s5 =	smul.u32 $0x4F0, s5  }
0x8: {  	_ =	strace $0x80000047;
	s30 =	sshrl.u32 s3, $0x1;
	s6 =	sor.u32 s7, s6  }
0x9: {  	s31 =	ssub.s32 s3, s30;
	s5 =	sadd.s32 s5, s4;
	s6 =	sshrl.u32 s6, $0x3  }
0xa: {  	s3 =	sadd.s32 $0x2C00, s5;
	s5 =	smax.u32 s31, $0x1;
	s4 =	sadd.s32 s6, s4  }
0xb: {  	v0 =	vimm.f32 $0.0e+00;
	v1 =	vimm.f32 $1.000000000e+00;
	s7 =	simm.s32 $0x2780;
	s6 =	simm.s32 $0x1;
	s4 =	sadd.s32 $0xCA00, s4  }
.LBB2_1:
0xc: {  	s10 =	simm.s32 $0x40;
	s11 =	simm.s32 $0x0  }
.LBB2_2:
0xd: {  	p0 =	sne.s32 s10, $0x9FC0;
	[tilespmem:s11+$0x2780] =	vst v0;
	s11 =	smov.u32 s10;
	s10 =	sadd.s32 $0x40, s10  }
.Ltmp0:
0xe: {  	(pc) =	sbr.rel @p0 .LBB2_2-.Ltmp0, $2  }
0xf: {  	_ =	sdelay $0x2  }
0x10: {  	s11 =	sshra.s32 s11, $0x2  }
0x11: {  	[tilespmem:s11+$0x2780] =	vst v0;
	s10 =	simm.s32 $0x0  }
0x12: {  	[tilespmem:s10], [sflag:$0x1] =	stream.linear.gather [hbm4b:s3+s10], $0x2780, $0x38;
	[tilespmem:$0x4F80] =	vst v63  }
0x13: {  	_ =	swait.ge [sflag:s6], $0x2780  }
0x14: {  	[sflag:s6] =	ssyncset.done $0x0  }
0x15: {  	s11 =	simm.s32 $0x0;
	s10 =	simm.s32 $0x40;
	[sflag:s6] =	ssyncadd.s32 $0xFFFFD880  }
.LBB2_4:
0x16: {  	p0 =	sne.s32 s10, $0x9DC0;
	v2 =	vld [tilespmem:s11+$0x0];
	_ =	sdelay $0x3  }
.Ltmp1:
0x17: {  	(pc) =	sbr.rel @p0 .LBB2_4-.Ltmp1, $2  }
0x18: {  	_ =	sdelay $0x2  }
0x19: {  	s11 =	sshra.s32 s10, $0x2;
	s10 =	sadd.s32 $0x40, s10;
	[tilespmem:v2+s7+$0x0] =	vst.idx.add.f32.msk $0xffff, v1  }
0x1a: {  	v2 =	vld [tilespmem:s11+$0x0];
	_ =	sdelay $0x5  }
0x1b: {  	s2 =	sadd.s32 $0x1, s2  }
0x1c: {  	p0 =	sne.s32 s2, s5  }
.Ltmp2:
0x1d: {  	[tilespmem:v2+s7+$0x0] =	vst.idx.add.f32.msk $0xffff, v1;
	(pc) =	sbr.rel @p0 .LBB2_1-.Ltmp2, $4  }
0x1e: {  	[hbm4b:s4+s8] =	stream.strided.scatter [tilespmem:s7], [sflag:$0x1], $0x2800, s9, s8, $0x38;
	[tilespmem:$0x4F80] =	vst v63  }
0x1f: {  	_ =	swait.ge [sflag:s6], $0x2800  }
0x20: {  	[sflag:s6] =	ssyncset.done $0x0  }
0x21: {  	[sflag:s6] =	ssyncadd.s32 $0xFFFFD800  }
0x22: {  	_ =	sfence.sel $0x180000  }
0x23: {  	[bflag:$0x0] =	sbarrier.arrive $0xFFFF  }
0x24: {  	p0 =	sne.s32 s0, $0x0;
	_ =	strace $0x90000047  }
0x25: {  	s0 =	sadd.s32 @!p0 $0x100000, s1;
	[bflag:$0x2] =	sbarrier.arrive $0xFFFF  }
0x26: {  	[sflag:s0] =	ssyncadd.tile.s32 @!p0 $0x1;
	_ =	shalt  }
.Lfunc_end2:
_tile_overlayer_lowered:
.L_overlay_start_2:
0x27: {  	(tag) =	ssettag $0x2  }
0x28: {  	s0 =	rddreg [dreg:$0x0];
	s2 =	stileid.u32  }
0x29: {  	s1 =	rddreg [dreg:$0x1];
	p0 =	sne.s32 s2, $0x0  }
0x2a: {  	s3 =	rddreg [dreg:$0x2];
	[bflag:$0x3] =	sbarrier.arrive $0xFFFF;
	s2 =	simm.s32 @!p0 $0x1C01  }
0x2b: {  	[timem:s3], [sflag:s2] =	dma.local @!p0 [hbm:s0], s1  }
0x2c: {  	s0 =	simm.s32 @!p0 $0x1  }
0x2d: {  	_ =	swait.ge @!p0 [sflag:s0], s1  }
0x2e: {  	s1 =	ssub.s32 @!p0 $0x0, s1;
	[sflag:s0] =	ssyncset.done @!p0 $0x0  }
0x2f: {  	[sflag:s0] =	ssyncadd.s32 @!p0 s1  }
0x30: {  	[bflag:$0x3] =	sbarrier.arrive $0xFFFF  }
0x31: {  	_ =	shalt  }

// kernel: kernel.14.cloned.1.call-start
scs
__scs_entry_jumppad:
0x0: {  	(pc) =	sbr.rel $0x88, $3  }
0x1: {  	(tag) =	ssettag $0x0;
	lr =	simm.s32 $0x1  }
0x2: {  	[smem:$0x3F97] =	sst lr;
	_ =	strace $0xD0000000  }
0x3: {  	_ = 	snop  }
0x4: {  	_ = 	snop  }
0x5: {  	_ = 	snop  }
0x6: {  	_ = 	snop  }
0x7: {  	_ = 	snop  }
__scs_overlays_trampoline_lowered:
0x8: {  	[smem:$0x3FA6] =	sst s0  }
0x9: {  	[smem:$0x3FA7] =	sst s1  }
0xa: {  	[smem:$0x3FA8] =	sst s2  }
0xb: {  	[smem:$0x3FA9] =	sst s3  }
0xc: {  	[smem:$0x3FAA] =	sst s4  }
0xd: {  	[smem:$0x3FAB] =	sst s5  }
0xe: {  	[smem:$0x3FAC] =	sst s6  }
0xf: {  	[smem:$0x3FAD] =	sst s7  }
0x10: {  	[smem:$0x3FAE] =	sst s8  }
0x11: {  	[smem:$0x3FAF] =	sst s9;
	s0 =	simm.s32 @!p0 $0x0  }
0x12: {  	s1 =	sld [smem:$0x3F95];
	s0 =	simm.s32 @p0 $0x1  }
0x13: {  	[smem:$0x3FB0] =	sst s0;
	s0 =	simm.s32 @!p1 $0x0  }
0x14: {  	s2 =	sld [smem:$0x3F94];
	s0 =	simm.s32 @p1 $0x1  }
0x15: {  	[smem:$0x3FB1] =	sst s0;
	s0 =	simm.s32 @!p2 $0x0  }
0x16: {  	s3 =	sld [smem:$0x3FDB];
	s0 =	simm.s32 @p2 $0x1  }
0x17: {  	s4 =	simm.s32 $0x1BF5;
	[smem:$0x3FB3] =	sst s0  }
0x18: {  	s0 =	sld [smem:$0x3F96];
	_ =	swait.ge [sflag:s4], $0x0  }
0x19: {  	s7 =	sld [smem:$0x3F97]  }
0x1a: {  	s8 =	sadd.s32 $0xFFFFE003, lr  }
0x1b: {  	s9 =	sadd.s32 $0xFFFFFEF7, lr;
	s5 =	simm.s32 $0xFFFFFFFF;
	p2 =	slt.u32 s8, $0xFFFFF086  }
0x1c: {  	p1 =	slt.u32 s9, $0xF7A;
	s5 =	simm.s32 @!p2 $0x0  }
0x1d: {  	s5 =	simm.s32 @p1 $0x1;
	p0 =	seq.s32 s7, s2  }
0x1e: {  	s7 =	smul.u32 @!p0 $0xF7A, s2;
	p2 =	seq.s32 @!p0 s5, $0x0  }
0x1f: {  	s9 =	smul.u32 $0xF7A, s1;
	s8 =	simm.s32 @!p0 $0x1BF5;
	p2 =	por !p2, p0  }
0x20: {  	[sflag:s8] =	ssyncset.s32 @!p0 $0xFFFFF086;
	s6 =	sadd.s32 @!p0 s3, s7;
	s7 =	simm.s32 @!p0 $0x108  }
0x21: {  	s3 =	sadd.s32 s3, s9;
	s6 =	sadd.s32 @!p0 $0x88, s6;
	s7 =	simm.s32 @p2 $0x1082  }
0x22: {  	[simem:s7], [sflag:s8] =	dma.local @!p0 [hbm:s6], $0xF7A  }
0x23: {  	s9 =	sor.u32 $0xD0000000, s2;
	s6 =	simm.s32 $0x108;
	_ =	swait.ge @!p0 [sflag:s8], $0x0  }
0x24: {  	s3 =	sadd.s32 $0x88, s3;
	s6 =	simm.s32 @!p1 $0x1082;
	[sflag:s4] =	ssyncset.s32 $0xFFFFF086  }
0x25: {  	[simem:s6], [sflag:s4] =	dma.local [hbm:s3], $0xF7A  }
0x26: {  	[smem:$0x3F97] =	sst s1;
	(tag) =	ssettag s2;
	_ =	strace s9  }
0x27: {  	s1 =	sld [smem:$0x3FA7]  }
0x28: {  	s2 =	sld [smem:$0x3FA8]  }
0x29: {  	s4 =	sld [smem:$0x3FAA]  }
0x2a: {  	p0 =	seq.s32 s5, $0x0;
	s5 =	sld [smem:$0x3FAB]  }
0x2b: {  	s6 =	sld [smem:$0x3FAC]  }
0x2c: {  	s7 =	sld [smem:$0x3FAD]  }
0x2d: {  	s3 =	simm.s32 $0x108;
	s8 =	sld [smem:$0x3FAE]  }
0x2e: {  	s3 =	simm.s32 @!p0 $0x1082;
	s9 =	sld [smem:$0x3FAF]  }
0x2f: {  	lr =	sadd.s32 s0, s3;
	s0 =	sld [smem:$0x3FA6]  }
0x30: {  	s3 =	sld [smem:$0x3FA9]  }
0x31: {  	[smem:$0x3FB2] =	sst s10  }
0x32: {  	s10 =	sld [smem:$0x3FB0];
	_ =	sdelay $0x3  }
0x33: {  	p0 =	seq.s32 s10, $0x1;
	s10 =	sld [smem:$0x3FB2];
	_ =	sdelay $0x3  }
0x34: {  	[smem:$0x3FB2] =	sst s10  }
0x35: {  	s10 =	sld [smem:$0x3FB1];
	_ =	sdelay $0x3  }
0x36: {  	p1 =	seq.s32 s10, $0x1;
	s10 =	sld [smem:$0x3FB2];
	_ =	sdelay $0x3  }
0x37: {  	[smem:$0x3FB2] =	sst s10  }
0x38: {  	s10 =	sld [smem:$0x3FB3]  }
0x39: {  	_ = 	snop;
	(pc) =	sbr.ind lr, $3  }
0x3a: {  	_ = 	snop  }
0x3b: {  	_ = 	snop  }
0x3c: {  	p2 =	seq.s32 s10, $0x1;
	s10 =	sld [smem:$0x3FB2]  }
0x3d: {  	_ =	shalt  }
0x3e: {  	_ =	shalt  }
0x3f: {  	_ =	shalt  }
0x40: {  	_ =	shalt  }
0x41: {  	_ =	shalt  }
0x42: {  	_ =	shalt  }
0x43: {  	_ =	shalt  }
0x44: {  	_ =	shalt  }
0x45: {  	_ =	shalt  }
0x46: {  	_ =	shalt  }
0x47: {  	_ =	shalt  }
0x48: {  	_ =	shalt  }
0x49: {  	_ =	shalt  }
0x4a: {  	_ =	shalt  }
0x4b: {  	_ =	shalt  }
0x4c: {  	_ =	shalt  }
0x4d: {  	_ =	shalt  }
0x4e: {  	_ =	shalt  }
0x4f: {  	_ =	shalt  }
0x50: {  	_ =	shalt  }
0x51: {  	_ =	shalt  }
0x52: {  	_ =	shalt  }
0x53: {  	_ =	shalt  }
0x54: {  	_ =	shalt  }
0x55: {  	_ =	shalt  }
0x56: {  	_ =	shalt  }
0x57: {  	_ =	shalt  }
0x58: {  	_ =	shalt  }
0x59: {  	_ =	shalt  }
0x5a: {  	_ =	shalt  }
0x5b: {  	_ =	shalt  }
0x5c: {  	_ =	shalt  }
0x5d: {  	_ =	shalt  }
0x5e: {  	_ =	shalt  }
0x5f: {  	_ =	shalt  }
0x60: {  	_ =	shalt  }
0x61: {  	_ =	shalt  }
0x62: {  	_ =	shalt  }
0x63: {  	_ =	shalt  }
0x64: {  	_ =	shalt  }
0x65: {  	_ =	shalt  }
0x66: {  	_ =	shalt  }
0x67: {  	_ =	shalt  }
0x68: {  	_ =	shalt  }
0x69: {  	_ =	shalt  }
0x6a: {  	_ =	shalt  }
0x6b: {  	_ =	shalt  }
0x6c: {  	_ =	shalt  }
0x6d: {  	_ =	shalt  }
0x6e: {  	_ =	shalt  }
0x6f: {  	_ =	shalt  }
0x70: {  	_ =	shalt  }
0x71: {  	_ =	shalt  }
0x72: {  	_ =	shalt  }
0x73: {  	_ =	shalt  }
0x74: {  	_ =	shalt  }
0x75: {  	_ =	shalt  }
0x76: {  	_ =	shalt  }
0x77: {  	_ =	shalt  }
0x78: {  	_ =	shalt  }
0x79: {  	_ =	shalt  }
0x7a: {  	_ =	shalt  }
0x7b: {  	_ =	shalt  }
0x7c: {  	_ =	shalt  }
0x7d: {  	_ =	shalt  }
0x7e: {  	_ =	shalt  }
0x7f: {  	_ =	shalt  }
0x80: {  	_ =	shalt  }
0x81: {  	_ =	shalt  }
0x82: {  	_ =	shalt  }
0x83: {  	_ =	shalt  }
0x84: {  	_ =	shalt  }
0x85: {  	_ =	shalt  }
0x86: {  	_ =	shalt  }
0x87: {  	_ =	shalt  }
.Lfunc_end0:
.L_simem_size_0:
called_computation.1_lowered:
.L_overlay_start_0:
0x88: {  	s2 =	sld [smem:$0x3FD9]  }
0x89: {  	s3 =	sld [smem:$0x3FFE];
	_ =	sdelay $0x1  }
0x8a: {  	s1 =	srdreg.scid  }
0x8b: {  	s0 =	sand.u32 $0x1, s1  }
0x8c: {  	s16 =	sshll.u32 s0, $0xA;
	s2 =	sadd.s32 s3, s2  }
0x8d: {  	s2 =	sadd.s32 s2, s16  }
0x8e: {  	[smem:$0x3FBE] =	sst s2  }
0x8f: {  	_ = 	snop  }
0x90: {  	(tm) =	ssettm $0x1  }
0x91: {  	s17 =	sld [smem:$0x3FFB];
	_ =	sdelay $0x3  }
0x92: {  	_ =	strace s17  }
0x93: {  	s2 =	sld [smem:$0x3FFC];
	_ =	sdelay $0x3  }
0x94: {  	_ =	strace s2  }
0x95: {  	s2 =	sld [smem:$0x3FFD];
	_ =	sdelay $0x3  }
0x96: {  	_ =	strace s2  }
0x97: {  	_ =	strace $0x8FFFFFFF  }
0x98: {  	s18 =	sld [smem:$0x3FDB];
	_ =	sdelay $0x1  }
0x99: {  	s19 =	simm.s32 $_scs_section_size  }
0x9a: {  	s4 =	simm.s32 $_size__tile_overlayer_lowered;
	s5 =	simm.s32 $_tile_overlayer_lowered  }
0x9b: {  	s22 =	simm.s32 $0x1BFF;
	s21 =	sshll.u32 s5, $0x1;
	s2 =	sadd.s32 s19, s18  }
0x9c: {  	s6 =	simm.s32 $0x0;
	s20 =	sshll.u32 s4, $0x1;
	s4 =	sadd.s32 s21, s2  }
0x9d: {  	[timem:s6], [sflag:s22] =	dma.local [hbm:s4], s20  }
0x9e: {  	_ =	swait.ge [sflag:s22], s20  }
0x9f: {  	s3 =	ssub.s32 $0x0, s20;
	[sflag:s22] =	ssyncset.done $0x0  }
0xa0: {  	[sflag:s22] =	ssyncadd.s32 s3;
	_ =	sdelay $0x1  }
0xa1: {  	s23 =	simm.s32 $0x1B8B  }
0xa2: {  	_ =	swait.ge [sflag:s23], $0x1  }
0xa3: {  	[sflag:s23] =	ssyncset.done $0x0  }
0xa4: {  	s25 =	simm.s32 $0x1B8E;
	s24 =	sld [smem:$0x3FFE];
	[sflag:s23] =	ssyncadd.s32 $0xFFFFFFFF  }
0xa5: {  	s26 =	simm.s32 $execute0_lowered;
	[smem:$0x3FD2] =	sst s25  }
0xa6: {  	s4 =	sshll.u32 s26, $0x1;
	_ =	strace $0x80000049;
	[dreg:$0x1] =	wrdreg $0xFFFFFFFF  }
0xa7: {  	s28 =	simm.s32 $_size_execute0_lowered;
	s2 =	sadd.s32 s2, s4;
	[dreg:$0x0] =	wrdreg $0x0  }
0xa8: {  	s4 =	sshll.u32 s28, $0x1;
	[dreg:$0x2] =	wrdreg s2  }
0xa9: {  	[dreg:$0x3] =	wrdreg s4  }
0xaa: {  	[dreg:$0x4] =	wrdreg $0xC0  }
0xab: {  	_ =	task [dreg:s6], $0x5FFFF  }
0xac: {  	[dreg:$0x1] =	wrdreg $0xFFFFFFFF  }
0xad: {  	[dreg:$0x0] =	wrdreg $0x60  }
0xae: {  	[dreg:$0x2] =	wrdreg s24  }
0xaf: {  	[dreg:$0x3] =	wrdreg $0x4F000  }
0xb0: {  	[dreg:$0x4] =	wrdreg $0x9  }
0xb1: {  	_ =	task.clear_ibuf [dreg:s6], $0x5FFFF;
	_ =	strace $0x90000049  }
0xb2: {  	s29 =	simm.s32 $0x9;
	_ =	strace $0x8000004B  }
0xb3: {  	_ =	swait.ge [sflag:s29], $0x1  }
0xb4: {  	[sflag:s29] =	ssyncadd.s32 $0xFFFFFFFF  }
0xb5: {  	_ =	strace $0x9000004B  }
0xb6: {  	_ =	sfence  }
0xb7: {  	s30 =	sld [smem:$0x0];
	_ =	sdelay $0x2  }
0xb8: {  	s31 =	sshll.u32 s1, $0xD;
	s1 =	sshrl.u32 s1, $0x2  }
0xb9: {  	s3 =	sand.u32 $0x4000, s31;
	s1 =	sadd.s32 s1, s30  }
0xba: {  	s0 =	sor.u32 s3, s0;
	s1 =	sshll.u32 s1, $0x11  }
0xbb: {  	s0 =	sor.u32 s1, s0  }
0xbc: {  	s0 =	sadd.s32 $0x8F2B, s0  }
0xbd: {  	[sflag:s0] =	ssyncadd.remote.s32 $0x1  }
0xbe: {  	_ =	sfence.sel $0xFFFF  }
0xbf: {  	[dreg:$0x0] =	wrdreg $0xFFFFFFFF;
	(pc) =	sbr.abs _section_cstart, $3  }
0xc0: {  	[dreg:$0x1] =	wrdreg $0xFFFFFFFF  }
0xc1: {  	_ =	task.clear_ibuf [dreg:s6], $0x2FFFF;
	_ =	strace $0x9FFFFFFF  }
0xc2: {  	(tm) =	ssettm $0x7FFFFFFF  }
0xc3: {  	_ =	shalt  }
tec
execute0_lowered:
.L_overlay_start_1:
0x0: {  	(tag) =	ssettag $0x1  }
0x1: {  	s0 =	srdreg.scid;
	s5 =	rddreg [dreg:$0x0]  }
0x2: {  	s11 =	stileid.u32;
	s2 =	rddreg [dreg:$0x1];
	s3 =	simm.s32 $0x0  }
0x3: {  	s10 =	simm.s32 $0xD;
	s14 =	simm.s32 $0x20;
	s15 =	simm.s32 $0x18F00  }
0x4: {  	s16 =	simm.s32 $0x19F00;
	s18 =	simm.s32 $0x1AF00;
	s20 =	simm.s32 $0x1BF00  }
0x5: {  	s22 =	simm.s32 $0x1CF00;
	s28 =	simm.s32 $0x4;
	s29 =	simm.s32 $0x7  }
0x6: {  	s30 =	simm.s32 $0x8;
	s31 =	simm.s32 $0x9;
	s17 =	simm.s32 $0x5  }
0x7: {  	s19 =	simm.s32 $0x6;
	s21 =	simm.s32 $0x0;
	s0 =	sand.u32 $0x1, s0  }
0x8: {  	s6 =	smul.u32 $0x14000, s11;
	[smem:$0x7FF] =	sst s3;
	s4 =	sadd.s32 $0x20800, s5  }
0x9: {  	s8 =	sadd.s32 $0xCA00, s5;
	s26 =	sshll.u32 s11, $0x6;
	s1 =	sshll.u32 s0, $0x4  }
0xa: {  	s7 =	smul.u32 $0x140000, s0;
	_ =	strace $0x8000004A;
	s0 =	ssub.s32 $0x2, s0  }
0xb: {  	[dreg:$0x3] =	wrdreg s8;
	s12 =	sor.u32 $0x1C0D, s26;
	s26 =	simm.s32 $0x3  }
0xc: {  	s1 =	sor.u32 s11, s1;
	s23 =	sshrl.u32 s0, $0x1;
	s25 =	sadd.s32 s6, s2  }
0xd: {  	s11 =	simm.s32 $0xC;
	s1 =	smul.u32 $0x4F0, s1;
	s7 =	sadd.s32 s6, s7  }
0xe: {  	s0 =	ssub.s32 s0, s23;
	s13 =	sshrl.u32 s25, $0x3;
	s23 =	simm.s32 $0x1DF00  }
.Ltmp0:
0xf: {  	s25 =	simm.s32 $0x2;
	s1 =	sadd.s32 s1, s5;
	(pc) =	sbr.rel .LBB2_1-.Ltmp0, $4  }
0x10: {  	s7 =	sshrl.u32 s7, $0x3;
	s9 =	smax.u32 s0, $0x1;
	s24 =	sadd.s32 $0x16A00, s1  }
0x11: {  	s5 =	sadd.s32 s7, s5;
	s1 =	sadd.s32 $0x2C00, s1;
	[dreg:$0x4] =	wrdreg s24  }
0x12: {  	s0 =	simm.s32 $0xB;
	s5 =	sadd.s32 $0x48800, s5;
	[dreg:$0x5] =	wrdreg s1  }
0x13: {  	[dreg:$0x6] =	wrdreg s5;
	s24 =	simm.s32 $0x1;
	s1 =	simm.s32 $0xA  }
.LBB2_4:
0x14: {  	_ =	swait.ge [sflag:s24], $0x1000  }
0x15: {  	[sflag:s24] =	ssyncset.done $0x0  }
0x16: {  	s5 =	simm.s32 $0x4E80;
	[sflag:s24] =	ssyncadd.s32 $0xFFFFF000  }
0x17: {  	[spmem:s2] =	stream.indirect.scatter.add.f32 [tilespmem:s15], [sflag:$0x7], $0x80, s5, s14, $0xb8;
	[tilespmem:$0x1EF00] =	vst v63  }
0x18: {  	_ =	swait.ge [sflag:s25], $0x1000  }
0x19: {  	[sflag:s25] =	ssyncset.done $0x0  }
0x1a: {  	s6 =	simm.s32 $0x4EA0;
	[sflag:s25] =	ssyncadd.s32 $0xFFFFF000  }
0x1b: {  	[spmem:s2] =	stream.indirect.scatter.add.f32 [tilespmem:s16], [sflag:$0x8], $0x80, s6, s14, $0xb8;
	[tilespmem:$0x1EF00] =	vst v63  }
0x1c: {  	_ =	swait.ge [sflag:s26], $0x1000  }
0x1d: {  	[sflag:s26] =	ssyncset.done $0x0  }
0x1e: {  	s7 =	simm.s32 $0x4EC0;
	[sflag:s26] =	ssyncadd.s32 $0xFFFFF000  }
0x1f: {  	[spmem:s2] =	stream.indirect.scatter.add.f32 [tilespmem:s18], [sflag:$0x9], $0x80, s7, s14, $0xb8;
	[tilespmem:$0x1EF00] =	vst v63  }
0x20: {  	_ =	swait.ge [sflag:s28], $0x1000  }
0x21: {  	[sflag:s28] =	ssyncset.done $0x0  }
0x22: {  	s8 =	simm.s32 $0x4EE0;
	[sflag:s28] =	ssyncadd.s32 $0xFFFFF000  }
0x23: {  	[spmem:s2] =	stream.indirect.scatter.add.f32 [tilespmem:s20], [sflag:$0xA], $0x80, s8, s14, $0xb8;
	[tilespmem:$0x1EF00] =	vst v63  }
.LBB2_5:
0x24: {  	_ =	swait.ge [sflag:s29], $0x1000  }
0x25: {  	[sflag:s29] =	ssyncset.done $0x0  }
0x26: {  	[sflag:s29] =	ssyncadd.s32 $0xFFFFF000  }
0x27: {  	_ =	swait.ge [sflag:s30], $0x1000  }
0x28: {  	[sflag:s30] =	ssyncset.done $0x0  }
0x29: {  	[sflag:s30] =	ssyncadd.s32 $0xFFFFF000  }
0x2a: {  	_ =	swait.ge [sflag:s31], $0x1000  }
0x2b: {  	[sflag:s31] =	ssyncset.done $0x0  }
0x2c: {  	[sflag:s31] =	ssyncadd.s32 $0xFFFFF000  }
0x2d: {  	_ =	swait.ge [sflag:s1], $0x1000  }
0x2e: {  	[sflag:s1] =	ssyncset.done $0x0  }
0x2f: {  	[sflag:s1] =	ssyncadd.s32 $0xFFFFF000  }
0x30: {  	_ =	swait.ge [sflag:s0], $0x1000  }
0x31: {  	[sflag:s0] =	ssyncset.done $0x0  }
0x32: {  	[sflag:s0] =	ssyncadd.s32 $0xFFFFF000  }
0x33: {  	_ =	swait.ge [sflag:s11], $0x1000  }
0x34: {  	[sflag:s11] =	ssyncset.done $0x0  }
0x35: {  	s21 =	sadd.s32 $0x1, s21;
	[sflag:s11] =	ssyncadd.s32 $0xFFFFF000  }
0x36: {  	p0 =	sne.s32 s21, s9;
	[bflag:$0x0] =	sbarrier.arrive $0xFFFF  }
.Ltmp1:
0x37: {  	s5 =	rddreg [dreg:$0x6];
	(pc) =	sbr.rel @!p0 .LBB2_6-.Ltmp1, $4  }
0x38: {  	[hbm:s5], [sflag:s12] =	dma.local [spmem:s13], $0x2800  }
0x39: {  	_ =	swait.ge [sflag:s10], $0x2800  }
0x3a: {  	[sflag:s10] =	ssyncset.done $0x0  }
0x3b: {  	[sflag:s10] =	ssyncadd.s32 $0xFFFFD800  }
.LBB2_1:
0x3c: {  	s5 =	rddreg [dreg:$0x4]  }
0x3d: {  	[tilespmem:s3], [sflag:$0xD] =	stream.linear.gather [hbm4b:s5+s3], $0x2780, $0x38;
	[tilespmem:$0x1EF00] =	vst v63  }
0x3e: {  	_ =	swait.ge [sflag:s10], $0x2780  }
0x3f: {  	[sflag:s10] =	ssyncset.done $0x0  }
0x40: {  	s6 =	simm.s32 $0x2780;
	s7 =	rddreg [dreg:$0x5];
	[sflag:s10] =	ssyncadd.s32 $0xFFFFD880  }
0x41: {  	[tilespmem:s6], [sflag:$0xD] =	stream.linear.gather [hbm4b:s7+s3], $0x2780, $0x38;
	[tilespmem:$0x1EF00] =	vst v63  }
0x42: {  	_ =	swait.ge [sflag:s10], $0x2780  }
0x43: {  	[sflag:s10] =	ssyncset.done $0x0  }
0x44: {  	s8 =	rddreg [dreg:$0x3];
	[sflag:s10] =	ssyncadd.s32 $0xFFFFD880  }
0x45: {  	[spmem:s13], [sflag:s12] =	dma.local [hbm:s8], $0x2800  }
0x46: {  	_ =	swait.ge [sflag:s10], $0x2800  }
0x47: {  	[sflag:s10] =	ssyncset.done $0x0  }
0x48: {  	[sflag:s10] =	ssyncadd.s32 $0xFFFFD800  }
0x49: {  	[bflag:$0x0] =	sbarrier.arrive $0xFFFF  }
0x4a: {  	[tilespmem:s15], [sflag:$0x1] =	stream.indirect.gather [hbm4b:s4+s14], $0x80, s3, s14, $0xb8;
	[tilespmem:$0x1EF00] =	vst v63  }
0x4b: {  	_ = 	snop  }
0x4c: {  	[tilespmem:s16], [sflag:$0x2] =	stream.indirect.gather [hbm4b:s4+s14], $0x80, s14, s14, $0xb8;
	[tilespmem:$0x1EF00] =	vst v63  }
0x4d: {  	s6 =	simm.s32 $0x40  }
0x4e: {  	[tilespmem:s18], [sflag:$0x3] =	stream.indirect.gather [hbm4b:s4+s14], $0x80, s6, s14, $0xb8;
	[tilespmem:$0x1EF00] =	vst v63  }
0x4f: {  	s7 =	simm.s32 $0x60  }
0x50: {  	[tilespmem:s20], [sflag:$0x4] =	stream.indirect.gather [hbm4b:s4+s14], $0x80, s7, s14, $0xb8;
	[tilespmem:$0x1EF00] =	vst v63  }
0x51: {  	s5 =	simm.s32 $0x0;
	s8 =	simm.s32 $0x80;
	s6 =	simm.s32 $0x0  }
0x52: {  	[tilespmem:s22], [sflag:$0x5] =	stream.indirect.gather [hbm4b:s4+s14], $0x80, s8, s14, $0xb8;
	[tilespmem:$0x1EF00] =	vst v63  }
.LBB2_2:
0x53: {  	s7 =	sshra.s32 s5, $0x2  }
0x54: {  	s8 =	sadd.s32 $0xA0, s7  }
0x55: {  	[tilespmem:s23], [sflag:$0x6] =	stream.indirect.gather [hbm4b:s4+s14], $0x80, s8, s14, $0xb8;
	[tilespmem:$0x1EF00] =	vst v63  }
0x56: {  	_ =	swait.ge [sflag:s24], $0x1000  }
0x57: {  	[sflag:s24] =	ssyncset.done $0x0  }
0x58: {  	s8 =	sadd.s32 $0x2780, s7;
	[sflag:s24] =	ssyncadd.s32 $0xFFFFF000  }
0x59: {  	[spmem:s2] =	stream.indirect.scatter.add.f32 [tilespmem:s15], [sflag:$0x7], $0x80, s8, s14, $0xb8;
	[tilespmem:$0x1EF00] =	vst v63  }
0x5a: {  	_ =	swait.ge [sflag:s25], $0x1000  }
0x5b: {  	[sflag:s25] =	ssyncset.done $0x0  }
0x5c: {  	s8 =	sadd.s32 $0x27A0, s7;
	[sflag:s25] =	ssyncadd.s32 $0xFFFFF000  }
0x5d: {  	[spmem:s2] =	stream.indirect.scatter.add.f32 [tilespmem:s16], [sflag:$0x8], $0x80, s8, s14, $0xb8;
	[tilespmem:$0x1EF00] =	vst v63  }
0x5e: {  	_ =	swait.ge [sflag:s26], $0x1000  }
0x5f: {  	[sflag:s26] =	ssyncset.done $0x0  }
0x60: {  	p0 =	seq.s32 s5, $0x9C00;
	s8 =	sadd.s32 $0x27C0, s7;
	[sflag:s26] =	ssyncadd.s32 $0xFFFFF000  }
0x61: {  	[spmem:s2] =	stream.indirect.scatter.add.f32 [tilespmem:s18], [sflag:$0x9], $0x80, s8, s14, $0xb8;
	[tilespmem:$0x1EF00] =	vst v63  }
.Ltmp2:
0x62: {  	_ = 	snop;
	(pc) =	sbr.rel @p0 .LBB2_5-.Ltmp2, $4  }
0x63: {  	_ =	swait.ge [sflag:s28], $0x1000  }
0x64: {  	[sflag:s28] =	ssyncset.done $0x0  }
0x65: {  	s8 =	sadd.s32 $0x27E0, s7;
	[sflag:s28] =	ssyncadd.s32 $0xFFFFF000  }
0x66: {  	[spmem:s2] =	stream.indirect.scatter.add.f32 [tilespmem:s20], [sflag:$0xA], $0x80, s8, s14, $0xb8;
	[tilespmem:$0x1EF00] =	vst v63  }
0x67: {  	_ =	swait.ge [sflag:s17], $0x1000  }
0x68: {  	[sflag:s17] =	ssyncset.done $0x0  }
0x69: {  	s8 =	sadd.s32 $0x2800, s7;
	[sflag:s17] =	ssyncadd.s32 $0xFFFFF000  }
0x6a: {  	[spmem:s2] =	stream.indirect.scatter.add.f32 [tilespmem:s22], [sflag:$0xB], $0x80, s8, s14, $0xb8;
	[tilespmem:$0x1EF00] =	vst v63  }
0x6b: {  	_ =	swait.ge [sflag:s19], $0x1000  }
0x6c: {  	[sflag:s19] =	ssyncset.done $0x0  }
0x6d: {  	s8 =	sadd.s32 $0x2820, s7;
	[sflag:s19] =	ssyncadd.s32 $0xFFFFF000  }
0x6e: {  	[spmem:s2] =	stream.indirect.scatter.add.f32 [tilespmem:s23], [sflag:$0xC], $0x80, s8, s14, $0xb8;
	[tilespmem:$0x1EF00] =	vst v63  }
0x6f: {  	_ =	swait.ge [sflag:s29], $0x1000  }
0x70: {  	[sflag:s29] =	ssyncset.done $0x0  }
0x71: {  	s8 =	sadd.s32 $0xC0, s7;
	[sflag:s29] =	ssyncadd.s32 $0xFFFFF000  }
0x72: {  	[tilespmem:s15], [sflag:$0x1] =	stream.indirect.gather [hbm4b:s4+s14], $0x80, s8, s14, $0xb8;
	[tilespmem:$0x1EF00] =	vst v63  }
0x73: {  	_ =	swait.ge [sflag:s30], $0x1000  }
0x74: {  	[sflag:s30] =	ssyncset.done $0x0  }
0x75: {  	s8 =	sadd.s32 $0xE0, s7;
	[sflag:s30] =	ssyncadd.s32 $0xFFFFF000  }
0x76: {  	[tilespmem:s16], [sflag:$0x2] =	stream.indirect.gather [hbm4b:s4+s14], $0x80, s8, s14, $0xb8;
	[tilespmem:$0x1EF00] =	vst v63  }
0x77: {  	_ =	swait.ge [sflag:s31], $0x1000  }
0x78: {  	[sflag:s31] =	ssyncset.done $0x0  }
0x79: {  	p0 =	slt.u32 s6, $0x33;
	s8 =	sadd.s32 $0x100, s7;
	[sflag:s31] =	ssyncadd.s32 $0xFFFFF000  }
0x7a: {  	[tilespmem:s18], [sflag:$0x3] =	stream.indirect.gather [hbm4b:s4+s14], $0x80, s8, s14, $0xb8;
	[tilespmem:$0x1EF00] =	vst v63  }
.Ltmp3:
0x7b: {  	_ = 	snop;
	(pc) =	sbr.rel @!p0 .LBB2_4-.Ltmp3, $4  }
0x7c: {  	_ =	swait.ge [sflag:s1], $0x1000  }
0x7d: {  	[sflag:s1] =	ssyncset.done $0x0  }
0x7e: {  	s8 =	sadd.s32 $0x120, s7;
	[sflag:s1] =	ssyncadd.s32 $0xFFFFF000  }
0x7f: {  	[tilespmem:s20], [sflag:$0x4] =	stream.indirect.gather [hbm4b:s4+s14], $0x80, s8, s14, $0xb8;
	[tilespmem:$0x1EF00] =	vst v63  }
0x80: {  	_ =	swait.ge [sflag:s0], $0x1000  }
0x81: {  	[sflag:s0] =	ssyncset.done $0x0  }
.Ltmp4:
0x82: {  	s7 =	sadd.s32 $0x140, s7;
	[sflag:s0] =	ssyncadd.s32 $0xFFFFF000;
	(pc) =	sbr.rel .LBB2_2-.Ltmp4, $4  }
0x83: {  	[tilespmem:s22], [sflag:$0x5] =	stream.indirect.gather [hbm4b:s4+s14], $0x80, s7, s14, $0xb8;
	[tilespmem:$0x1EF00] =	vst v63  }
0x84: {  	_ =	swait.ge [sflag:s11], $0x1000  }
0x85: {  	[sflag:s11] =	ssyncset.done $0x0  }
0x86: {  	s5 =	sadd.s32 $0x300, s5;
	s6 =	sadd.s32 $0x1, s6;
	[sflag:s11] =	ssyncadd.s32 $0xFFFFF000  }
.LBB2_6:
0x87: {  	_ =	sfence.sel $0x180000  }
0x88: {  	[bflag:$0x0] =	sbarrier.arrive $0xFFFF  }
0x89: {  	_ =	strace $0x9000004A  }
0x8a: {  	s0 =	stileid.u32;
	[bflag:$0x2] =	sbarrier.arrive $0xFFFF  }
0x8b: {  	p0 =	sne.s32 s0, $0x0;
	s0 =	rddreg [dreg:$0x2]  }
0x8c: {  	s0 =	sadd.s32 @!p0 $0x100000, s0  }
0x8d: {  	[sflag:s0] =	ssyncadd.tile.s32 @!p0 $0x1;
	_ =	shalt  }
.Lfunc_end2:
_tile_overlayer_lowered:
.L_overlay_start_2:
0x8e: {  	(tag) =	ssettag $0x2  }
0x8f: {  	s0 =	rddreg [dreg:$0x0];
	s2 =	stileid.u32  }
0x90: {  	s1 =	rddreg [dreg:$0x1];
	p0 =	sne.s32 s2, $0x0  }
0x91: {  	s3 =	rddreg [dreg:$0x2];
	[bflag:$0x3] =	sbarrier.arrive $0xFFFF;
	s2 =	simm.s32 @!p0 $0x1C0D  }
0x92: {  	[timem:s3], [sflag:s2] =	dma.local @!p0 [hbm:s0], s1  }
0x93: {  	s0 =	simm.s32 @!p0 $0xD  }
0x94: {  	_ =	swait.ge @!p0 [sflag:s0], s1  }
0x95: {  	s1 =	ssub.s32 @!p0 $0x0, s1;
	[sflag:s0] =	ssyncset.done @!p0 $0x0  }
0x96: {  	[sflag:s0] =	ssyncadd.s32 @!p0 s1  }
0x97: {  	[bflag:$0x3] =	sbarrier.arrive $0xFFFF  }
0x98: {  	_ =	shalt  }

// kernel: kernel.17.cloned.1.call-start
scs
__scs_entry_jumppad:
0x0: {  	(pc) =	sbr.rel $0x88, $3  }
0x1: {  	(tag) =	ssettag $0x0;
	lr =	simm.s32 $0x1  }
0x2: {  	[smem:$0x3F97] =	sst lr;
	_ =	strace $0xD0000000  }
0x3: {  	_ = 	snop  }
0x4: {  	_ = 	snop  }
0x5: {  	_ = 	snop  }
0x6: {  	_ = 	snop  }
0x7: {  	_ = 	snop  }
__scs_overlays_trampoline_lowered:
0x8: {  	[smem:$0x3FA6] =	sst s0  }
0x9: {  	[smem:$0x3FA7] =	sst s1  }
0xa: {  	[smem:$0x3FA8] =	sst s2  }
0xb: {  	[smem:$0x3FA9] =	sst s3  }
0xc: {  	[smem:$0x3FAA] =	sst s4  }
0xd: {  	[smem:$0x3FAB] =	sst s5  }
0xe: {  	[smem:$0x3FAC] =	sst s6  }
0xf: {  	[smem:$0x3FAD] =	sst s7  }
0x10: {  	[smem:$0x3FAE] =	sst s8  }
0x11: {  	[smem:$0x3FAF] =	sst s9;
	s0 =	simm.s32 @!p0 $0x0  }
0x12: {  	s1 =	sld [smem:$0x3F95];
	s0 =	simm.s32 @p0 $0x1  }
0x13: {  	[smem:$0x3FB0] =	sst s0;
	s0 =	simm.s32 @!p1 $0x0  }
0x14: {  	s2 =	sld [smem:$0x3F94];
	s0 =	simm.s32 @p1 $0x1  }
0x15: {  	[smem:$0x3FB1] =	sst s0;
	s0 =	simm.s32 @!p2 $0x0  }
0x16: {  	s3 =	sld [smem:$0x3FDB];
	s0 =	simm.s32 @p2 $0x1  }
0x17: {  	s4 =	simm.s32 $0x1BF5;
	[smem:$0x3FB3] =	sst s0  }
0x18: {  	s0 =	sld [smem:$0x3F96];
	_ =	swait.ge [sflag:s4], $0x0  }
0x19: {  	s7 =	sld [smem:$0x3F97]  }
0x1a: {  	s8 =	sadd.s32 $0xFFFFE003, lr  }
0x1b: {  	s9 =	sadd.s32 $0xFFFFFEF7, lr;
	s5 =	simm.s32 $0xFFFFFFFF;
	p2 =	slt.u32 s8, $0xFFFFF086  }
0x1c: {  	p1 =	slt.u32 s9, $0xF7A;
	s5 =	simm.s32 @!p2 $0x0  }
0x1d: {  	s5 =	simm.s32 @p1 $0x1;
	p0 =	seq.s32 s7, s2  }
0x1e: {  	s7 =	smul.u32 @!p0 $0xF7A, s2;
	p2 =	seq.s32 @!p0 s5, $0x0  }
0x1f: {  	s9 =	smul.u32 $0xF7A, s1;
	s8 =	simm.s32 @!p0 $0x1BF5;
	p2 =	por !p2, p0  }
0x20: {  	[sflag:s8] =	ssyncset.s32 @!p0 $0xFFFFF086;
	s6 =	sadd.s32 @!p0 s3, s7;
	s7 =	simm.s32 @!p0 $0x108  }
0x21: {  	s3 =	sadd.s32 s3, s9;
	s6 =	sadd.s32 @!p0 $0x88, s6;
	s7 =	simm.s32 @p2 $0x1082  }
0x22: {  	[simem:s7], [sflag:s8] =	dma.local @!p0 [hbm:s6], $0xF7A  }
0x23: {  	s9 =	sor.u32 $0xD0000000, s2;
	s6 =	simm.s32 $0x108;
	_ =	swait.ge @!p0 [sflag:s8], $0x0  }
0x24: {  	s3 =	sadd.s32 $0x88, s3;
	s6 =	simm.s32 @!p1 $0x1082;
	[sflag:s4] =	ssyncset.s32 $0xFFFFF086  }
0x25: {  	[simem:s6], [sflag:s4] =	dma.local [hbm:s3], $0xF7A  }
0x26: {  	[smem:$0x3F97] =	sst s1;
	(tag) =	ssettag s2;
	_ =	strace s9  }
0x27: {  	s1 =	sld [smem:$0x3FA7]  }
0x28: {  	s2 =	sld [smem:$0x3FA8]  }
0x29: {  	s4 =	sld [smem:$0x3FAA]  }
0x2a: {  	p0 =	seq.s32 s5, $0x0;
	s5 =	sld [smem:$0x3FAB]  }
0x2b: {  	s6 =	sld [smem:$0x3FAC]  }
0x2c: {  	s7 =	sld [smem:$0x3FAD]  }
0x2d: {  	s3 =	simm.s32 $0x108;
	s8 =	sld [smem:$0x3FAE]  }
0x2e: {  	s3 =	simm.s32 @!p0 $0x1082;
	s9 =	sld [smem:$0x3FAF]  }
0x2f: {  	lr =	sadd.s32 s0, s3;
	s0 =	sld [smem:$0x3FA6]  }
0x30: {  	s3 =	sld [smem:$0x3FA9]  }
0x31: {  	[smem:$0x3FB2] =	sst s10  }
0x32: {  	s10 =	sld [smem:$0x3FB0];
	_ =	sdelay $0x3  }
0x33: {  	p0 =	seq.s32 s10, $0x1;
	s10 =	sld [smem:$0x3FB2];
	_ =	sdelay $0x3  }
0x34: {  	[smem:$0x3FB2] =	sst s10  }
0x35: {  	s10 =	sld [smem:$0x3FB1];
	_ =	sdelay $0x3  }
0x36: {  	p1 =	seq.s32 s10, $0x1;
	s10 =	sld [smem:$0x3FB2];
	_ =	sdelay $0x3  }
0x37: {  	[smem:$0x3FB2] =	sst s10  }
0x38: {  	s10 =	sld [smem:$0x3FB3]  }
0x39: {  	_ = 	snop;
	(pc) =	sbr.ind lr, $3  }
0x3a: {  	_ = 	snop  }
0x3b: {  	_ = 	snop  }
0x3c: {  	p2 =	seq.s32 s10, $0x1;
	s10 =	sld [smem:$0x3FB2]  }
0x3d: {  	_ =	shalt  }
0x3e: {  	_ =	shalt  }
0x3f: {  	_ =	shalt  }
0x40: {  	_ =	shalt  }
0x41: {  	_ =	shalt  }
0x42: {  	_ =	shalt  }
0x43: {  	_ =	shalt  }
0x44: {  	_ =	shalt  }
0x45: {  	_ =	shalt  }
0x46: {  	_ =	shalt  }
0x47: {  	_ =	shalt  }
0x48: {  	_ =	shalt  }
0x49: {  	_ =	shalt  }
0x4a: {  	_ =	shalt  }
0x4b: {  	_ =	shalt  }
0x4c: {  	_ =	shalt  }
0x4d: {  	_ =	shalt  }
0x4e: {  	_ =	shalt  }
0x4f: {  	_ =	shalt  }
0x50: {  	_ =	shalt  }
0x51: {  	_ =	shalt  }
0x52: {  	_ =	shalt  }
0x53: {  	_ =	shalt  }
0x54: {  	_ =	shalt  }
0x55: {  	_ =	shalt  }
0x56: {  	_ =	shalt  }
0x57: {  	_ =	shalt  }
0x58: {  	_ =	shalt  }
0x59: {  	_ =	shalt  }
0x5a: {  	_ =	shalt  }
0x5b: {  	_ =	shalt  }
0x5c: {  	_ =	shalt  }
0x5d: {  	_ =	shalt  }
0x5e: {  	_ =	shalt  }
0x5f: {  	_ =	shalt  }
0x60: {  	_ =	shalt  }
0x61: {  	_ =	shalt  }
0x62: {  	_ =	shalt  }
0x63: {  	_ =	shalt  }
0x64: {  	_ =	shalt  }
0x65: {  	_ =	shalt  }
0x66: {  	_ =	shalt  }
0x67: {  	_ =	shalt  }
0x68: {  	_ =	shalt  }
0x69: {  	_ =	shalt  }
0x6a: {  	_ =	shalt  }
0x6b: {  	_ =	shalt  }
0x6c: {  	_ =	shalt  }
0x6d: {  	_ =	shalt  }
0x6e: {  	_ =	shalt  }
0x6f: {  	_ =	shalt  }
0x70: {  	_ =	shalt  }
0x71: {  	_ =	shalt  }
0x72: {  	_ =	shalt  }
0x73: {  	_ =	shalt  }
0x74: {  	_ =	shalt  }
0x75: {  	_ =	shalt  }
0x76: {  	_ =	shalt  }
0x77: {  	_ =	shalt  }
0x78: {  	_ =	shalt  }
0x79: {  	_ =	shalt  }
0x7a: {  	_ =	shalt  }
0x7b: {  	_ =	shalt  }
0x7c: {  	_ =	shalt  }
0x7d: {  	_ =	shalt  }
0x7e: {  	_ =	shalt  }
0x7f: {  	_ =	shalt  }
0x80: {  	_ =	shalt  }
0x81: {  	_ =	shalt  }
0x82: {  	_ =	shalt  }
0x83: {  	_ =	shalt  }
0x84: {  	_ =	shalt  }
0x85: {  	_ =	shalt  }
0x86: {  	_ =	shalt  }
0x87: {  	_ =	shalt  }
.Lfunc_end0:
.L_simem_size_0:
called_computation.2_lowered:
.L_overlay_start_0:
0x88: {  	s2 =	sld [smem:$0x3FD9]  }
0x89: {  	s3 =	sld [smem:$0x3FFE];
	_ =	sdelay $0x1  }
0x8a: {  	s1 =	srdreg.scid  }
0x8b: {  	s0 =	sand.u32 $0x1, s1  }
0x8c: {  	s16 =	sshll.u32 s0, $0xA;
	s2 =	sadd.s32 s3, s2  }
0x8d: {  	s2 =	sadd.s32 s2, s16  }
0x8e: {  	[smem:$0x3FBE] =	sst s2  }
0x8f: {  	_ = 	snop  }
0x90: {  	(tm) =	ssettm $0x1  }
0x91: {  	s17 =	sld [smem:$0x3FFB];
	_ =	sdelay $0x3  }
0x92: {  	_ =	strace s17  }
0x93: {  	s2 =	sld [smem:$0x3FFC];
	_ =	sdelay $0x3  }
0x94: {  	_ =	strace s2  }
0x95: {  	s2 =	sld [smem:$0x3FFD];
	_ =	sdelay $0x3  }
0x96: {  	_ =	strace s2  }
0x97: {  	_ =	strace $0x8FFFFFFF  }
0x98: {  	s18 =	sld [smem:$0x3FDB];
	_ =	sdelay $0x1  }
0x99: {  	s19 =	simm.s32 $_scs_section_size  }
0x9a: {  	s4 =	simm.s32 $_size__tile_overlayer_lowered;
	s5 =	simm.s32 $_tile_overlayer_lowered  }
0x9b: {  	s22 =	simm.s32 $0x1BFF;
	s21 =	sshll.u32 s5, $0x1;
	s2 =	sadd.s32 s19, s18  }
0x9c: {  	s6 =	simm.s32 $0x0;
	s20 =	sshll.u32 s4, $0x1;
	s4 =	sadd.s32 s21, s2  }
0x9d: {  	[timem:s6], [sflag:s22] =	dma.local [hbm:s4], s20  }
0x9e: {  	_ =	swait.ge [sflag:s22], s20  }
0x9f: {  	s3 =	ssub.s32 $0x0, s20;
	[sflag:s22] =	ssyncset.done $0x0  }
0xa0: {  	[sflag:s22] =	ssyncadd.s32 s3;
	_ =	sdelay $0x1  }
0xa1: {  	s23 =	simm.s32 $0x1B8B  }
0xa2: {  	_ =	swait.ge [sflag:s23], $0x1  }
0xa3: {  	[sflag:s23] =	ssyncset.done $0x0  }
0xa4: {  	s25 =	simm.s32 $0x1B8E;
	s24 =	sld [smem:$0x3FFE];
	[sflag:s23] =	ssyncadd.s32 $0xFFFFFFFF  }
0xa5: {  	s26 =	simm.s32 $execute0_lowered;
	[smem:$0x3FD2] =	sst s25  }
0xa6: {  	s4 =	sshll.u32 s26, $0x1;
	_ =	strace $0x8000004C;
	[dreg:$0x1] =	wrdreg $0xFFFFFFFF  }
0xa7: {  	s28 =	simm.s32 $_size_execute0_lowered;
	s2 =	sadd.s32 s2, s4;
	[dreg:$0x0] =	wrdreg $0x0  }
0xa8: {  	s4 =	sshll.u32 s28, $0x1;
	[dreg:$0x2] =	wrdreg s2  }
0xa9: {  	[dreg:$0x3] =	wrdreg s4  }
0xaa: {  	[dreg:$0x4] =	wrdreg $0xC0  }
0xab: {  	_ =	task [dreg:s6], $0x5FFFF  }
0xac: {  	[dreg:$0x1] =	wrdreg $0xFFFFFFFF  }
0xad: {  	[dreg:$0x0] =	wrdreg $0x60  }
0xae: {  	[dreg:$0x2] =	wrdreg s24  }
0xaf: {  	[dreg:$0x3] =	wrdreg $0x9  }
0xb0: {  	_ =	task.clear_ibuf [dreg:s6], $0x4FFFF;
	_ =	strace $0x9000004C  }
0xb1: {  	s29 =	simm.s32 $0x9;
	_ =	strace $0x8000004E  }
0xb2: {  	_ =	swait.ge [sflag:s29], $0x1  }
0xb3: {  	[sflag:s29] =	ssyncadd.s32 $0xFFFFFFFF  }
0xb4: {  	_ =	strace $0x9000004E  }
0xb5: {  	_ =	sfence  }
0xb6: {  	s30 =	sld [smem:$0x0];
	_ =	sdelay $0x2  }
0xb7: {  	s31 =	sshll.u32 s1, $0xD;
	s1 =	sshrl.u32 s1, $0x2  }
0xb8: {  	s3 =	sand.u32 $0x4000, s31;
	s1 =	sadd.s32 s1, s30  }
0xb9: {  	s0 =	sor.u32 s3, s0;
	s1 =	sshll.u32 s1, $0x11  }
0xba: {  	s0 =	sor.u32 s1, s0  }
0xbb: {  	s0 =	sadd.s32 $0x8F2B, s0  }
0xbc: {  	[sflag:s0] =	ssyncadd.remote.s32 $0x1  }
0xbd: {  	_ =	sfence.sel $0xFFFF  }
0xbe: {  	[dreg:$0x0] =	wrdreg $0xFFFFFFFF;
	(pc) =	sbr.abs _section_cstart, $3  }
0xbf: {  	[dreg:$0x1] =	wrdreg $0xFFFFFFFF  }
0xc0: {  	_ =	task.clear_ibuf [dreg:s6], $0x2FFFF;
	_ =	strace $0x9FFFFFFF  }
0xc1: {  	(tm) =	ssettm $0x7FFFFFFF  }
tec
execute0_lowered:
.L_overlay_start_1:
0x0: {  	(tag) =	ssettag $0x1  }
0x1: {  	s0 =	srdreg.scid  }
0x2: {  	s4 =	rddreg [dreg:$0x0];
	s1 =	stileid.u32  }
0x3: {  	s10 =	simm.s32 $0x2780;
	s11 =	simm.s32 $0x7700;
	s3 =	sand.u32 $0x1, s0  }
0x4: {  	s12 =	simm.s32 $0x80;
	s13 =	simm.s32 $0x400;
	s2 =	sshll.u32 s3, $0x4  }
0x5: {  	s0 =	rddreg [dreg:$0x1];
	s7 =	sshll.u32 s1, $0x7;
	s5 =	sor.u32 s1, s2  }
0x6: {  	s7 =	sand.u32 $0x380, s7;
	s6 =	smul.u32 $0x4F0, s5;
	s5 =	sshrl.u32 s5, $0x3  }
0x7: {  	s31 =	ssub.s32 $0x2, s3;
	s2 =	simm.s32 $0x0;
	s5 =	smul.u32 $0x14000, s5  }
0x8: {  	s3 =	sadd.s32 $0xCA00, s4;
	s8 =	sshrl.u32 s31, $0x1;
	[smem:$0x7FF] =	sst s2  }
0x9: {  	_ =	strace $0x8000004D;
	s6 =	sadd.s32 s6, s4;
	s5 =	sor.u32 s7, s5  }
0xa: {  	s7 =	ssub.s32 s31, s8;
	s8 =	simm.s32 $0x4F00;
	s5 =	sshrl.u32 s5, $0x3  }
0xb: {  	s7 =	smax.u32 s7, $0x1;
	s9 =	sadd.s32 s5, s4;
	s4 =	sadd.s32 $0x16A00, s6  }
0xc: {  	v0 =	vimm.f32 $0.0e+00;
	s5 =	sadd.s32 $0x2C00, s6;
	s6 =	sadd.s32 $0x20800, s9;
	s9 =	simm.s32 $0x1  }
.LBB2_1:
0xd: {  	s14 =	simm.s32 $0x40;
	s15 =	simm.s32 $0x0  }
.LBB2_2:
0xe: {  	p0 =	sne.s32 s14, $0x9FC0;
	[tilespmem:s15+$0x7700] =	vst v0;
	s15 =	smov.u32 s14;
	s14 =	sadd.s32 $0x40, s14  }
.Ltmp0:
0xf: {  	(pc) =	sbr.rel @p0 .LBB2_2-.Ltmp0, $2  }
0x10: {  	_ =	sdelay $0x2  }
0x11: {  	s15 =	sshra.s32 s15, $0x2  }
0x12: {  	[tilespmem:s15+$0x7700] =	vst v0;
	s14 =	simm.s32 $0x0  }
0x13: {  	[tilespmem:s8], [sflag:$0x1] =	stream.linear.gather [hbm4b:s3+s14], $0x2800, $0x38;
	[tilespmem:$0x9F00] =	vst v63  }
0x14: {  	_ =	swait.ge [sflag:s9], $0x2800  }
0x15: {  	[sflag:s9] =	ssyncset.done $0x0  }
0x16: {  	[sflag:s9] =	ssyncadd.s32 $0xFFFFD800  }
0x17: {  	[tilespmem:s14], [sflag:$0x1] =	stream.linear.gather [hbm4b:s4+s14], $0x2780, $0x38;
	[tilespmem:$0x9F00] =	vst v63  }
0x18: {  	_ =	swait.ge [sflag:s9], $0x2780  }
0x19: {  	[sflag:s9] =	ssyncset.done $0x0  }
0x1a: {  	[sflag:s9] =	ssyncadd.s32 $0xFFFFD880  }
0x1b: {  	[tilespmem:s10], [sflag:$0x1] =	stream.linear.gather [hbm4b:s5+s14], $0x2780, $0x38;
	[tilespmem:$0x9F00] =	vst v63  }
0x1c: {  	_ =	swait.ge [sflag:s9], $0x2780  }
0x1d: {  	[sflag:s9] =	ssyncset.done $0x0  }
0x1e: {  	s15 =	simm.s32 $0x0;
	s14 =	simm.s32 $0x40;
	[sflag:s9] =	ssyncadd.s32 $0xFFFFD880  }
.LBB2_4:
0x1f: {  	p0 =	sne.s32 s14, $0x9DC0;
	v1 =	vld [tilespmem:s15+$0x0];
	_ =	sdelay $0x5  }
0x20: {  	v2 =	vld [tilespmem:s15+$0x2780];
	_ =	sdelay $0x1  }
0x21: {  	v1 =	vld.idx.msk [tilespmem:v1+s8+$0x0], $0xffff;
	_ =	sdelay $0x1  }
.Ltmp1:
0x22: {  	(pc) =	sbr.rel @p0 .LBB2_4-.Ltmp1, $2  }
0x23: {  	_ =	sdelay $0x2  }
0x24: {  	s15 =	sshra.s32 s14, $0x2;
	s14 =	sadd.s32 $0x40, s14;
	[tilespmem:v2+s11+$0x0] =	vst.idx.add.f32.msk $0xffff, v1  }
0x25: {  	v1 =	vld [tilespmem:s15+$0x0];
	_ =	sdelay $0x4  }
0x26: {  	v2 =	vld [tilespmem:s15+$0x2780];
	_ =	sdelay $0x2  }
0x27: {  	v1 =	vld.idx.msk [tilespmem:v1+s8+$0x0], $0xffff;
	_ =	sdelay $0x2  }
0x28: {  	s2 =	sadd.s32 $0x1, s2  }
0x29: {  	p0 =	sne.s32 s2, s7  }
.Ltmp2:
0x2a: {  	[tilespmem:v2+s11+$0x0] =	vst.idx.add.f32.msk $0xffff, v1;
	(pc) =	sbr.rel @p0 .LBB2_1-.Ltmp2, $4  }
0x2b: {  	[hbm4b:s6+s12] =	stream.strided.scatter [tilespmem:s11], [sflag:$0x1], $0x2800, s13, s12, $0x38;
	[tilespmem:$0x9F00] =	vst v63  }
0x2c: {  	_ =	swait.ge [sflag:s9], $0x2800  }
0x2d: {  	[sflag:s9] =	ssyncset.done $0x0  }
0x2e: {  	[sflag:s9] =	ssyncadd.s32 $0xFFFFD800  }
0x2f: {  	_ =	sfence.sel $0x180000  }
0x30: {  	[bflag:$0x0] =	sbarrier.arrive $0xFFFF  }
0x31: {  	p0 =	sne.s32 s1, $0x0;
	_ =	strace $0x9000004D  }
0x32: {  	s0 =	sadd.s32 @!p0 $0x100000, s0;
	[bflag:$0x2] =	sbarrier.arrive $0xFFFF  }
0x33: {  	[sflag:s0] =	ssyncadd.tile.s32 @!p0 $0x1;
	_ =	shalt  }
.Lfunc_end2:
_tile_overlayer_lowered:
.L_overlay_start_2:
0x34: {  	(tag) =	ssettag $0x2  }
0x35: {  	s0 =	rddreg [dreg:$0x0];
	s2 =	stileid.u32  }
0x36: {  	s1 =	rddreg [dreg:$0x1];
	p0 =	sne.s32 s2, $0x0  }
0x37: {  	s3 =	rddreg [dreg:$0x2];
	[bflag:$0x3] =	sbarrier.arrive $0xFFFF;
	s2 =	simm.s32 @!p0 $0x1C01  }
0x38: {  	[timem:s3], [sflag:s2] =	dma.local @!p0 [hbm:s0], s1  }
0x39: {  	s0 =	simm.s32 @!p0 $0x1  }
0x3a: {  	_ =	swait.ge @!p0 [sflag:s0], s1  }
0x3b: {  	s1 =	ssub.s32 @!p0 $0x0, s1;
	[sflag:s0] =	ssyncset.done @!p0 $0x0  }
0x3c: {  	[sflag:s0] =	ssyncadd.s32 @!p0 s1  }
0x3d: {  	[bflag:$0x3] =	sbarrier.arrive $0xFFFF  }
0x3e: {  	_ =	shalt  }

// kernel: kernel.20.cloned.1.call-start
scs
__scs_entry_jumppad:
0x0: {  	(pc) =	sbr.rel $0x88, $3  }
0x1: {  	(tag) =	ssettag $0x0;
	lr =	simm.s32 $0x1  }
0x2: {  	[smem:$0x3F97] =	sst lr;
	_ =	strace $0xD0000000  }
0x3: {  	_ = 	snop  }
0x4: {  	_ = 	snop  }
0x5: {  	_ = 	snop  }
0x6: {  	_ = 	snop  }
0x7: {  	_ = 	snop  }
__scs_overlays_trampoline_lowered:
0x8: {  	[smem:$0x3FA6] =	sst s0  }
0x9: {  	[smem:$0x3FA7] =	sst s1  }
0xa: {  	[smem:$0x3FA8] =	sst s2  }
0xb: {  	[smem:$0x3FA9] =	sst s3  }
0xc: {  	[smem:$0x3FAA] =	sst s4  }
0xd: {  	[smem:$0x3FAB] =	sst s5  }
0xe: {  	[smem:$0x3FAC] =	sst s6  }
0xf: {  	[smem:$0x3FAD] =	sst s7  }
0x10: {  	[smem:$0x3FAE] =	sst s8  }
0x11: {  	[smem:$0x3FAF] =	sst s9;
	s0 =	simm.s32 @!p0 $0x0  }
0x12: {  	s1 =	sld [smem:$0x3F95];
	s0 =	simm.s32 @p0 $0x1  }
0x13: {  	[smem:$0x3FB0] =	sst s0;
	s0 =	simm.s32 @!p1 $0x0  }
0x14: {  	s2 =	sld [smem:$0x3F94];
	s0 =	simm.s32 @p1 $0x1  }
0x15: {  	[smem:$0x3FB1] =	sst s0;
	s0 =	simm.s32 @!p2 $0x0  }
0x16: {  	s3 =	sld [smem:$0x3FDB];
	s0 =	simm.s32 @p2 $0x1  }
0x17: {  	s4 =	simm.s32 $0x1BF5;
	[smem:$0x3FB3] =	sst s0  }
0x18: {  	s0 =	sld [smem:$0x3F96];
	_ =	swait.ge [sflag:s4], $0x0  }
0x19: {  	s7 =	sld [smem:$0x3F97]  }
0x1a: {  	s8 =	sadd.s32 $0xFFFFE003, lr  }
0x1b: {  	s9 =	sadd.s32 $0xFFFFFEF7, lr;
	s5 =	simm.s32 $0xFFFFFFFF;
	p2 =	slt.u32 s8, $0xFFFFF086  }
0x1c: {  	p1 =	slt.u32 s9, $0xF7A;
	s5 =	simm.s32 @!p2 $0x0  }
0x1d: {  	s5 =	simm.s32 @p1 $0x1;
	p0 =	seq.s32 s7, s2  }
0x1e: {  	s7 =	smul.u32 @!p0 $0xF7A, s2;
	p2 =	seq.s32 @!p0 s5, $0x0  }
0x1f: {  	s9 =	smul.u32 $0xF7A, s1;
	s8 =	simm.s32 @!p0 $0x1BF5;
	p2 =	por !p2, p0  }
0x20: {  	[sflag:s8] =	ssyncset.s32 @!p0 $0xFFFFF086;
	s6 =	sadd.s32 @!p0 s3, s7;
	s7 =	simm.s32 @!p0 $0x108  }
0x21: {  	s3 =	sadd.s32 s3, s9;
	s6 =	sadd.s32 @!p0 $0x88, s6;
	s7 =	simm.s32 @p2 $0x1082  }
0x22: {  	[simem:s7], [sflag:s8] =	dma.local @!p0 [hbm:s6], $0xF7A  }
0x23: {  	s9 =	sor.u32 $0xD0000000, s2;
	s6 =	simm.s32 $0x108;
	_ =	swait.ge @!p0 [sflag:s8], $0x0  }
0x24: {  	s3 =	sadd.s32 $0x88, s3;
	s6 =	simm.s32 @!p1 $0x1082;
	[sflag:s4] =	ssyncset.s32 $0xFFFFF086  }
0x25: {  	[simem:s6], [sflag:s4] =	dma.local [hbm:s3], $0xF7A  }
0x26: {  	[smem:$0x3F97] =	sst s1;
	(tag) =	ssettag s2;
	_ =	strace s9  }
0x27: {  	s1 =	sld [smem:$0x3FA7]  }
0x28: {  	s2 =	sld [smem:$0x3FA8]  }
0x29: {  	s4 =	sld [smem:$0x3FAA]  }
0x2a: {  	p0 =	seq.s32 s5, $0x0;
	s5 =	sld [smem:$0x3FAB]  }
0x2b: {  	s6 =	sld [smem:$0x3FAC]  }
0x2c: {  	s7 =	sld [smem:$0x3FAD]  }
0x2d: {  	s3 =	simm.s32 $0x108;
	s8 =	sld [smem:$0x3FAE]  }
0x2e: {  	s3 =	simm.s32 @!p0 $0x1082;
	s9 =	sld [smem:$0x3FAF]  }
0x2f: {  	lr =	sadd.s32 s0, s3;
	s0 =	sld [smem:$0x3FA6]  }
0x30: {  	s3 =	sld [smem:$0x3FA9]  }
0x31: {  	[smem:$0x3FB2] =	sst s10  }
0x32: {  	s10 =	sld [smem:$0x3FB0];
	_ =	sdelay $0x3  }
0x33: {  	p0 =	seq.s32 s10, $0x1;
	s10 =	sld [smem:$0x3FB2];
	_ =	sdelay $0x3  }
0x34: {  	[smem:$0x3FB2] =	sst s10  }
0x35: {  	s10 =	sld [smem:$0x3FB1];
	_ =	sdelay $0x3  }
0x36: {  	p1 =	seq.s32 s10, $0x1;
	s10 =	sld [smem:$0x3FB2];
	_ =	sdelay $0x3  }
0x37: {  	[smem:$0x3FB2] =	sst s10  }
0x38: {  	s10 =	sld [smem:$0x3FB3]  }
0x39: {  	_ = 	snop;
	(pc) =	sbr.ind lr, $3  }
0x3a: {  	_ = 	snop  }
0x3b: {  	_ = 	snop  }
0x3c: {  	p2 =	seq.s32 s10, $0x1;
	s10 =	sld [smem:$0x3FB2]  }
0x3d: {  	_ =	shalt  }
0x3e: {  	_ =	shalt  }
0x3f: {  	_ =	shalt  }
0x40: {  	_ =	shalt  }
0x41: {  	_ =	shalt  }
0x42: {  	_ =	shalt  }
0x43: {  	_ =	shalt  }
0x44: {  	_ =	shalt  }
0x45: {  	_ =	shalt  }
0x46: {  	_ =	shalt  }
0x47: {  	_ =	shalt  }
0x48: {  	_ =	shalt  }
0x49: {  	_ =	shalt  }
0x4a: {  	_ =	shalt  }
0x4b: {  	_ =	shalt  }
0x4c: {  	_ =	shalt  }
0x4d: {  	_ =	shalt  }
0x4e: {  	_ =	shalt  }
0x4f: {  	_ =	shalt  }
0x50: {  	_ =	shalt  }
0x51: {  	_ =	shalt  }
0x52: {  	_ =	shalt  }
0x53: {  	_ =	shalt  }
0x54: {  	_ =	shalt  }
0x55: {  	_ =	shalt  }
0x56: {  	_ =	shalt  }
0x57: {  	_ =	shalt  }
0x58: {  	_ =	shalt  }
0x59: {  	_ =	shalt  }
0x5a: {  	_ =	shalt  }
0x5b: {  	_ =	shalt  }
0x5c: {  	_ =	shalt  }
0x5d: {  	_ =	shalt  }
0x5e: {  	_ =	shalt  }
0x5f: {  	_ =	shalt  }
0x60: {  	_ =	shalt  }
0x61: {  	_ =	shalt  }
0x62: {  	_ =	shalt  }
0x63: {  	_ =	shalt  }
0x64: {  	_ =	shalt  }
0x65: {  	_ =	shalt  }
0x66: {  	_ =	shalt  }
0x67: {  	_ =	shalt  }
0x68: {  	_ =	shalt  }
0x69: {  	_ =	shalt  }
0x6a: {  	_ =	shalt  }
0x6b: {  	_ =	shalt  }
0x6c: {  	_ =	shalt  }
0x6d: {  	_ =	shalt  }
0x6e: {  	_ =	shalt  }
0x6f: {  	_ =	shalt  }
0x70: {  	_ =	shalt  }
0x71: {  	_ =	shalt  }
0x72: {  	_ =	shalt  }
0x73: {  	_ =	shalt  }
0x74: {  	_ =	shalt  }
0x75: {  	_ =	shalt  }
0x76: {  	_ =	shalt  }
0x77: {  	_ =	shalt  }
0x78: {  	_ =	shalt  }
0x79: {  	_ =	shalt  }
0x7a: {  	_ =	shalt  }
0x7b: {  	_ =	shalt  }
0x7c: {  	_ =	shalt  }
0x7d: {  	_ =	shalt  }
0x7e: {  	_ =	shalt  }
0x7f: {  	_ =	shalt  }
0x80: {  	_ =	shalt  }
0x81: {  	_ =	shalt  }
0x82: {  	_ =	shalt  }
0x83: {  	_ =	shalt  }
0x84: {  	_ =	shalt  }
0x85: {  	_ =	shalt  }
0x86: {  	_ =	shalt  }
0x87: {  	_ =	shalt  }
.Lfunc_end0:
.L_simem_size_0:
called_computation.3_lowered:
.L_overlay_start_0:
0x88: {  	s2 =	sld [smem:$0x3FD9]  }
0x89: {  	s3 =	sld [smem:$0x3FFE];
	_ =	sdelay $0x1  }
0x8a: {  	s1 =	srdreg.scid  }
0x8b: {  	s0 =	sand.u32 $0x1, s1  }
0x8c: {  	s16 =	sshll.u32 s0, $0xA;
	s2 =	sadd.s32 s3, s2  }
0x8d: {  	s2 =	sadd.s32 s2, s16  }
0x8e: {  	[smem:$0x3FBE] =	sst s2  }
0x8f: {  	_ = 	snop  }
0x90: {  	(tm) =	ssettm $0x1  }
0x91: {  	s17 =	sld [smem:$0x3FFB];
	_ =	sdelay $0x3  }
0x92: {  	_ =	strace s17  }
0x93: {  	s2 =	sld [smem:$0x3FFC];
	_ =	sdelay $0x3  }
0x94: {  	_ =	strace s2  }
0x95: {  	s2 =	sld [smem:$0x3FFD];
	_ =	sdelay $0x3  }
0x96: {  	_ =	strace s2  }
0x97: {  	_ =	strace $0x8FFFFFFF  }
0x98: {  	s18 =	sld [smem:$0x3FDB];
	_ =	sdelay $0x1  }
0x99: {  	s19 =	simm.s32 $_scs_section_size  }
0x9a: {  	s4 =	simm.s32 $_size__tile_overlayer_lowered;
	s5 =	simm.s32 $_tile_overlayer_lowered  }
0x9b: {  	s22 =	simm.s32 $0x1BFF;
	s21 =	sshll.u32 s5, $0x1;
	s2 =	sadd.s32 s19, s18  }
0x9c: {  	s6 =	simm.s32 $0x0;
	s20 =	sshll.u32 s4, $0x1;
	s4 =	sadd.s32 s21, s2  }
0x9d: {  	[timem:s6], [sflag:s22] =	dma.local [hbm:s4], s20  }
0x9e: {  	_ =	swait.ge [sflag:s22], s20  }
0x9f: {  	s3 =	ssub.s32 $0x0, s20;
	[sflag:s22] =	ssyncset.done $0x0  }
0xa0: {  	[sflag:s22] =	ssyncadd.s32 s3;
	_ =	sdelay $0x1  }
0xa1: {  	s23 =	simm.s32 $0x1B8B  }
0xa2: {  	_ =	swait.ge [sflag:s23], $0x1  }
0xa3: {  	[sflag:s23] =	ssyncset.done $0x0  }
0xa4: {  	s25 =	simm.s32 $0x1B8E;
	s24 =	sld [smem:$0x3FFE];
	[sflag:s23] =	ssyncadd.s32 $0xFFFFFFFF  }
0xa5: {  	s26 =	simm.s32 $execute0_lowered;
	[smem:$0x3FD2] =	sst s25  }
0xa6: {  	s4 =	sshll.u32 s26, $0x1;
	_ =	strace $0x8000004F;
	[dreg:$0x1] =	wrdreg $0xFFFFFFFF  }
0xa7: {  	s28 =	simm.s32 $_size_execute0_lowered;
	s2 =	sadd.s32 s2, s4;
	[dreg:$0x0] =	wrdreg $0x0  }
0xa8: {  	s4 =	sshll.u32 s28, $0x1;
	[dreg:$0x2] =	wrdreg s2  }
0xa9: {  	[dreg:$0x3] =	wrdreg s4  }
0xaa: {  	[dreg:$0x4] =	wrdreg $0xC0  }
0xab: {  	_ =	task [dreg:s6], $0x5FFFF  }
0xac: {  	[dreg:$0x1] =	wrdreg $0xFFFFFFFF  }
0xad: {  	[dreg:$0x0] =	wrdreg $0x60  }
0xae: {  	[dreg:$0x2] =	wrdreg s24  }
0xaf: {  	[dreg:$0x3] =	wrdreg $0x4F000  }
0xb0: {  	[dreg:$0x4] =	wrdreg $0x9  }
0xb1: {  	_ =	task.clear_ibuf [dreg:s6], $0x5FFFF;
	_ =	strace $0x9000004F  }
0xb2: {  	s29 =	simm.s32 $0x9;
	_ =	strace $0x80000051  }
0xb3: {  	_ =	swait.ge [sflag:s29], $0x1  }
0xb4: {  	[sflag:s29] =	ssyncadd.s32 $0xFFFFFFFF  }
0xb5: {  	_ =	strace $0x90000051  }
0xb6: {  	_ =	sfence  }
0xb7: {  	s30 =	sld [smem:$0x0];
	_ =	sdelay $0x2  }
0xb8: {  	s31 =	sshll.u32 s1, $0xD;
	s1 =	sshrl.u32 s1, $0x2  }
0xb9: {  	s3 =	sand.u32 $0x4000, s31;
	s1 =	sadd.s32 s1, s30  }
0xba: {  	s0 =	sor.u32 s3, s0;
	s1 =	sshll.u32 s1, $0x11  }
0xbb: {  	s0 =	sor.u32 s1, s0  }
0xbc: {  	s0 =	sadd.s32 $0x8F2B, s0  }
0xbd: {  	[sflag:s0] =	ssyncadd.remote.s32 $0x1  }
0xbe: {  	_ =	sfence.sel $0xFFFF  }
0xbf: {  	[dreg:$0x0] =	wrdreg $0xFFFFFFFF;
	(pc) =	sbr.abs _section_cstart, $3  }
0xc0: {  	[dreg:$0x1] =	wrdreg $0xFFFFFFFF  }
0xc1: {  	_ =	task.clear_ibuf [dreg:s6], $0x2FFFF;
	_ =	strace $0x9FFFFFFF  }
0xc2: {  	(tm) =	ssettm $0x7FFFFFFF  }
0xc3: {  	_ =	shalt  }
tec
execute0_lowered:
.L_overlay_start_1:
0x0: {  	(tag) =	ssettag $0x1  }
0x1: {  	s0 =	rddreg [dreg:$0x0]  }
0x2: {  	s1 =	srdreg.scid;
	s2 =	rddreg [dreg:$0x1]  }
0x3: {  	s7 =	stileid.u32;
	s4 =	simm.s32 $0x0;
	s10 =	simm.s32 $0x11  }
0x4: {  	s14 =	simm.s32 $0x80;
	s15 =	simm.s32 $0x9F00;
	s16 =	simm.s32 $0xAF00  }
0x5: {  	s18 =	simm.s32 $0xBF00;
	s20 =	simm.s32 $0xCF00;
	s30 =	simm.s32 $0x1  }
0x6: {  	s31 =	simm.s32 $0x2;
	s11 =	simm.s32 $0x5;
	s17 =	simm.s32 $0x6  }
0x7: {  	s19 =	simm.s32 $0x7;
	s28 =	simm.s32 $0xC;
	s29 =	simm.s32 $0xD  }
0x8: {  	s1 =	sand.u32 $0x1, s1;
	s5 =	smul.u32 $0x5000, s7;
	[smem:$0x7FF] =	sst s4  }
0x9: {  	s4 =	sadd.s32 $0xCA00, s0;
	s8 =	sadd.s32 $0x20800, s0;
	s26 =	sshll.u32 s7, $0x6  }
0xa: {  	s3 =	sshll.u32 s1, $0x4;
	s6 =	smul.u32 $0x50000, s1;
	_ =	strace $0x80000050  }
0xb: {  	s1 =	ssub.s32 $0x2, s1;
	[dreg:$0x3] =	wrdreg s8;
	s12 =	sor.u32 $0x1C11, s26  }
0xc: {  	s26 =	simm.s32 $0xFF00;
	s8 =	simm.s32 $0x0;
	s3 =	sor.u32 s7, s3  }
0xd: {  	s22 =	sshrl.u32 s1, $0x1;
	s24 =	sadd.s32 s5, s2;
	s7 =	simm.s32 $0x10  }
0xe: {  	s3 =	smul.u32 $0x4F0, s3;
	s6 =	sadd.s32 s5, s6;
	s1 =	ssub.s32 s1, s22  }
0xf: {  	s13 =	sshrl.u32 s24, $0x3;
	s22 =	simm.s32 $0xDF00;
	s24 =	simm.s32 $0xEF00  }
0x10: {  	s5 =	simm.s32 $0xE;
	s25 =	smax.u32 s1, $0x1;
	s3 =	sadd.s32 s3, s0  }
0x11: {  	s6 =	sshrl.u32 s6, $0x3;
	[dreg:$0x7] =	wrdreg s25;
	s23 =	sadd.s32 $0x16A00, s3  }
0x12: {  	s0 =	sadd.s32 s6, s0;
	s3 =	sadd.s32 $0x2C00, s3;
	[dreg:$0x4] =	wrdreg s23  }
0x13: {  	s1 =	simm.s32 $0x4;
	s0 =	sadd.s32 $0x21200, s0;
	[dreg:$0x5] =	wrdreg s3  }
0x14: {  	s6 =	simm.s32 $0xF;
	[dreg:$0x6] =	wrdreg s0;
	s0 =	simm.s32 $0x3  }
.LBB2_1:
0x15: {  	s3 =	simm.s32 $0x0;
	s9 =	rddreg [dreg:$0x4]  }
0x16: {  	[tilespmem:s3], [sflag:$0x11] =	stream.linear.gather [hbm4b:s9+s3], $0x2780, $0x38;
	[tilespmem:$0x11F00] =	vst v63  }
0x17: {  	_ =	swait.ge [sflag:s10], $0x2780  }
0x18: {  	[sflag:s10] =	ssyncset.done $0x0  }
0x19: {  	s21 =	simm.s32 $0x2780;
	s23 =	rddreg [dreg:$0x5];
	[sflag:s10] =	ssyncadd.s32 $0xFFFFD880  }
0x1a: {  	[tilespmem:s21], [sflag:$0x11] =	stream.linear.gather [hbm4b:s23+s3], $0x2780, $0x38;
	[tilespmem:$0x11F00] =	vst v63  }
0x1b: {  	_ =	swait.ge [sflag:s10], $0x2780  }
0x1c: {  	[sflag:s10] =	ssyncset.done $0x0  }
0x1d: {  	s25 =	rddreg [dreg:$0x3];
	[sflag:s10] =	ssyncadd.s32 $0xFFFFD880  }
0x1e: {  	[spmem:s13], [sflag:s12] =	dma.local [hbm:s25], $0xA00  }
0x1f: {  	_ =	swait.ge [sflag:s10], $0xA00  }
0x20: {  	[sflag:s10] =	ssyncset.done $0x0  }
0x21: {  	[sflag:s10] =	ssyncadd.s32 $0xFFFFF600  }
0x22: {  	[bflag:$0x0] =	sbarrier.arrive $0xFFFF  }
0x23: {  	[tilespmem:s15], [sflag:$0x1] =	stream.indirect.gather [hbm4b:s4+s14], $0x20, s3, s14, $0xb8;
	[tilespmem:$0x11F00] =	vst v63  }
0x24: {  	_ = 	snop  }
0x25: {  	[tilespmem:s16], [sflag:$0x2] =	stream.indirect.gather [hbm4b:s4+s14], $0x20, s14, s14, $0xb8;
	[tilespmem:$0x11F00] =	vst v63  }
0x26: {  	s21 =	simm.s32 $0x100  }
0x27: {  	[tilespmem:s18], [sflag:$0x3] =	stream.indirect.gather [hbm4b:s4+s14], $0x20, s21, s14, $0xb8;
	[tilespmem:$0x11F00] =	vst v63  }
0x28: {  	s23 =	simm.s32 $0x180  }
0x29: {  	[tilespmem:s20], [sflag:$0x4] =	stream.indirect.gather [hbm4b:s4+s14], $0x20, s23, s14, $0xb8;
	[tilespmem:$0x11F00] =	vst v63  }
0x2a: {  	s25 =	simm.s32 $0x200  }
0x2b: {  	[tilespmem:s22], [sflag:$0x5] =	stream.indirect.gather [hbm4b:s4+s14], $0x20, s25, s14, $0xb8;
	[tilespmem:$0x11F00] =	vst v63  }
0x2c: {  	s9 =	simm.s32 $0x280  }
0x2d: {  	[tilespmem:s24], [sflag:$0x6] =	stream.indirect.gather [hbm4b:s4+s14], $0x20, s9, s14, $0xb8;
	[tilespmem:$0x11F00] =	vst v63  }
0x2e: {  	s3 =	simm.s32 $0x0;
	s21 =	simm.s32 $0x300  }
0x2f: {  	[tilespmem:s26], [sflag:$0x7] =	stream.indirect.gather [hbm4b:s4+s14], $0x20, s21, s14, $0xb8;
	[tilespmem:$0x11F00] =	vst v63  }
0x30: {  	s23 =	simm.s32 $0x380;
	s25 =	simm.s32 $0x10F00;
	s9 =	simm.s32 $0xF  }
0x31: {  	[tilespmem:s25], [sflag:$0x8] =	stream.indirect.gather [hbm4b:s4+s14], $0x20, s23, s14, $0xb8;
	[tilespmem:$0x11F00] =	vst v63  }
.LBB2_2:
0x32: {  	_ =	swait.ge [sflag:s30], $0x1000  }
0x33: {  	s21 =	sshra.s32 s3, $0x2;
	[sflag:s30] =	ssyncset.done $0x0  }
0x34: {  	s23 =	sadd.s32 $0x2780, s21;
	[sflag:s30] =	ssyncadd.s32 $0xFFFFF000  }
0x35: {  	[spmem:s2] =	stream.indirect.scatter.add.f32 [tilespmem:s15], [sflag:$0x9], $0x20, s23, s14, $0xb8;
	[tilespmem:$0x11F00] =	vst v63  }
0x36: {  	_ =	swait.ge [sflag:s31], $0x1000  }
0x37: {  	[sflag:s31] =	ssyncset.done $0x0  }
0x38: {  	s25 =	sadd.s32 $0x2800, s21;
	[sflag:s31] =	ssyncadd.s32 $0xFFFFF000  }
0x39: {  	[spmem:s2] =	stream.indirect.scatter.add.f32 [tilespmem:s16], [sflag:$0xA], $0x20, s25, s14, $0xb8;
	[tilespmem:$0x11F00] =	vst v63  }
0x3a: {  	_ =	swait.ge [sflag:s0], $0x1000  }
0x3b: {  	[sflag:s0] =	ssyncset.done $0x0  }
0x3c: {  	s25 =	sadd.s32 $0x2880, s21;
	[sflag:s0] =	ssyncadd.s32 $0xFFFFF000  }
0x3d: {  	[spmem:s2] =	stream.indirect.scatter.add.f32 [tilespmem:s18], [sflag:$0xB], $0x20, s25, s14, $0xb8;
	[tilespmem:$0x11F00] =	vst v63  }
0x3e: {  	_ =	swait.ge [sflag:s1], $0x1000  }
0x3f: {  	[sflag:s1] =	ssyncset.done $0x0  }
0x40: {  	s25 =	sadd.s32 $0x2900, s21;
	[sflag:s1] =	ssyncadd.s32 $0xFFFFF000  }
0x41: {  	[spmem:s2] =	stream.indirect.scatter.add.f32 [tilespmem:s20], [sflag:$0xC], $0x20, s25, s14, $0xb8;
	[tilespmem:$0x11F00] =	vst v63  }
0x42: {  	_ =	swait.ge [sflag:s11], $0x1000  }
0x43: {  	[sflag:s11] =	ssyncset.done $0x0  }
0x44: {  	s25 =	sadd.s32 $0x2980, s21;
	[sflag:s11] =	ssyncadd.s32 $0xFFFFF000  }
0x45: {  	[spmem:s2] =	stream.indirect.scatter.add.f32 [tilespmem:s22], [sflag:$0xD], $0x20, s25, s14, $0xb8;
	[tilespmem:$0x11F00] =	vst v63  }
0x46: {  	_ =	swait.ge [sflag:s17], $0x1000  }
0x47: {  	[sflag:s17] =	ssyncset.done $0x0  }
0x48: {  	s25 =	sadd.s32 $0x2A00, s21;
	[sflag:s17] =	ssyncadd.s32 $0xFFFFF000  }
0x49: {  	[spmem:s2] =	stream.indirect.scatter.add.f32 [tilespmem:s24], [sflag:$0xE], $0x20, s25, s14, $0xb8;
	[tilespmem:$0x11F00] =	vst v63  }
0x4a: {  	_ =	swait.ge [sflag:s19], $0x1000  }
0x4b: {  	s25 =	sadd.s32 $0xFFFFFFF8, s9;
	[sflag:s19] =	ssyncset.done $0x0  }
0x4c: {  	s21 =	sadd.s32 $0x2A80, s21;
	p0 =	sgt.u32 s25, $0x4E;
	[sflag:s19] =	ssyncadd.s32 $0xFFFFF000  }
0x4d: {  	[spmem:s2] =	stream.indirect.scatter.add.f32 [tilespmem:s26], [sflag:$0xF], $0x20, s21, s14, $0xb8;
	[tilespmem:$0x11F00] =	vst v63  }
0x4e: {  	s21 =	simm.s32 @!p0 $0x8  }
0x4f: {  	_ =	swait.ge @!p0 [sflag:s21], $0x1000  }
0x50: {  	[sflag:s21] =	ssyncset.done @!p0 $0x0  }
0x51: {  	[sflag:s21] =	ssyncadd.s32 @!p0 $0xFFFFF000;
	s21 =	sshra.s32 @!p0 s3, $0x2  }
0x52: {  	s23 =	simm.s32 @!p0 $0x80;
	s25 =	simm.s32 @!p0 $0x10F00;
	s21 =	sadd.s32 @!p0 $0x2B00, s21  }
0x53: {  	[spmem:s2] =	stream.indirect.scatter.add.f32 @!p0 [tilespmem:s25], [sflag:$0x10], $0x20, s21, s23, $0xb8;
	[tilespmem:$0x11F00] =	vst v63  }
0x54: {  	p0 =	seq.s32 s3, $0x9000  }
0x55: {  	s21 =	simm.s32 @!p0 $0x9  }
0x56: {  	_ =	swait.ge @!p0 [sflag:s21], $0x1000  }
0x57: {  	[sflag:s21] =	ssyncset.done @!p0 $0x0  }
0x58: {  	[sflag:s21] =	ssyncadd.s32 @!p0 $0xFFFFF000;
	s21 =	sshra.s32 @!p0 s3, $0x2  }
0x59: {  	s23 =	simm.s32 @!p0 $0x80;
	s25 =	simm.s32 @!p0 $0x9F00;
	s21 =	sadd.s32 @!p0 $0x400, s21  }
0x5a: {  	[tilespmem:s25], [sflag:$0x1] =	stream.indirect.gather @!p0 [hbm4b:s4+s23], $0x20, s21, s23, $0xb8;
	[tilespmem:$0x11F00] =	vst v63  }
0x5b: {  	s21 =	sadd.s32 @!p0 $0xFFFFFFFA, s9  }
0x5c: {  	p1 =	sgt.u32 @!p0 s21, $0x4E  }
0x5d: {  	p1 =	por p1, p0  }
0x5e: {  	s21 =	simm.s32 @!p1 $0xA  }
0x5f: {  	_ =	swait.ge @!p1 [sflag:s21], $0x1000  }
0x60: {  	[sflag:s21] =	ssyncset.done @!p1 $0x0  }
0x61: {  	[sflag:s21] =	ssyncadd.s32 @!p1 $0xFFFFF000;
	s21 =	sshra.s32 @!p1 s3, $0x2  }
0x62: {  	s23 =	simm.s32 @!p1 $0x80;
	s25 =	simm.s32 @!p1 $0xAF00;
	s21 =	sadd.s32 @!p1 $0x480, s21  }
0x63: {  	[tilespmem:s25], [sflag:$0x2] =	stream.indirect.gather @!p1 [hbm4b:s4+s23], $0x20, s21, s23, $0xb8;
	[tilespmem:$0x11F00] =	vst v63  }
0x64: {  	s21 =	sadd.s32 @!p0 $0xFFFFFFFB, s9  }
0x65: {  	p1 =	sgt.u32 @!p0 s21, $0x4E  }
0x66: {  	p1 =	por p1, p0  }
0x67: {  	s21 =	simm.s32 @!p1 $0xB  }
0x68: {  	_ =	swait.ge @!p1 [sflag:s21], $0x1000  }
0x69: {  	[sflag:s21] =	ssyncset.done @!p1 $0x0  }
0x6a: {  	[sflag:s21] =	ssyncadd.s32 @!p1 $0xFFFFF000;
	s21 =	sshra.s32 @!p1 s3, $0x2  }
0x6b: {  	s23 =	simm.s32 @!p1 $0x80;
	s25 =	simm.s32 @!p1 $0xBF00;
	s21 =	sadd.s32 @!p1 $0x500, s21  }
0x6c: {  	[tilespmem:s25], [sflag:$0x3] =	stream.indirect.gather @!p1 [hbm4b:s4+s23], $0x20, s21, s23, $0xb8;
	[tilespmem:$0x11F00] =	vst v63  }
0x6d: {  	s21 =	sadd.s32 @!p0 $0xFFFFFFFC, s9  }
0x6e: {  	p1 =	sgt.u32 @!p0 s21, $0x4E  }
0x6f: {  	p1 =	por p1, p0  }
0x70: {  	s21 =	simm.s32 @!p1 $0xC  }
0x71: {  	_ =	swait.ge @!p1 [sflag:s21], $0x1000  }
0x72: {  	[sflag:s21] =	ssyncset.done @!p1 $0x0  }
0x73: {  	[sflag:s21] =	ssyncadd.s32 @!p1 $0xFFFFF000;
	s21 =	sshra.s32 @!p1 s3, $0x2  }
0x74: {  	s23 =	simm.s32 @!p1 $0x80;
	s25 =	simm.s32 @!p1 $0xCF00;
	s21 =	sadd.s32 @!p1 $0x580, s21  }
0x75: {  	[tilespmem:s25], [sflag:$0x4] =	stream.indirect.gather @!p1 [hbm4b:s4+s23], $0x20, s21, s23, $0xb8;
	[tilespmem:$0x11F00] =	vst v63  }
0x76: {  	s21 =	sadd.s32 @!p0 $0xFFFFFFFD, s9  }
0x77: {  	p1 =	sgt.u32 @!p0 s21, $0x4E  }
0x78: {  	p1 =	por p1, p0  }
0x79: {  	s21 =	simm.s32 @!p1 $0xD  }
0x7a: {  	_ =	swait.ge @!p1 [sflag:s21], $0x1000  }
0x7b: {  	[sflag:s21] =	ssyncset.done @!p1 $0x0  }
0x7c: {  	[sflag:s21] =	ssyncadd.s32 @!p1 $0xFFFFF000;
	s21 =	sshra.s32 @!p1 s3, $0x2  }
0x7d: {  	s23 =	simm.s32 @!p1 $0x80;
	s25 =	simm.s32 @!p1 $0xDF00;
	s21 =	sadd.s32 @!p1 $0x600, s21  }
0x7e: {  	[tilespmem:s25], [sflag:$0x5] =	stream.indirect.gather @!p1 [hbm4b:s4+s23], $0x20, s21, s23, $0xb8;
	[tilespmem:$0x11F00] =	vst v63  }
0x7f: {  	s21 =	sadd.s32 @!p0 $0xFFFFFFFE, s9  }
0x80: {  	p1 =	sgt.u32 @!p0 s21, $0x4E  }
0x81: {  	p1 =	por p1, p0  }
0x82: {  	s21 =	simm.s32 @!p1 $0xE  }
0x83: {  	_ =	swait.ge @!p1 [sflag:s21], $0x1000  }
0x84: {  	[sflag:s21] =	ssyncset.done @!p1 $0x0  }
0x85: {  	[sflag:s21] =	ssyncadd.s32 @!p1 $0xFFFFF000;
	s21 =	sshra.s32 @!p1 s3, $0x2  }
0x86: {  	s23 =	simm.s32 @!p1 $0x80;
	s25 =	simm.s32 @!p1 $0xEF00;
	s21 =	sadd.s32 @!p1 $0x680, s21  }
0x87: {  	[tilespmem:s25], [sflag:$0x6] =	stream.indirect.gather @!p1 [hbm4b:s4+s23], $0x20, s21, s23, $0xb8;
	[tilespmem:$0x11F00] =	vst v63  }
0x88: {  	s21 =	sadd.s32 @!p0 $0xFFFFFFFF, s9  }
0x89: {  	p1 =	sgt.u32 @!p0 s21, $0x4E  }
0x8a: {  	p1 =	por p1, p0  }
0x8b: {  	s21 =	simm.s32 @!p1 $0xF  }
0x8c: {  	_ =	swait.ge @!p1 [sflag:s21], $0x1000  }
0x8d: {  	[sflag:s21] =	ssyncset.done @!p1 $0x0  }
0x8e: {  	[sflag:s21] =	ssyncadd.s32 @!p1 $0xFFFFF000;
	s21 =	sshra.s32 @!p1 s3, $0x2  }
0x8f: {  	s23 =	simm.s32 @!p1 $0x80;
	s25 =	simm.s32 @!p1 $0xFF00;
	s21 =	sadd.s32 @!p1 $0x700, s21  }
0x90: {  	[tilespmem:s25], [sflag:$0x7] =	stream.indirect.gather @!p1 [hbm4b:s4+s23], $0x20, s21, s23, $0xb8;
	[tilespmem:$0x11F00] =	vst v63  }
0x91: {  	p1 =	sgt.u32 @!p0 s9, $0x4E  }
0x92: {  	p1 =	por p1, p0  }
0x93: {  	s21 =	simm.s32 @!p1 $0x10  }
0x94: {  	_ =	swait.ge @!p1 [sflag:s21], $0x1000  }
0x95: {  	[sflag:s21] =	ssyncset.done @!p1 $0x0  }
0x96: {  	s23 =	simm.s32 @!p1 $0x80;
	[sflag:s21] =	ssyncadd.s32 @!p1 $0xFFFFF000;
	s21 =	sshra.s32 @!p1 s3, $0x2  }
0x97: {  	s25 =	simm.s32 @!p1 $0x10F00;
	s3 =	sadd.s32 @!p0 $0x1000, s3;
	s21 =	sadd.s32 @!p1 $0x780, s21  }
0x98: {  	[tilespmem:s25], [sflag:$0x8] =	stream.indirect.gather @!p1 [hbm4b:s4+s23], $0x20, s21, s23, $0xb8;
	[tilespmem:$0x11F00] =	vst v63  }
0x99: {  	p1 =	sne.s32 @!p0 s3, $0xA000  }
0x9a: {  	p1 =	por p0, !p1  }
.Ltmp0:
0x9b: {  	_ = 	snop;
	(pc) =	sbr.rel @!p1 .LBB2_2-.Ltmp0, $2  }
0x9c: {  	_ =	sdelay $0x2  }
0x9d: {  	s9 =	sadd.s32 @!p0 $0x8, s9  }
0x9e: {  	s3 =	simm.s32 $0x9  }
0x9f: {  	_ =	swait.ge [sflag:s3], $0x1000  }
0xa0: {  	[sflag:s3] =	ssyncset.done $0x0  }
0xa1: {  	s9 =	simm.s32 $0xA;
	[sflag:s3] =	ssyncadd.s32 $0xFFFFF000  }
0xa2: {  	_ =	swait.ge [sflag:s9], $0x1000  }
0xa3: {  	[sflag:s9] =	ssyncset.done $0x0  }
0xa4: {  	s21 =	simm.s32 $0xB;
	[sflag:s9] =	ssyncadd.s32 $0xFFFFF000  }
0xa5: {  	_ =	swait.ge [sflag:s21], $0x1000  }
0xa6: {  	[sflag:s21] =	ssyncset.done $0x0  }
0xa7: {  	[sflag:s21] =	ssyncadd.s32 $0xFFFFF000  }
0xa8: {  	_ =	swait.ge [sflag:s28], $0x1000  }
0xa9: {  	[sflag:s28] =	ssyncset.done $0x0  }
0xaa: {  	[sflag:s28] =	ssyncadd.s32 $0xFFFFF000  }
0xab: {  	_ =	swait.ge [sflag:s29], $0x1000  }
0xac: {  	[sflag:s29] =	ssyncset.done $0x0  }
0xad: {  	[sflag:s29] =	ssyncadd.s32 $0xFFFFF000  }
0xae: {  	_ =	swait.ge [sflag:s5], $0x1000  }
0xaf: {  	[sflag:s5] =	ssyncset.done $0x0  }
0xb0: {  	[sflag:s5] =	ssyncadd.s32 $0xFFFFF000  }
0xb1: {  	_ =	swait.ge [sflag:s6], $0x1000  }
0xb2: {  	[sflag:s6] =	ssyncset.done $0x0  }
0xb3: {  	[sflag:s6] =	ssyncadd.s32 $0xFFFFF000  }
0xb4: {  	_ =	swait.ge [sflag:s7], $0x1000  }
0xb5: {  	[sflag:s7] =	ssyncset.done $0x0  }
0xb6: {  	[sflag:s7] =	ssyncadd.s32 $0xFFFFF000  }
0xb7: {  	[bflag:$0x0] =	sbarrier.arrive $0xFFFF  }
0xb8: {  	s23 =	rddreg [dreg:$0x6]  }
0xb9: {  	[hbm:s23], [sflag:s12] =	dma.local [spmem:s13], $0xA00  }
0xba: {  	_ =	swait.ge [sflag:s10], $0xA00  }
0xbb: {  	s8 =	sadd.s32 $0x1, s8;
	s25 =	rddreg [dreg:$0x7]  }
0xbc: {  	p0 =	sne.s32 s8, s25  }
.Ltmp1:
0xbd: {  	_ = 	snop;
	(pc) =	sbr.rel @p0 .LBB2_1-.Ltmp1, $3  }
0xbe: {  	_ =	sdelay $0x1  }
0xbf: {  	[sflag:s10] =	ssyncset.done $0x0  }
0xc0: {  	[sflag:s10] =	ssyncadd.s32 $0xFFFFF600  }
0xc1: {  	_ =	sfence.sel $0x180000  }
0xc2: {  	[bflag:$0x0] =	sbarrier.arrive $0xFFFF  }
0xc3: {  	_ =	strace $0x90000050  }
0xc4: {  	s0 =	stileid.u32;
	[bflag:$0x2] =	sbarrier.arrive $0xFFFF  }
0xc5: {  	p0 =	sne.s32 s0, $0x0;
	s0 =	rddreg [dreg:$0x2]  }
0xc6: {  	s0 =	sadd.s32 @!p0 $0x100000, s0  }
0xc7: {  	[sflag:s0] =	ssyncadd.tile.s32 @!p0 $0x1;
	_ =	shalt  }
.Lfunc_end2:
_tile_overlayer_lowered:
.L_overlay_start_2:
0xc8: {  	(tag) =	ssettag $0x2  }
0xc9: {  	s0 =	rddreg [dreg:$0x0];
	s2 =	stileid.u32  }
0xca: {  	s1 =	rddreg [dreg:$0x1];
	p0 =	sne.s32 s2, $0x0  }
0xcb: {  	s3 =	rddreg [dreg:$0x2];
	[bflag:$0x3] =	sbarrier.arrive $0xFFFF;
	s2 =	simm.s32 @!p0 $0x1C11  }
0xcc: {  	[timem:s3], [sflag:s2] =	dma.local @!p0 [hbm:s0], s1  }
0xcd: {  	s0 =	simm.s32 @!p0 $0x11  }
0xce: {  	_ =	swait.ge @!p0 [sflag:s0], s1  }
0xcf: {  	s1 =	ssub.s32 @!p0 $0x0, s1;
	[sflag:s0] =	ssyncset.done @!p0 $0x0  }
0xd0: {  	[sflag:s0] =	ssyncadd.s32 @!p0 s1  }
0xd1: {  	[bflag:$0x3] =	sbarrier.arrive $0xFFFF  }
0xd2: {  	_ =	shalt  }

</sc_bundles>
